<compile_context>
chip_gen: v7x
topology: tpu7x:2x2x1
jax: 0.10.2.dev20260603
libtpu: 0.0.44.dev20260713+nightly
codegen_flags: <defaults>
</compile_context>

<pallas_src>
import jax
import jax.numpy as jnp
from jax import lax
from jax.experimental import pallas as pl
from jax.experimental.pallas import tpu as pltpu
from jax.experimental.pallas import tpu_sc as plsc

N = 100000
E = 6400000
IN = 4
HID = 16

NC = 2
NS = 16
LANES = 16

PER_TILE_N = 6272
N_PAD = NS * PER_TILE_N
ROWS = N_PAD // 128

E_PER_CORE = E // NC
E_PER_TILE = E_PER_CORE // NS
CHUNK = 4000
NUM_CHUNKS = E_PER_TILE // CHUNK

_mesh = plsc.VectorSubcoreMesh(
    core_axis_name="c", subcore_axis_name="s", num_cores=NC, num_subcores=NS
)

_f32 = jnp.float32
_i32 = jnp.int32


def _zero_fill(buf, n):
    zeros = jnp.zeros((LANES,), _f32)

    def body(i, _):
        buf[pl.ds(i * LANES, LANES)] = zeros
        return 0

    lax.fori_loop(0, n // LANES, body, 0)


def _scale_joint(valsp, ewwp, chunk):
    unroll = 5

    def body(k, _):
        for u in range(unroll):
            o = (k * unroll + u) * LANES
            sl = pl.ds(o, LANES)
            w = ewwp[sl]
            for vj in valsp:
                vj[sl] = vj[sl] * w
        return 0

    lax.fori_loop(0, chunk // (unroll * LANES), body, 0)


def _l1_packed_body(xs0, xs1, xs2, xs3, src_hbm, dst_hbm, ew_hbm, out_hbm,
                    srcv0, srcv1, dstv0, dstv1, eww0, eww1,
                    g01a, g01b, g23a, g23b,
                    v0a, v0b, v1a, v1b, v2a, v2b, v3a, v3b,
                    pbufA, pbufB, packbuf,
                    esem0, esem1, gsem0, gsem1, ssem0, ssem1,
                    t01_sp, t23_sp, a0, a1, a2, a3):
    xs_hbm = (xs0, xs1, xs2, xs3)
    srcv = (srcv0, srcv1)
    dstv = (dstv0, dstv1)
    eww = (eww0, eww1)
    g01 = (g01a, g01b)
    g23 = (g23a, g23b)
    vals = ((v0a, v1a, v2a, v3a), (v0b, v1b, v2b, v3b))
    esem = (esem0, esem1)
    gsem = (gsem0, gsem1)
    ssem = (ssem0, ssem1)
    tabs_sp = (t01_sp, t23_sp)
    accs_sp = (a0, a1, a2, a3)

    c = lax.axis_index("c")
    s = lax.axis_index("s")
    tile_off = s * PER_TILE_N
    tsl = pl.ds(tile_off, PER_TILE_N)

    for j, tab in enumerate(tabs_sp):
        pltpu.sync_copy(xs_hbm[2 * j].at[tsl], pbufA)
        pltpu.sync_copy(xs_hbm[2 * j + 1].at[tsl], pbufB)

        def packloop(k, _):
            sl = pl.ds(k * LANES, LANES)
            w = plsc.pack(pbufA[sl], pbufB[sl],
                          format=plsc.PackFormat.INTERLEAVED)
            packbuf[sl] = plsc.bitcast(w, _i32)
            return 0

        lax.fori_loop(0, PER_TILE_N // LANES, packloop, 0)
        pltpu.sync_copy(packbuf, tab.at[tsl])

    _zero_fill(pbufA, PER_TILE_N)
    for a in accs_sp:
        pltpu.sync_copy(pbufA, a.at[tsl])
    plsc.subcore_barrier()

    def edge_off(i):
        off = c * E_PER_CORE + s * E_PER_TILE + i * CHUNK
        return pl.ds(pl.multiple_of(off, 8), CHUNK)

    def fire_edges(i, p):
        esl = edge_off(i)
        pltpu.async_copy(src_hbm.at[esl], srcv[p], esem[p])
        pltpu.async_copy(dst_hbm.at[esl], dstv[p], esem[p])
        pltpu.async_copy(ew_hbm.at[esl], eww[p], esem[p])

    def drain_edges(i, p):
        esl = edge_off(i)
        pltpu.make_async_copy(src_hbm.at[esl], srcv[p], esem[p]).wait()
        pltpu.make_async_copy(dst_hbm.at[esl], dstv[p], esem[p]).wait()
        pltpu.make_async_copy(ew_hbm.at[esl], eww[p], esem[p]).wait()

    def drain_scatters(p):
        for j in range(IN):
            pltpu.make_async_copy(vals[p][j], accs_sp[j].at[dstv[p]],
                                  ssem[p]).wait()

    unroll = 5

    def scale_unpack(p):
        vp = vals[p]
        ep = eww[p]
        gp01 = g01[p]
        gp23 = g23[p]

        def body(k, _):
            for u in range(unroll):
                sl = pl.ds((k * unroll + u) * LANES, LANES)
                w = ep[sl]
                f0, f1 = plsc.unpack(plsc.bitcast(gp01[sl], jnp.bfloat16),
                                     format=plsc.PackFormat.INTERLEAVED,
                                     preferred_element_type=_f32)
                f2, f3 = plsc.unpack(plsc.bitcast(gp23[sl], jnp.bfloat16),
                                     format=plsc.PackFormat.INTERLEAVED,
                                     preferred_element_type=_f32)
                vp[0][sl] = f0 * w
                vp[1][sl] = f1 * w
                vp[2][sl] = f2 * w
                vp[3][sl] = f3 * w
            return 0

        lax.fori_loop(0, CHUNK // (unroll * LANES), body, 0)

    fire_edges(0, 0)

    def outer(o, _):
        for p in (0, 1):
            iv = o * 2 + p
            drain_edges(iv, p)
            pltpu.async_copy(t01_sp.at[srcv[p]], g01[p], gsem[p])
            pltpu.async_copy(t23_sp.at[srcv[p]], g23[p], gsem[p])

            @pl.when(jnp.logical_and(iv >= 1, iv + 1 < NUM_CHUNKS))
            def _():
                drain_scatters(1 - p)

            @pl.when(iv + 1 < NUM_CHUNKS)
            def _():
                fire_edges(iv + 1, 1 - p)

            pltpu.make_async_copy(t01_sp.at[srcv[p]], g01[p], gsem[p]).wait()
            pltpu.make_async_copy(t23_sp.at[srcv[p]], g23[p], gsem[p]).wait()
            scale_unpack(p)
            for j in range(IN):
                pltpu.async_copy(vals[p][j], accs_sp[j].at[dstv[p]],
                                 ssem[p], add=True)
        return 0

    lax.fori_loop(0, NUM_CHUNKS // 2, outer, 0)
    drain_scatters(0)
    drain_scatters(1)
    plsc.subcore_barrier()
    for j, a in enumerate(accs_sp):
        pltpu.sync_copy(a.at[tsl], out_hbm.at[c, j, tsl])


_l1_packed_scratch = (
    [pltpu.VMEM((CHUNK,), _i32)] * 4
    + [pltpu.VMEM((CHUNK,), _f32)] * 2
    + [pltpu.VMEM((CHUNK,), _i32)] * 4
    + [pltpu.VMEM((CHUNK,), _f32)] * 8
    + [pltpu.VMEM((PER_TILE_N,), _f32)] * 2
    + [pltpu.VMEM((PER_TILE_N,), _i32)]
    + [pltpu.SemaphoreType.DMA] * 6
    + [pltpu.VMEM_SHARED((N_PAD,), _i32)] * 2
    + [pltpu.VMEM_SHARED((N_PAD,), _f32)] * 4
)


def _make_edge_pass(nf, chunk=CHUNK):

    num_chunks = E_PER_TILE // chunk

    def body(*refs):
        it = iter(refs)
        tabs_hbm = [next(it) for _ in range(nf)]
        src_hbm = next(it) if nf else None
        dst_hbm = next(it)
        ew_hbm = next(it)
        out_hbm = next(it)
        srcv = [next(it), next(it)] if nf else None
        dstv = [next(it), next(it)]
        eww = [next(it), next(it)]
        vals = [[next(it) for _ in range(nf)] for _ in range(2)]
        zbuf = next(it)
        esem = [next(it), next(it)]
        gsem = [next(it), next(it)] if nf else None
        ssem = [next(it), next(it)]
        tabs_sp = [next(it) for _ in range(nf)]
        accs_sp = [next(it) for _ in range(max(nf, 1))]

        c = lax.axis_index("c")
        s = lax.axis_index("s")
        tile_off = s * PER_TILE_N
        tsl = pl.ds(tile_off, PER_TILE_N)

        _zero_fill(zbuf, PER_TILE_N)
        for j in range(nf):
            pltpu.sync_copy(tabs_hbm[j].at[tsl], tabs_sp[j].at[tsl])
        for a in accs_sp:
            pltpu.sync_copy(zbuf, a.at[tsl])
        plsc.subcore_barrier()

        def edge_off(i):
            off = c * E_PER_CORE + s * E_PER_TILE + i * chunk
            return pl.ds(pl.multiple_of(off, 8), chunk)

        def fire_edges(i, p):
            esl = edge_off(i)
            if nf:
                pltpu.async_copy(src_hbm.at[esl], srcv[p], esem[p])
            pltpu.async_copy(dst_hbm.at[esl], dstv[p], esem[p])
            pltpu.async_copy(ew_hbm.at[esl], eww[p], esem[p])

        def drain_edges(i, p):
            esl = edge_off(i)
            if nf:
                pltpu.make_async_copy(src_hbm.at[esl], srcv[p], esem[p]).wait()
            pltpu.make_async_copy(dst_hbm.at[esl], dstv[p], esem[p]).wait()
            pltpu.make_async_copy(ew_hbm.at[esl], eww[p], esem[p]).wait()

        def fire_scatters(p):
            if nf:
                for j in range(nf):
                    pltpu.async_copy(vals[p][j], accs_sp[j].at[dstv[p]],
                                     ssem[p], add=True)
            else:
                pltpu.async_copy(eww[p], accs_sp[0].at[dstv[p]],
                                 ssem[p], add=True)

        def drain_scatters(p):
            if nf:
                for j in range(nf):
                    pltpu.make_async_copy(vals[p][j],
                                          accs_sp[j].at[dstv[p]],
                                          ssem[p]).wait()
            else:
                pltpu.make_async_copy(eww[p], accs_sp[0].at[dstv[p]],
                                      ssem[p]).wait()

        fire_edges(0, 0)

        def outer(o, _):
            for p in (0, 1):
                iv = o * 2 + p
                drain_edges(iv, p)
                if nf:
                    for j in range(nf):
                        pltpu.async_copy(tabs_sp[j].at[srcv[p]],
                                         vals[p][j], gsem[p])

                @pl.when(jnp.logical_and(iv >= 1, iv + 1 < num_chunks))
                def _():
                    drain_scatters(1 - p)

                @pl.when(iv + 1 < num_chunks)
                def _():
                    fire_edges(iv + 1, 1 - p)

                if nf:
                    for j in range(nf):
                        pltpu.make_async_copy(tabs_sp[j].at[srcv[p]],
                                              vals[p][j], gsem[p]).wait()
                    _scale_joint(vals[p], eww[p], chunk)
                fire_scatters(p)
            return 0

        lax.fori_loop(0, num_chunks // 2, outer, 0)
        drain_scatters(0)
        drain_scatters(1)
        plsc.subcore_barrier()
        for j, a in enumerate(accs_sp):
            if len(accs_sp) == 1:
                dst_slice = out_hbm.at[c, tsl]
            else:
                dst_slice = out_hbm.at[c, j, tsl]
            pltpu.sync_copy(a.at[tsl], dst_slice)

    return body


def _edge_pass_scratch(nf, chunk=CHUNK):
    sems = [pltpu.SemaphoreType.DMA] * (6 if nf else 4)
    return (
        ([pltpu.VMEM((chunk,), _i32)] * 2 if nf else [])
        + [pltpu.VMEM((chunk,), _i32)] * 2
        + [pltpu.VMEM((chunk,), _f32)] * 2
        + [pltpu.VMEM((chunk,), _f32)] * (2 * nf)
        + [pltpu.VMEM((PER_TILE_N,), _f32)]
        + sems
        + [pltpu.VMEM_SHARED((N_PAD,), _f32)] * nf
        + [pltpu.VMEM_SHARED((N_PAD,), _f32)] * max(nf, 1)
    )


BIG_CHUNK = 10000

_deg_call = pl.kernel(
    _make_edge_pass(0, BIG_CHUNK),
    out_type=jax.ShapeDtypeStruct((NC, N_PAD), _f32),
    mesh=_mesh,
    scratch_types=_edge_pass_scratch(0, BIG_CHUNK),
)

_l1_call = pl.kernel(
    _l1_packed_body,
    out_type=jax.ShapeDtypeStruct((NC, IN, N_PAD), _f32),
    mesh=_mesh,
    scratch_types=_l1_packed_scratch,
    compiler_params=pltpu.CompilerParams(needs_layout_passes=False),
)

_l2_call = pl.kernel(
    _make_edge_pass(1, BIG_CHUNK),
    out_type=jax.ShapeDtypeStruct((NC, N_PAD), _f32),
    mesh=_mesh,
    scratch_types=_edge_pass_scratch(1, BIG_CHUNK),
)


def _tcA(degp_ref, xT_ref, dinv_ref, xs_ref):
    deg = degp_ref[0] + degp_ref[1] + 1.0
    dinv = lax.rsqrt(deg)
    dinv_ref[...] = dinv
    for j in range(IN):
        xs_ref[j] = xT_ref[j] * dinv


def _tcB(acc1_ref, xs_ref, dinv_ref, W1_ref, b1_ref, W2_ref, ys_ref):
    dinv = dinv_ref[...]
    agg = [dinv * (acc1_ref[0, j] + acc1_ref[1, j] + xs_ref[j]) for j in range(IN)]
    y = jnp.zeros_like(dinv)
    for t in range(HID):
        h = b1_ref[t]
        for j in range(IN):
            h = h + agg[j] * W1_ref[j, t]
        y = y + jnp.maximum(h, 0.0) * W2_ref[t, 0]
    ys_ref[...] = y * dinv


def _tcC(acc2_ref, ys_ref, dinv_ref, b2_ref, out_ref):
    out_ref[...] = (
        dinv_ref[...] * (acc2_ref[0] + acc2_ref[1] + ys_ref[...]) + b2_ref[0]
    )


def _vm():
    return pl.BlockSpec(memory_space=pltpu.MemorySpace.VMEM)


def _sm():
    return pl.BlockSpec(memory_space=pltpu.MemorySpace.SMEM)


def kernel(x, edge_index, edge_weight, W1, b1, W2, b2):
    src = edge_index[0]
    dst = edge_index[1]
    ew = edge_weight

    degp = _deg_call(dst, ew)

    xT = jnp.pad(x, ((0, N_PAD - N), (0, 0))).T.reshape(IN, ROWS, 128)
    dinv, xs = pl.pallas_call(
        _tcA,
        out_shape=(
            jax.ShapeDtypeStruct((ROWS, 128), _f32),
            jax.ShapeDtypeStruct((IN, ROWS, 128), _f32),
        ),
        in_specs=[_vm(), _vm()],
        out_specs=(_vm(), _vm()),
    )(degp.reshape(NC, ROWS, 128), xT)

    xs_flat = xs.reshape(IN, N_PAD)
    acc1 = _l1_call(xs_flat[0], xs_flat[1], xs_flat[2], xs_flat[3], src, dst, ew)

    ys = pl.pallas_call(
        _tcB,
        out_shape=jax.ShapeDtypeStruct((ROWS, 128), _f32),
        in_specs=[_vm(), _vm(), _vm(), _sm(), _sm(), _sm()],
        out_specs=_vm(),
    )(acc1.reshape(NC, IN, ROWS, 128), xs, dinv, W1, b1, W2)

    acc2 = _l2_call(ys.reshape(N_PAD), src, dst, ew)

    out = pl.pallas_call(
        _tcC,
        out_shape=jax.ShapeDtypeStruct((ROWS, 128), _f32),
        in_specs=[_vm(), _vm(), _vm(), _sm()],
        out_specs=_vm(),
    )(acc2.reshape(NC, ROWS, 128), ys, dinv, b2)

    return out.reshape(-1)[:N]

# --- scband reference (transcript-rebuilt; emitter-appended) ---
"""Pipeline reference for scband-crowd-gnn-8323646619687 (READ-ONLY COPY).

The authoritative reference and input builder live on the scoring server;
editing this copy changes nothing except your own understanding.
"""

import jax, jax.numpy as jnp
import numpy as np

N = 100000
E = 6400000
IN = 4
HID = 16


def full_edges(edge_index, edge_weight):
    loop = jnp.arange(N, dtype=edge_index.dtype)
    src = jnp.concatenate([edge_index[0], loop])
    dst = jnp.concatenate([edge_index[1], loop])
    ew = jnp.concatenate([edge_weight, jnp.ones((N,), dtype=edge_weight.dtype)])
    return src, dst, ew


def gcn_conv(x, src, dst, ew, W, b):
    # PyG GCNConv: linear transform first, then symmetric-normalized aggregation
    h = x @ W
    deg = jnp.zeros((N,), dtype=x.dtype).at[dst].add(ew)
    dinv = jnp.where(deg > 0, deg ** -0.5, 0.0)
    norm = dinv[src] * ew * dinv[dst]
    msg = h[src] * norm[:, None]
    out = jnp.zeros((N, h.shape[1]), dtype=x.dtype).at[dst].add(msg)
    return out + b


def setup_inputs(seed: int = 0) -> dict:
    key = jax.random.key(seed)
    k1, k2, k3, k4, k5, k6 = jax.random.split(key, 6)
    x = jax.random.normal(k1, (N, IN), dtype=jnp.float32)
    edge_index = jax.random.randint(k2, (2, E), 0, N, dtype=jnp.int32)
    edge_weight = jax.random.uniform(k3, (E,), dtype=jnp.float32)
    W1 = jax.random.normal(k4, (IN, HID), dtype=jnp.float32) * (1.0 / np.sqrt(IN))
    b1 = jnp.zeros((HID,), dtype=jnp.float32)
    W2 = jax.random.normal(k5, (HID, 1), dtype=jnp.float32) * (1.0 / np.sqrt(HID))
    b2 = jnp.zeros((1,), dtype=jnp.float32)
    return {"x": x, "edge_index": edge_index, "edge_weight": edge_weight, "W1": W1, "b1": b1, "W2": W2, "b2": b2}


def reference(x, edge_index, edge_weight, W1, b1, W2, b2):
    src, dst, ew = full_edges(edge_index, edge_weight)
    h = jax.nn.relu(gcn_conv(x, src, dst, ew, W1, b1))
    out = gcn_conv(h, src, dst, ew, W2, b2)
    return out.reshape(-1)

if __name__ == "__main__":
    import jax
    _d = setup_inputs()
    print(jax.jit(kernel)(*tuple(_d.values())))

</pallas_src>

<mosaic_0001>
#map = affine_map<(d0, d1) -> (0)>
#map1 = affine_map<(d0, d1) -> (0, 0)>
module attributes {stable_mosaic.version = 14 : i64} {
  func.func @body(%arg0: i32, %arg1: i32, %arg2: memref<6400000xi32, #tpu.memory_space<hbm>>, %arg3: memref<6400000xf32, #tpu.memory_space<hbm>>, %arg4: memref<2x100352xf32, #tpu.memory_space<hbm>>, %arg5: memref<10000xi32, #tpu.memory_space<vmem>>, %arg6: memref<10000xi32, #tpu.memory_space<vmem>>, %arg7: memref<10000xf32, #tpu.memory_space<vmem>>, %arg8: memref<10000xf32, #tpu.memory_space<vmem>>, %arg9: memref<6272xf32, #tpu.memory_space<vmem>>, %arg10: memref<!tpu.dma_semaphore, #tpu.memory_space<semaphore_mem>>, %arg11: memref<!tpu.dma_semaphore, #tpu.memory_space<semaphore_mem>>, %arg12: memref<!tpu.dma_semaphore, #tpu.memory_space<semaphore_mem>>, %arg13: memref<!tpu.dma_semaphore, #tpu.memory_space<semaphore_mem>>, %arg14: memref<100352xf32, #tpu.memory_space<vmem_shared>>) attributes {dimension_semantics = [#tpu.dimension_semantics<core_parallel>, #tpu.dimension_semantics<subcore_parallel>], iteration_bounds = array<i64: 2, 16>, scalar_prefetch = 0 : i64, scratch_operands = 10 : i64, tpu.core_type = #tpu.core_type<sc_vector_subcore>, window_params = [{transform_indices = #map}, {transform_indices = #map}, {transform_indices = #map1}]} {
    %mul3A = arith.constant 6272 : i32
    %mul3A_0 = arith.muli %arg1, %mul3A : i32
    %broadcast_in_dim3A = arith.constant 0.000000e+00 : f32
    %broadcast_in_dim3A_1 = vector.broadcast %broadcast_in_dim3A : f32 to vector<16xf32>
    %scan3A = arith.constant 0 : i32
    %scan3A_2 = arith.constant 0 : i32
    %scan3A_3 = arith.constant 392 : i32
    %scan3A_4 = arith.addi %scan3A_2, %scan3A_3 : i32
    %scan3A_5 = arith.constant 1 : i32
    %scan3A_6 = scf.for %scan3A_28 = %scan3A_2 to %scan3A_4 step %scan3A_5 iter_args(%scan3A_29 = %scan3A) -> (i32)  : i32 {
      %mul3A_30 = arith.constant 16 : i32
      %mul3A_31 = arith.muli %scan3A_28, %mul3A_30 : i32
      %swap3A = arith.index_cast %mul3A_31 : i32 to index
      %swap3A_32 = tpu.vector_load %arg9[%swap3A] {strides = array<i32>} : memref<6272xf32, #tpu.memory_space<vmem>>, vector<16xf32>,
      %swap3A_33 = vector.shape_cast %swap3A_32 : vector<16xf32> to vector<16xf32>
      %swap3A_34 = vector.shape_cast %broadcast_in_dim3A_1 : vector<16xf32> to vector<16xf32>
      tpu.vector_store %arg9[%swap3A], %swap3A_34 {strides = array<i32>} : memref<6272xf32, #tpu.memory_space<vmem>>, vector<16xf32>,
      %scan3A_35 = arith.constant 0 : i32
      scf.yield %scan3A_35 : i32
    }
    %scan3A_7 = arith.constant 392 : i32
    "tpu.region"() ({
      %run_scoped3A = tpu.sem_alloc : memref<!tpu.dma_semaphore, #tpu.memory_space<semaphore_mem>>
      %dma_start3A_28 = tpu.memref_slice %arg14[%mul3A_0] : memref<100352xf32, #tpu.memory_space<vmem_shared>> -> memref<6272xf32, #tpu.memory_space<vmem_shared>>
      %dma_start3A_29 = tpu.memref_slice %arg14[%mul3A_0] : memref<100352xf32, #tpu.memory_space<vmem_shared>> -> memref<6272xf32, #tpu.memory_space<vmem_shared>>
      tpu.enqueue_dma source(%arg9 : memref<6272xf32, #tpu.memory_space<vmem>>) target(%dma_start3A_29 : memref<6272xf32, #tpu.memory_space<vmem_shared>>) target_semaphore(%run_scoped3A : memref<!tpu.dma_semaphore, #tpu.memory_space<semaphore_mem>>)
      %dma_wait3A_30 = tpu.memref_slice %arg14[%mul3A_0] : memref<100352xf32, #tpu.memory_space<vmem_shared>> -> memref<6272xf32, #tpu.memory_space<vmem_shared>>
      %dma_wait3A_31 = tpu.memref_slice %arg14[%mul3A_0] : memref<100352xf32, #tpu.memory_space<vmem_shared>> -> memref<6272xf32, #tpu.memory_space<vmem_shared>>
      tpu.wait_dma2 semaphore(%run_scoped3A : memref<!tpu.dma_semaphore, #tpu.memory_space<semaphore_mem>>) src(%arg9 : memref<6272xf32, #tpu.memory_space<vmem>>) dst(%dma_wait3A_31 : memref<6272xf32, #tpu.memory_space<vmem_shared>>)
      tpu.yield
    }) : () -> ()
    %barrier3A = arith.constant 0 : index
    tpu.barrier barrier_id(%barrier3A)
    %mul3A_8 = arith.constant 3200000 : i32
    %mul3A_9 = arith.muli %arg0, %mul3A_8 : i32
    %mul3A_10 = arith.constant 200000 : i32
    %mul3A_11 = arith.muli %arg1, %mul3A_10 : i32
    %add3A = arith.addi %mul3A_9, %mul3A_11 : i32
    %add3A_12 = arith.constant 0 : i32
    %add3A_13 = arith.addi %add3A, %add3A_12 : i32
    %multiple_of3A = tpu.assume_multiple %add3A_13, 8 : i32
    %dma_start3A = tpu.memref_slice %arg2[%multiple_of3A] : memref<6400000xi32, #tpu.memory_space<hbm>> -> memref<10000xi32, #tpu.memory_space<hbm>>
    %dma_start3A_14 = tpu.memref_slice %arg2[%multiple_of3A] : memref<6400000xi32, #tpu.memory_space<hbm>> -> memref<10000xi32, #tpu.memory_space<hbm>>
    tpu.enqueue_dma source(%dma_start3A_14 : memref<10000xi32, #tpu.memory_space<hbm>>) target(%arg5 : memref<10000xi32, #tpu.memory_space<vmem>>) target_semaphore(%arg10 : memref<!tpu.dma_semaphore, #tpu.memory_space<semaphore_mem>>)
    %dma_start3A_15 = tpu.memref_slice %arg3[%multiple_of3A] : memref<6400000xf32, #tpu.memory_space<hbm>> -> memref<10000xf32, #tpu.memory_space<hbm>>
    %dma_start3A_16 = tpu.memref_slice %arg3[%multiple_of3A] : memref<6400000xf32, #tpu.memory_space<hbm>> -> memref<10000xf32, #tpu.memory_space<hbm>>
    tpu.enqueue_dma source(%dma_start3A_16 : memref<10000xf32, #tpu.memory_space<hbm>>) target(%arg7 : memref<10000xf32, #tpu.memory_space<vmem>>) target_semaphore(%arg10 : memref<!tpu.dma_semaphore, #tpu.memory_space<semaphore_mem>>)
    %scan3A_17 = arith.constant 0 : i32
    %scan3A_18 = arith.constant 0 : i32
    %scan3A_19 = arith.constant 10 : i32
    %scan3A_20 = arith.addi %scan3A_18, %scan3A_19 : i32
    %scan3A_21 = arith.constant 1 : i32
    %scan3A_22 = scf.for %scan3A_28 = %scan3A_18 to %scan3A_20 step %scan3A_21 iter_args(%scan3A_29 = %scan3A_17) -> (i32)  : i32 {
      %mul3A_30 = arith.constant 2 : i32
      %mul3A_31 = arith.muli %scan3A_28, %mul3A_30 : i32
      %add3A_32 = arith.constant 0 : i32
      %add3A_33 = arith.addi %mul3A_31, %add3A_32 : i32
      %mul3A_34 = arith.constant 3200000 : i32
      %mul3A_35 = arith.muli %arg0, %mul3A_34 : i32
      %mul3A_36 = arith.constant 200000 : i32
      %mul3A_37 = arith.muli %arg1, %mul3A_36 : i32
      %add3A_38 = arith.addi %mul3A_35, %mul3A_37 : i32
      %mul3A_39 = arith.constant 10000 : i32
      %mul3A_40 = arith.muli %add3A_33, %mul3A_39 : i32
      %add3A_41 = arith.addi %add3A_38, %mul3A_40 : i32
      %multiple_of3A_42 = tpu.assume_multiple %add3A_41, 8 : i32
      %dma_wait3A_43 = tpu.memref_slice %arg2[%multiple_of3A_42] : memref<6400000xi32, #tpu.memory_space<hbm>> -> memref<10000xi32, #tpu.memory_space<hbm>>
      %dma_wait3A_44 = tpu.memref_slice %arg2[%multiple_of3A_42] : memref<6400000xi32, #tpu.memory_space<hbm>> -> memref<10000xi32, #tpu.memory_space<hbm>>
      tpu.wait_dma2 semaphore(%arg10 : memref<!tpu.dma_semaphore, #tpu.memory_space<semaphore_mem>>) src(%dma_wait3A_44 : memref<10000xi32, #tpu.memory_space<hbm>>) dst(%arg5 : memref<10000xi32, #tpu.memory_space<vmem>>)
      %dma_wait3A_45 = tpu.memref_slice %arg3[%multiple_of3A_42] : memref<6400000xf32, #tpu.memory_space<hbm>> -> memref<10000xf32, #tpu.memory_space<hbm>>
      %dma_wait3A_46 = tpu.memref_slice %arg3[%multiple_of3A_42] : memref<6400000xf32, #tpu.memory_space<hbm>> -> memref<10000xf32, #tpu.memory_space<hbm>>
      tpu.wait_dma2 semaphore(%arg10 : memref<!tpu.dma_semaphore, #tpu.memory_space<semaphore_mem>>) src(%dma_wait3A_46 : memref<10000xf32, #tpu.memory_space<hbm>>) dst(%arg7 : memref<10000xf32, #tpu.memory_space<vmem>>)
      %ge3A = arith.constant 1 : i32
      %ge3A_47 = arith.cmpi sge, %add3A_33, %ge3A : i32
      %add3A_48 = arith.constant 1 : i32
      %add3A_49 = arith.addi %add3A_33, %add3A_48 : i32
      %lt3A = arith.constant 20 : i32
      %lt3A_50 = arith.cmpi slt, %add3A_49, %lt3A : i32
      %and3A = arith.andi %ge3A_47, %lt3A_50 : i1
      %convert_element_type3A = arith.extui %and3A : i1 to i32
      %cond3A = arith.constant 0 : i32
      %cond3A_51 = arith.cmpi ne, %convert_element_type3A, %cond3A : i32
      scf.if %cond3A_51 {
        %dma_wait3A_98 = arith.constant 0 : i32
        %dma_wait3A_99 = tpu.memref_slice %arg14[%dma_wait3A_98] : memref<100352xf32, #tpu.memory_space<vmem_shared>> -> memref<100352xf32, #tpu.memory_space<vmem_shared>>
        tpu.wait_indirect_dma semaphore(%arg13 : memref<!tpu.dma_semaphore, #tpu.memory_space<semaphore_mem>>) src(%arg8 : memref<10000xf32, #tpu.memory_space<vmem>>) dst(%dma_wait3A_99 : memref<100352xf32, #tpu.memory_space<vmem_shared>>)
      } else {
      }
      %add3A_52 = arith.constant 1 : i32
      %add3A_53 = arith.addi %add3A_33, %add3A_52 : i32
      %lt3A_54 = arith.constant 20 : i32
      %lt3A_55 = arith.cmpi slt, %add3A_53, %lt3A_54 : i32
      %convert_element_type3A_56 = arith.extui %lt3A_55 : i1 to i32
      %cond3A_57 = arith.constant 0 : i32
      %cond3A_58 = arith.cmpi ne, %convert_element_type3A_56, %cond3A_57 : i32
      scf.if %cond3A_58 {
        %add3A_98 = arith.constant 1 : i32
        %add3A_99 = arith.addi %add3A_33, %add3A_98 : i32
        %mul3A_100 = arith.constant 3200000 : i32
        %mul3A_101 = arith.muli %arg0, %mul3A_100 : i32
        %mul3A_102 = arith.constant 200000 : i32
        %mul3A_103 = arith.muli %arg1, %mul3A_102 : i32
        %add3A_104 = arith.addi %mul3A_101, %mul3A_103 : i32
        %mul3A_105 = arith.constant 10000 : i32
        %mul3A_106 = arith.muli %add3A_99, %mul3A_105 : i32
        %add3A_107 = arith.addi %add3A_104, %mul3A_106 : i32
        %multiple_of3A_108 = tpu.assume_multiple %add3A_107, 8 : i32
        %dma_start3A_109 = tpu.memref_slice %arg2[%multiple_of3A_108] : memref<6400000xi32, #tpu.memory_space<hbm>> -> memref<10000xi32, #tpu.memory_space<hbm>>
        %dma_start3A_110 = tpu.memref_slice %arg2[%multiple_of3A_108] : memref<6400000xi32, #tpu.memory_space<hbm>> -> memref<10000xi32, #tpu.memory_space<hbm>>
        tpu.enqueue_dma source(%dma_start3A_110 : memref<10000xi32, #tpu.memory_space<hbm>>) target(%arg6 : memref<10000xi32, #tpu.memory_space<vmem>>) target_semaphore(%arg11 : memref<!tpu.dma_semaphore, #tpu.memory_space<semaphore_mem>>)
        %dma_start3A_111 = tpu.memref_slice %arg3[%multiple_of3A_108] : memref<6400000xf32, #tpu.memory_space<hbm>> -> memref<10000xf32, #tpu.memory_space<hbm>>
        %dma_start3A_112 = tpu.memref_slice %arg3[%multiple_of3A_108] : memref<6400000xf32, #tpu.memory_space<hbm>> -> memref<10000xf32, #tpu.memory_space<hbm>>
        tpu.enqueue_dma source(%dma_start3A_112 : memref<10000xf32, #tpu.memory_space<hbm>>) target(%arg8 : memref<10000xf32, #tpu.memory_space<vmem>>) target_semaphore(%arg11 : memref<!tpu.dma_semaphore, #tpu.memory_space<semaphore_mem>>)
      } else {
      }
      %dma_start3A_59 = arith.constant 0 : i32
      %dma_start3A_60 = tpu.memref_slice %arg14[%dma_start3A_59] : memref<100352xf32, #tpu.memory_space<vmem_shared>> -> memref<100352xf32, #tpu.memory_space<vmem_shared>>
      tpu.enqueue_indirect_dma source(%arg7 : memref<10000xf32, #tpu.memory_space<vmem>>) target(%dma_start3A_60 : memref<100352xf32, #tpu.memory_space<vmem_shared>>) offsets(%arg5 : memref<10000xi32, #tpu.memory_space<vmem>>) semaphore(%arg12 : memref<!tpu.dma_semaphore, #tpu.memory_space<semaphore_mem>>) {add = true}
      %mul3A_61 = arith.constant 2 : i32
      %mul3A_62 = arith.muli %scan3A_28, %mul3A_61 : i32
      %add3A_63 = arith.constant 1 : i32
      %add3A_64 = arith.addi %mul3A_62, %add3A_63 : i32
      %mul3A_65 = arith.constant 3200000 : i32
      %mul3A_66 = arith.muli %arg0, %mul3A_65 : i32
      %mul3A_67 = arith.constant 200000 : i32
      %mul3A_68 = arith.muli %arg1, %mul3A_67 : i32
      %add3A_69 = arith.addi %mul3A_66, %mul3A_68 : i32
      %mul3A_70 = arith.constant 10000 : i32
      %mul3A_71 = arith.muli %add3A_64, %mul3A_70 : i32
      %add3A_72 = arith.addi %add3A_69, %mul3A_71 : i32
      %multiple_of3A_73 = tpu.assume_multiple %add3A_72, 8 : i32
      %dma_wait3A_74 = tpu.memref_slice %arg2[%multiple_of3A_73] : memref<6400000xi32, #tpu.memory_space<hbm>> -> memref<10000xi32, #tpu.memory_space<hbm>>
      %dma_wait3A_75 = tpu.memref_slice %arg2[%multiple_of3A_73] : memref<6400000xi32, #tpu.memory_space<hbm>> -> memref<10000xi32, #tpu.memory_space<hbm>>
      tpu.wait_dma2 semaphore(%arg11 : memref<!tpu.dma_semaphore, #tpu.memory_space<semaphore_mem>>) src(%dma_wait3A_75 : memref<10000xi32, #tpu.memory_space<hbm>>) dst(%arg6 : memref<10000xi32, #tpu.memory_space<vmem>>)
      %dma_wait3A_76 = tpu.memref_slice %arg3[%multiple_of3A_73] : memref<6400000xf32, #tpu.memory_space<hbm>> -> memref<10000xf32, #tpu.memory_space<hbm>>
      %dma_wait3A_77 = tpu.memref_slice %arg3[%multiple_of3A_73] : memref<6400000xf32, #tpu.memory_space<hbm>> -> memref<10000xf32, #tpu.memory_space<hbm>>
      tpu.wait_dma2 semaphore(%arg11 : memref<!tpu.dma_semaphore, #tpu.memory_space<semaphore_mem>>) src(%dma_wait3A_77 : memref<10000xf32, #tpu.memory_space<hbm>>) dst(%arg8 : memref<10000xf32, #tpu.memory_space<vmem>>)
      %ge3A_78 = arith.constant 1 : i32
      %ge3A_79 = arith.cmpi sge, %add3A_64, %ge3A_78 : i32
      %add3A_80 = arith.constant 1 : i32
      %add3A_81 = arith.addi %add3A_64, %add3A_80 : i32
      %lt3A_82 = arith.constant 20 : i32
      %lt3A_83 = arith.cmpi slt, %add3A_81, %lt3A_82 : i32
      %and3A_84 = arith.andi %ge3A_79, %lt3A_83 : i1
      %convert_element_type3A_85 = arith.extui %and3A_84 : i1 to i32
      %cond3A_86 = arith.constant 0 : i32
      %cond3A_87 = arith.cmpi ne, %convert_element_type3A_85, %cond3A_86 : i32
      scf.if %cond3A_87 {
        %dma_wait3A_98 = arith.constant 0 : i32
        %dma_wait3A_99 = tpu.memref_slice %arg14[%dma_wait3A_98] : memref<100352xf32, #tpu.memory_space<vmem_shared>> -> memref<100352xf32, #tpu.memory_space<vmem_shared>>
        tpu.wait_indirect_dma semaphore(%arg12 : memref<!tpu.dma_semaphore, #tpu.memory_space<semaphore_mem>>) src(%arg7 : memref<10000xf32, #tpu.memory_space<vmem>>) dst(%dma_wait3A_99 : memref<100352xf32, #tpu.memory_space<vmem_shared>>)
      } else {
      }
      %add3A_88 = arith.constant 1 : i32
      %add3A_89 = arith.addi %add3A_64, %add3A_88 : i32
      %lt3A_90 = arith.constant 20 : i32
      %lt3A_91 = arith.cmpi slt, %add3A_89, %lt3A_90 : i32
      %convert_element_type3A_92 = arith.extui %lt3A_91 : i1 to i32
      %cond3A_93 = arith.constant 0 : i32
      %cond3A_94 = arith.cmpi ne, %convert_element_type3A_92, %cond3A_93 : i32
      scf.if %cond3A_94 {
        %add3A_98 = arith.constant 1 : i32
        %add3A_99 = arith.addi %add3A_64, %add3A_98 : i32
        %mul3A_100 = arith.constant 3200000 : i32
        %mul3A_101 = arith.muli %arg0, %mul3A_100 : i32
        %mul3A_102 = arith.constant 200000 : i32
        %mul3A_103 = arith.muli %arg1, %mul3A_102 : i32
        %add3A_104 = arith.addi %mul3A_101, %mul3A_103 : i32
        %mul3A_105 = arith.constant 10000 : i32
        %mul3A_106 = arith.muli %add3A_99, %mul3A_105 : i32
        %add3A_107 = arith.addi %add3A_104, %mul3A_106 : i32
        %multiple_of3A_108 = tpu.assume_multiple %add3A_107, 8 : i32
        %dma_start3A_109 = tpu.memref_slice %arg2[%multiple_of3A_108] : memref<6400000xi32, #tpu.memory_space<hbm>> -> memref<10000xi32, #tpu.memory_space<hbm>>
        %dma_start3A_110 = tpu.memref_slice %arg2[%multiple_of3A_108] : memref<6400000xi32, #tpu.memory_space<hbm>> -> memref<10000xi32, #tpu.memory_space<hbm>>
        tpu.enqueue_dma source(%dma_start3A_110 : memref<10000xi32, #tpu.memory_space<hbm>>) target(%arg5 : memref<10000xi32, #tpu.memory_space<vmem>>) target_semaphore(%arg10 : memref<!tpu.dma_semaphore, #tpu.memory_space<semaphore_mem>>)
        %dma_start3A_111 = tpu.memref_slice %arg3[%multiple_of3A_108] : memref<6400000xf32, #tpu.memory_space<hbm>> -> memref<10000xf32, #tpu.memory_space<hbm>>
        %dma_start3A_112 = tpu.memref_slice %arg3[%multiple_of3A_108] : memref<6400000xf32, #tpu.memory_space<hbm>> -> memref<10000xf32, #tpu.memory_space<hbm>>
        tpu.enqueue_dma source(%dma_start3A_112 : memref<10000xf32, #tpu.memory_space<hbm>>) target(%arg7 : memref<10000xf32, #tpu.memory_space<vmem>>) target_semaphore(%arg10 : memref<!tpu.dma_semaphore, #tpu.memory_space<semaphore_mem>>)
      } else {
      }
      %dma_start3A_95 = arith.constant 0 : i32
      %dma_start3A_96 = tpu.memref_slice %arg14[%dma_start3A_95] : memref<100352xf32, #tpu.memory_space<vmem_shared>> -> memref<100352xf32, #tpu.memory_space<vmem_shared>>
      tpu.enqueue_indirect_dma source(%arg8 : memref<10000xf32, #tpu.memory_space<vmem>>) target(%dma_start3A_96 : memref<100352xf32, #tpu.memory_space<vmem_shared>>) offsets(%arg6 : memref<10000xi32, #tpu.memory_space<vmem>>) semaphore(%arg13 : memref<!tpu.dma_semaphore, #tpu.memory_space<semaphore_mem>>) {add = true}
      %scan3A_97 = arith.constant 0 : i32
      scf.yield %scan3A_97 : i32
    }
    %scan3A_23 = arith.constant 10 : i32
    %dma_wait3A = arith.constant 0 : i32
    %dma_wait3A_24 = tpu.memref_slice %arg14[%dma_wait3A] : memref<100352xf32, #tpu.memory_space<vmem_shared>> -> memref<100352xf32, #tpu.memory_space<vmem_shared>>
    tpu.wait_indirect_dma semaphore(%arg12 : memref<!tpu.dma_semaphore, #tpu.memory_space<semaphore_mem>>) src(%arg7 : memref<10000xf32, #tpu.memory_space<vmem>>) dst(%dma_wait3A_24 : memref<100352xf32, #tpu.memory_space<vmem_shared>>)
    %dma_wait3A_25 = arith.constant 0 : i32
    %dma_wait3A_26 = tpu.memref_slice %arg14[%dma_wait3A_25] : memref<100352xf32, #tpu.memory_space<vmem_shared>> -> memref<100352xf32, #tpu.memory_space<vmem_shared>>
    tpu.wait_indirect_dma semaphore(%arg13 : memref<!tpu.dma_semaphore, #tpu.memory_space<semaphore_mem>>) src(%arg8 : memref<10000xf32, #tpu.memory_space<vmem>>) dst(%dma_wait3A_26 : memref<100352xf32, #tpu.memory_space<vmem_shared>>)
    %barrier3A_27 = arith.constant 0 : index
    tpu.barrier barrier_id(%barrier3A_27)
    "tpu.region"() ({
      %run_scoped3A = tpu.sem_alloc : memref<!tpu.dma_semaphore, #tpu.memory_space<semaphore_mem>>
      %dma_start3A_28 = tpu.memref_slice %arg4[%arg0, %mul3A_0] : memref<2x100352xf32, #tpu.memory_space<hbm>> -> memref<1x6272xf32, #tpu.memory_space<hbm>>
      %dma_start3A_29 = tpu.memref_squeeze %dma_start3A_28 : memref<1x6272xf32, #tpu.memory_space<hbm>> -> memref<6272xf32, #tpu.memory_space<hbm>>
      %dma_start3A_30 = tpu.memref_slice %arg14[%mul3A_0] : memref<100352xf32, #tpu.memory_space<vmem_shared>> -> memref<6272xf32, #tpu.memory_space<vmem_shared>>
      tpu.enqueue_dma source(%dma_start3A_30 : memref<6272xf32, #tpu.memory_space<vmem_shared>>) target(%dma_start3A_29 : memref<6272xf32, #tpu.memory_space<hbm>>) target_semaphore(%run_scoped3A : memref<!tpu.dma_semaphore, #tpu.memory_space<semaphore_mem>>)
      %dma_wait3A_31 = tpu.memref_slice %arg4[%arg0, %mul3A_0] : memref<2x100352xf32, #tpu.memory_space<hbm>> -> memref<1x6272xf32, #tpu.memory_space<hbm>>
      %dma_wait3A_32 = tpu.memref_squeeze %dma_wait3A_31 : memref<1x6272xf32, #tpu.memory_space<hbm>> -> memref<6272xf32, #tpu.memory_space<hbm>>
      %dma_wait3A_33 = tpu.memref_slice %arg14[%mul3A_0] : memref<100352xf32, #tpu.memory_space<vmem_shared>> -> memref<6272xf32, #tpu.memory_space<vmem_shared>>
      tpu.wait_dma2 semaphore(%run_scoped3A : memref<!tpu.dma_semaphore, #tpu.memory_space<semaphore_mem>>) src(%dma_wait3A_33 : memref<6272xf32, #tpu.memory_space<vmem_shared>>) dst(%dma_wait3A_32 : memref<6272xf32, #tpu.memory_space<hbm>>)
      tpu.yield
    }) : () -> ()
    return
  }
}

#map = affine_map<(d0, d1) -> (0)>
#map1 = affine_map<(d0, d1) -> (0, 0, 0)>
module attributes {stable_mosaic.version = 14 : i64} {
  func.func @_l1_packed_body(%arg0: i32, %arg1: i32, %arg2: memref<100352xf32, #tpu.memory_space<hbm>>, %arg3: memref<100352xf32, #tpu.memory_space<hbm>>, %arg4: memref<100352xf32, #tpu.memory_space<hbm>>, %arg5: memref<100352xf32, #tpu.memory_space<hbm>>, %arg6: memref<6400000xi32, #tpu.memory_space<hbm>>, %arg7: memref<6400000xi32, #tpu.memory_space<hbm>>, %arg8: memref<6400000xf32, #tpu.memory_space<hbm>>, %arg9: memref<2x4x100352xf32, #tpu.memory_space<hbm>>, %arg10: memref<4000xi32, #tpu.memory_space<vmem>>, %arg11: memref<4000xi32, #tpu.memory_space<vmem>>, %arg12: memref<4000xi32, #tpu.memory_space<vmem>>, %arg13: memref<4000xi32, #tpu.memory_space<vmem>>, %arg14: memref<4000xf32, #tpu.memory_space<vmem>>, %arg15: memref<4000xf32, #tpu.memory_space<vmem>>, %arg16: memref<4000xi32, #tpu.memory_space<vmem>>, %arg17: memref<4000xi32, #tpu.memory_space<vmem>>, %arg18: memref<4000xi32, #tpu.memory_space<vmem>>, %arg19: memref<4000xi32, #tpu.memory_space<vmem>>, %arg20: memref<4000xf32, #tpu.memory_space<vmem>>, %arg21: memref<4000xf32, #tpu.memory_space<vmem>>, %arg22: memref<4000xf32, #tpu.memory_space<vmem>>, %arg23: memref<4000xf32, #tpu.memory_space<vmem>>, %arg24: memref<4000xf32, #tpu.memory_space<vmem>>, %arg25: memref<4000xf32, #tpu.memory_space<vmem>>, %arg26: memref<4000xf32, #tpu.memory_space<vmem>>, %arg27: memref<4000xf32, #tpu.memory_space<vmem>>, %arg28: memref<6272xf32, #tpu.memory_space<vmem>>, %arg29: memref<6272xf32, #tpu.memory_space<vmem>>, %arg30: memref<6272xi32, #tpu.memory_space<vmem>>, %arg31: memref<!tpu.dma_semaphore, #tpu.memory_space<semaphore_mem>>, %arg32: memref<!tpu.dma_semaphore, #tpu.memory_space<semaphore_mem>>, %arg33: memref<!tpu.dma_semaphore, #tpu.memory_space<semaphore_mem>>, %arg34: memref<!tpu.dma_semaphore, #tpu.memory_space<semaphore_mem>>, %arg35: memref<!tpu.dma_semaphore, #tpu.memory_space<semaphore_mem>>, %arg36: memref<!tpu.dma_semaphore, #tpu.memory_space<semaphore_mem>>, %arg37: memref<100352xi32, #tpu.memory_space<vmem_shared>>, %arg38: memref<100352xi32, #tpu.memory_space<vmem_shared>>, %arg39: memref<100352xf32, #tpu.memory_space<vmem_shared>>, %arg40: memref<100352xf32, #tpu.memory_space<vmem_shared>>, %arg41: memref<100352xf32, #tpu.memory_space<vmem_shared>>, %arg42: memref<100352xf32, #tpu.memory_space<vmem_shared>>) attributes {dimension_semantics = [#tpu.dimension_semantics<core_parallel>, #tpu.dimension_semantics<subcore_parallel>], iteration_bounds = array<i64: 2, 16>, scalar_prefetch = 0 : i64, scratch_operands = 33 : i64, tpu.core_type = #tpu.core_type<sc_vector_subcore>, window_params = [{transform_indices = #map}, {transform_indices = #map}, {transform_indices = #map}, {transform_indices = #map}, {transform_indices = #map}, {transform_indices = #map}, {transform_indices = #map}, {transform_indices = #map1}]} {
    %mul3A = arith.constant 6272 : i32
    %mul3A_0 = arith.muli %arg1, %mul3A : i32
    "tpu.region"() ({
      %run_scoped3A_59 = tpu.sem_alloc : memref<!tpu.dma_semaphore, #tpu.memory_space<semaphore_mem>>
      %dma_start3A_60 = tpu.memref_slice %arg2[%mul3A_0] : memref<100352xf32, #tpu.memory_space<hbm>> -> memref<6272xf32, #tpu.memory_space<hbm>>
      %dma_start3A_61 = tpu.memref_slice %arg2[%mul3A_0] : memref<100352xf32, #tpu.memory_space<hbm>> -> memref<6272xf32, #tpu.memory_space<hbm>>
      tpu.enqueue_dma source(%dma_start3A_61 : memref<6272xf32, #tpu.memory_space<hbm>>) target(%arg28 : memref<6272xf32, #tpu.memory_space<vmem>>) target_semaphore(%run_scoped3A_59 : memref<!tpu.dma_semaphore, #tpu.memory_space<semaphore_mem>>)
      %dma_wait3A_62 = tpu.memref_slice %arg2[%mul3A_0] : memref<100352xf32, #tpu.memory_space<hbm>> -> memref<6272xf32, #tpu.memory_space<hbm>>
      %dma_wait3A_63 = tpu.memref_slice %arg2[%mul3A_0] : memref<100352xf32, #tpu.memory_space<hbm>> -> memref<6272xf32, #tpu.memory_space<hbm>>
      tpu.wait_dma2 semaphore(%run_scoped3A_59 : memref<!tpu.dma_semaphore, #tpu.memory_space<semaphore_mem>>) src(%dma_wait3A_63 : memref<6272xf32, #tpu.memory_space<hbm>>) dst(%arg28 : memref<6272xf32, #tpu.memory_space<vmem>>)
      tpu.yield
    }) : () -> ()
    "tpu.region"() ({
      %run_scoped3A_59 = tpu.sem_alloc : memref<!tpu.dma_semaphore, #tpu.memory_space<semaphore_mem>>
      %dma_start3A_60 = tpu.memref_slice %arg3[%mul3A_0] : memref<100352xf32, #tpu.memory_space<hbm>> -> memref<6272xf32, #tpu.memory_space<hbm>>
      %dma_start3A_61 = tpu.memref_slice %arg3[%mul3A_0] : memref<100352xf32, #tpu.memory_space<hbm>> -> memref<6272xf32, #tpu.memory_space<hbm>>
      tpu.enqueue_dma source(%dma_start3A_61 : memref<6272xf32, #tpu.memory_space<hbm>>) target(%arg29 : memref<6272xf32, #tpu.memory_space<vmem>>) target_semaphore(%run_scoped3A_59 : memref<!tpu.dma_semaphore, #tpu.memory_space<semaphore_mem>>)
      %dma_wait3A_62 = tpu.memref_slice %arg3[%mul3A_0] : memref<100352xf32, #tpu.memory_space<hbm>> -> memref<6272xf32, #tpu.memory_space<hbm>>
      %dma_wait3A_63 = tpu.memref_slice %arg3[%mul3A_0] : memref<100352xf32, #tpu.memory_space<hbm>> -> memref<6272xf32, #tpu.memory_space<hbm>>
      tpu.wait_dma2 semaphore(%run_scoped3A_59 : memref<!tpu.dma_semaphore, #tpu.memory_space<semaphore_mem>>) src(%dma_wait3A_63 : memref<6272xf32, #tpu.memory_space<hbm>>) dst(%arg29 : memref<6272xf32, #tpu.memory_space<vmem>>)
      tpu.yield
    }) : () -> ()
    %scan3A = arith.constant 0 : i32
    %scan3A_1 = arith.constant 0 : i32
    %scan3A_2 = arith.constant 392 : i32
    %scan3A_3 = arith.addi %scan3A_1, %scan3A_2 : i32
    %scan3A_4 = arith.constant 1 : i32
    %scan3A_5 = scf.for %scan3A_59 = %scan3A_1 to %scan3A_3 step %scan3A_4 iter_args(%scan3A_60 = %scan3A) -> (i32)  : i32 {
      %mul3A_61 = arith.constant 16 : i32
      %mul3A_62 = arith.muli %scan3A_59, %mul3A_61 : i32
      %get3A = arith.index_cast %mul3A_62 : i32 to index
      %get3A_63 = tpu.vector_load %arg28[%get3A] {strides = array<i32>} : memref<6272xf32, #tpu.memory_space<vmem>>, vector<16xf32>,
      %get3A_64 = arith.index_cast %mul3A_62 : i32 to index
      %get3A_65 = tpu.vector_load %arg29[%get3A_64] {strides = array<i32>} : memref<6272xf32, #tpu.memory_space<vmem>>, vector<16xf32>,
      %pack3A = tpu.pack_subelements %get3A_63, %get3A_65 {pack_format = #tpu.pack_format<interleaved>, positions = array<i32: 0, 1>} : vector<16xf32>, vector<16xf32> -> vector<32xbf16>
      %bitcast3A = vector.bitcast %pack3A : vector<32xbf16> to vector<16xi32>
      %swap3A = arith.index_cast %mul3A_62 : i32 to index
      %swap3A_66 = tpu.vector_load %arg30[%swap3A] {strides = array<i32>} : memref<6272xi32, #tpu.memory_space<vmem>>, vector<16xi32>,
      tpu.vector_store %arg30[%swap3A], %bitcast3A {strides = array<i32>} : memref<6272xi32, #tpu.memory_space<vmem>>, vector<16xi32>,
      %scan3A_67 = arith.constant 0 : i32
      scf.yield %scan3A_67 : i32
    }
    %scan3A_6 = arith.constant 392 : i32
    "tpu.region"() ({
      %run_scoped3A_59 = tpu.sem_alloc : memref<!tpu.dma_semaphore, #tpu.memory_space<semaphore_mem>>
      %dma_start3A_60 = tpu.memref_slice %arg37[%mul3A_0] : memref<100352xi32, #tpu.memory_space<vmem_shared>> -> memref<6272xi32, #tpu.memory_space<vmem_shared>>
      %dma_start3A_61 = tpu.memref_slice %arg37[%mul3A_0] : memref<100352xi32, #tpu.memory_space<vmem_shared>> -> memref<6272xi32, #tpu.memory_space<vmem_shared>>
      tpu.enqueue_dma source(%arg30 : memref<6272xi32, #tpu.memory_space<vmem>>) target(%dma_start3A_61 : memref<6272xi32, #tpu.memory_space<vmem_shared>>) target_semaphore(%run_scoped3A_59 : memref<!tpu.dma_semaphore, #tpu.memory_space<semaphore_mem>>)
      %dma_wait3A_62 = tpu.memref_slice %arg37[%mul3A_0] : memref<100352xi32, #tpu.memory_space<vmem_shared>> -> memref<6272xi32, #tpu.memory_space<vmem_shared>>
      %dma_wait3A_63 = tpu.memref_slice %arg37[%mul3A_0] : memref<100352xi32, #tpu.memory_space<vmem_shared>> -> memref<6272xi32, #tpu.memory_space<vmem_shared>>
      tpu.wait_dma2 semaphore(%run_scoped3A_59 : memref<!tpu.dma_semaphore, #tpu.memory_space<semaphore_mem>>) src(%arg30 : memref<6272xi32, #tpu.memory_space<vmem>>) dst(%dma_wait3A_63 : memref<6272xi32, #tpu.memory_space<vmem_shared>>)
      tpu.yield
    }) : () -> ()
    "tpu.region"() ({
      %run_scoped3A_59 = tpu.sem_alloc : memref<!tpu.dma_semaphore, #tpu.memory_space<semaphore_mem>>
      %dma_start3A_60 = tpu.memref_slice %arg4[%mul3A_0] : memref<100352xf32, #tpu.memory_space<hbm>> -> memref<6272xf32, #tpu.memory_space<hbm>>
      %dma_start3A_61 = tpu.memref_slice %arg4[%mul3A_0] : memref<100352xf32, #tpu.memory_space<hbm>> -> memref<6272xf32, #tpu.memory_space<hbm>>
      tpu.enqueue_dma source(%dma_start3A_61 : memref<6272xf32, #tpu.memory_space<hbm>>) target(%arg28 : memref<6272xf32, #tpu.memory_space<vmem>>) target_semaphore(%run_scoped3A_59 : memref<!tpu.dma_semaphore, #tpu.memory_space<semaphore_mem>>)
      %dma_wait3A_62 = tpu.memref_slice %arg4[%mul3A_0] : memref<100352xf32, #tpu.memory_space<hbm>> -> memref<6272xf32, #tpu.memory_space<hbm>>
      %dma_wait3A_63 = tpu.memref_slice %arg4[%mul3A_0] : memref<100352xf32, #tpu.memory_space<hbm>> -> memref<6272xf32, #tpu.memory_space<hbm>>
      tpu.wait_dma2 semaphore(%run_scoped3A_59 : memref<!tpu.dma_semaphore, #tpu.memory_space<semaphore_mem>>) src(%dma_wait3A_63 : memref<6272xf32, #tpu.memory_space<hbm>>) dst(%arg28 : memref<6272xf32, #tpu.memory_space<vmem>>)
      tpu.yield
    }) : () -> ()
    "tpu.region"() ({
      %run_scoped3A_59 = tpu.sem_alloc : memref<!tpu.dma_semaphore, #tpu.memory_space<semaphore_mem>>
      %dma_start3A_60 = tpu.memref_slice %arg5[%mul3A_0] : memref<100352xf32, #tpu.memory_space<hbm>> -> memref<6272xf32, #tpu.memory_space<hbm>>
      %dma_start3A_61 = tpu.memref_slice %arg5[%mul3A_0] : memref<100352xf32, #tpu.memory_space<hbm>> -> memref<6272xf32, #tpu.memory_space<hbm>>
      tpu.enqueue_dma source(%dma_start3A_61 : memref<6272xf32, #tpu.memory_space<hbm>>) target(%arg29 : memref<6272xf32, #tpu.memory_space<vmem>>) target_semaphore(%run_scoped3A_59 : memref<!tpu.dma_semaphore, #tpu.memory_space<semaphore_mem>>)
      %dma_wait3A_62 = tpu.memref_slice %arg5[%mul3A_0] : memref<100352xf32, #tpu.memory_space<hbm>> -> memref<6272xf32, #tpu.memory_space<hbm>>
      %dma_wait3A_63 = tpu.memref_slice %arg5[%mul3A_0] : memref<100352xf32, #tpu.memory_space<hbm>> -> memref<6272xf32, #tpu.memory_space<hbm>>
      tpu.wait_dma2 semaphore(%run_scoped3A_59 : memref<!tpu.dma_semaphore, #tpu.memory_space<semaphore_mem>>) src(%dma_wait3A_63 : memref<6272xf32, #tpu.memory_space<hbm>>) dst(%arg29 : memref<6272xf32, #tpu.memory_space<vmem>>)
      tpu.yield
    }) : () -> ()
    %scan3A_7 = arith.constant 0 : i32
    %scan3A_8 = arith.constant 0 : i32
    %scan3A_9 = arith.constant 392 : i32
    %scan3A_10 = arith.addi %scan3A_8, %scan3A_9 : i32
    %scan3A_11 = arith.constant 1 : i32
    %scan3A_12 = scf.for %scan3A_59 = %scan3A_8 to %scan3A_10 step %scan3A_11 iter_args(%scan3A_60 = %scan3A_7) -> (i32)  : i32 {
      %mul3A_61 = arith.constant 16 : i32
      %mul3A_62 = arith.muli %scan3A_59, %mul3A_61 : i32
      %get3A = arith.index_cast %mul3A_62 : i32 to index
      %get3A_63 = tpu.vector_load %arg28[%get3A] {strides = array<i32>} : memref<6272xf32, #tpu.memory_space<vmem>>, vector<16xf32>,
      %get3A_64 = arith.index_cast %mul3A_62 : i32 to index
      %get3A_65 = tpu.vector_load %arg29[%get3A_64] {strides = array<i32>} : memref<6272xf32, #tpu.memory_space<vmem>>, vector<16xf32>,
      %pack3A = tpu.pack_subelements %get3A_63, %get3A_65 {pack_format = #tpu.pack_format<interleaved>, positions = array<i32: 0, 1>} : vector<16xf32>, vector<16xf32> -> vector<32xbf16>
      %bitcast3A = vector.bitcast %pack3A : vector<32xbf16> to vector<16xi32>
      %swap3A = arith.index_cast %mul3A_62 : i32 to index
      %swap3A_66 = tpu.vector_load %arg30[%swap3A] {strides = array<i32>} : memref<6272xi32, #tpu.memory_space<vmem>>, vector<16xi32>,
      tpu.vector_store %arg30[%swap3A], %bitcast3A {strides = array<i32>} : memref<6272xi32, #tpu.memory_space<vmem>>, vector<16xi32>,
      %scan3A_67 = arith.constant 0 : i32
      scf.yield %scan3A_67 : i32
    }
    %scan3A_13 = arith.constant 392 : i32
    "tpu.region"() ({
      %run_scoped3A_59 = tpu.sem_alloc : memref<!tpu.dma_semaphore, #tpu.memory_space<semaphore_mem>>
      %dma_start3A_60 = tpu.memref_slice %arg38[%mul3A_0] : memref<100352xi32, #tpu.memory_space<vmem_shared>> -> memref<6272xi32, #tpu.memory_space<vmem_shared>>
      %dma_start3A_61 = tpu.memref_slice %arg38[%mul3A_0] : memref<100352xi32, #tpu.memory_space<vmem_shared>> -> memref<6272xi32, #tpu.memory_space<vmem_shared>>
      tpu.enqueue_dma source(%arg30 : memref<6272xi32, #tpu.memory_space<vmem>>) target(%dma_start3A_61 : memref<6272xi32, #tpu.memory_space<vmem_shared>>) target_semaphore(%run_scoped3A_59 : memref<!tpu.dma_semaphore, #tpu.memory_space<semaphore_mem>>)
      %dma_wait3A_62 = tpu.memref_slice %arg38[%mul3A_0] : memref<100352xi32, #tpu.memory_space<vmem_shared>> -> memref<6272xi32, #tpu.memory_space<vmem_shared>>
      %dma_wait3A_63 = tpu.memref_slice %arg38[%mul3A_0] : memref<100352xi32, #tpu.memory_space<vmem_shared>> -> memref<6272xi32, #tpu.memory_space<vmem_shared>>
      tpu.wait_dma2 semaphore(%run_scoped3A_59 : memref<!tpu.dma_semaphore, #tpu.memory_space<semaphore_mem>>) src(%arg30 : memref<6272xi32, #tpu.memory_space<vmem>>) dst(%dma_wait3A_63 : memref<6272xi32, #tpu.memory_space<vmem_shared>>)
      tpu.yield
    }) : () -> ()
    %broadcast_in_dim3A = arith.constant 0.000000e+00 : f32
    %broadcast_in_dim3A_14 = vector.broadcast %broadcast_in_dim3A : f32 to vector<16xf32>
    %scan3A_15 = arith.constant 0 : i32
    %scan3A_16 = arith.constant 0 : i32
    %scan3A_17 = arith.constant 392 : i32
    %scan3A_18 = arith.addi %scan3A_16, %scan3A_17 : i32
    %scan3A_19 = arith.constant 1 : i32
    %scan3A_20 = scf.for %scan3A_59 = %scan3A_16 to %scan3A_18 step %scan3A_19 iter_args(%scan3A_60 = %scan3A_15) -> (i32)  : i32 {
      %mul3A_61 = arith.constant 16 : i32
      %mul3A_62 = arith.muli %scan3A_59, %mul3A_61 : i32
      %swap3A = arith.index_cast %mul3A_62 : i32 to index
      %swap3A_63 = tpu.vector_load %arg28[%swap3A] {strides = array<i32>} : memref<6272xf32, #tpu.memory_space<vmem>>, vector<16xf32>,
      %swap3A_64 = vector.shape_cast %swap3A_63 : vector<16xf32> to vector<16xf32>
      %swap3A_65 = vector.shape_cast %broadcast_in_dim3A_14 : vector<16xf32> to vector<16xf32>
      tpu.vector_store %arg28[%swap3A], %swap3A_65 {strides = array<i32>} : memref<6272xf32, #tpu.memory_space<vmem>>, vector<16xf32>,
      %scan3A_66 = arith.constant 0 : i32
      scf.yield %scan3A_66 : i32
    }
    %scan3A_21 = arith.constant 392 : i32
    "tpu.region"() ({
      %run_scoped3A_59 = tpu.sem_alloc : memref<!tpu.dma_semaphore, #tpu.memory_space<semaphore_mem>>
      %dma_start3A_60 = tpu.memref_slice %arg39[%mul3A_0] : memref<100352xf32, #tpu.memory_space<vmem_shared>> -> memref<6272xf32, #tpu.memory_space<vmem_shared>>
      %dma_start3A_61 = tpu.memref_slice %arg39[%mul3A_0] : memref<100352xf32, #tpu.memory_space<vmem_shared>> -> memref<6272xf32, #tpu.memory_space<vmem_shared>>
      tpu.enqueue_dma source(%arg28 : memref<6272xf32, #tpu.memory_space<vmem>>) target(%dma_start3A_61 : memref<6272xf32, #tpu.memory_space<vmem_shared>>) target_semaphore(%run_scoped3A_59 : memref<!tpu.dma_semaphore, #tpu.memory_space<semaphore_mem>>)
      %dma_wait3A_62 = tpu.memref_slice %arg39[%mul3A_0] : memref<100352xf32, #tpu.memory_space<vmem_shared>> -> memref<6272xf32, #tpu.memory_space<vmem_shared>>
      %dma_wait3A_63 = tpu.memref_slice %arg39[%mul3A_0] : memref<100352xf32, #tpu.memory_space<vmem_shared>> -> memref<6272xf32, #tpu.memory_space<vmem_shared>>
      tpu.wait_dma2 semaphore(%run_scoped3A_59 : memref<!tpu.dma_semaphore, #tpu.memory_space<semaphore_mem>>) src(%arg28 : memref<6272xf32, #tpu.memory_space<vmem>>) dst(%dma_wait3A_63 : memref<6272xf32, #tpu.memory_space<vmem_shared>>)
      tpu.yield
    }) : () -> ()
    "tpu.region"() ({
      %run_scoped3A_59 = tpu.sem_alloc : memref<!tpu.dma_semaphore, #tpu.memory_space<semaphore_mem>>
      %dma_start3A_60 = tpu.memref_slice %arg40[%mul3A_0] : memref<100352xf32, #tpu.memory_space<vmem_shared>> -> memref<6272xf32, #tpu.memory_space<vmem_shared>>
      %dma_start3A_61 = tpu.memref_slice %arg40[%mul3A_0] : memref<100352xf32, #tpu.memory_space<vmem_shared>> -> memref<6272xf32, #tpu.memory_space<vmem_shared>>
      tpu.enqueue_dma source(%arg28 : memref<6272xf32, #tpu.memory_space<vmem>>) target(%dma_start3A_61 : memref<6272xf32, #tpu.memory_space<vmem_shared>>) target_semaphore(%run_scoped3A_59 : memref<!tpu.dma_semaphore, #tpu.memory_space<semaphore_mem>>)
      %dma_wait3A_62 = tpu.memref_slice %arg40[%mul3A_0] : memref<100352xf32, #tpu.memory_space<vmem_shared>> -> memref<6272xf32, #tpu.memory_space<vmem_shared>>
      %dma_wait3A_63 = tpu.memref_slice %arg40[%mul3A_0] : memref<100352xf32, #tpu.memory_space<vmem_shared>> -> memref<6272xf32, #tpu.memory_space<vmem_shared>>
      tpu.wait_dma2 semaphore(%run_scoped3A_59 : memref<!tpu.dma_semaphore, #tpu.memory_space<semaphore_mem>>) src(%arg28 : memref<6272xf32, #tpu.memory_space<vmem>>) dst(%dma_wait3A_63 : memref<6272xf32, #tpu.memory_space<vmem_shared>>)
      tpu.yield
    }) : () -> ()
    "tpu.region"() ({
      %run_scoped3A_59 = tpu.sem_alloc : memref<!tpu.dma_semaphore, #tpu.memory_space<semaphore_mem>>
      %dma_start3A_60 = tpu.memref_slice %arg41[%mul3A_0] : memref<100352xf32, #tpu.memory_space<vmem_shared>> -> memref<6272xf32, #tpu.memory_space<vmem_shared>>
      %dma_start3A_61 = tpu.memref_slice %arg41[%mul3A_0] : memref<100352xf32, #tpu.memory_space<vmem_shared>> -> memref<6272xf32, #tpu.memory_space<vmem_shared>>
      tpu.enqueue_dma source(%arg28 : memref<6272xf32, #tpu.memory_space<vmem>>) target(%dma_start3A_61 : memref<6272xf32, #tpu.memory_space<vmem_shared>>) target_semaphore(%run_scoped3A_59 : memref<!tpu.dma_semaphore, #tpu.memory_space<semaphore_mem>>)
      %dma_wait3A_62 = tpu.memref_slice %arg41[%mul3A_0] : memref<100352xf32, #tpu.memory_space<vmem_shared>> -> memref<6272xf32, #tpu.memory_space<vmem_shared>>
      %dma_wait3A_63 = tpu.memref_slice %arg41[%mul3A_0] : memref<100352xf32, #tpu.memory_space<vmem_shared>> -> memref<6272xf32, #tpu.memory_space<vmem_shared>>
      tpu.wait_dma2 semaphore(%run_scoped3A_59 : memref<!tpu.dma_semaphore, #tpu.memory_space<semaphore_mem>>) src(%arg28 : memref<6272xf32, #tpu.memory_space<vmem>>) dst(%dma_wait3A_63 : memref<6272xf32, #tpu.memory_space<vmem_shared>>)
      tpu.yield
    }) : () -> ()
    "tpu.region"() ({
      %run_scoped3A_59 = tpu.sem_alloc : memref<!tpu.dma_semaphore, #tpu.memory_space<semaphore_mem>>
      %dma_start3A_60 = tpu.memref_slice %arg42[%mul3A_0] : memref<100352xf32, #tpu.memory_space<vmem_shared>> -> memref<6272xf32, #tpu.memory_space<vmem_shared>>
      %dma_start3A_61 = tpu.memref_slice %arg42[%mul3A_0] : memref<100352xf32, #tpu.memory_space<vmem_shared>> -> memref<6272xf32, #tpu.memory_space<vmem_shared>>
      tpu.enqueue_dma source(%arg28 : memref<6272xf32, #tpu.memory_space<vmem>>) target(%dma_start3A_61 : memref<6272xf32, #tpu.memory_space<vmem_shared>>) target_semaphore(%run_scoped3A_59 : memref<!tpu.dma_semaphore, #tpu.memory_space<semaphore_mem>>)
      %dma_wait3A_62 = tpu.memref_slice %arg42[%mul3A_0] : memref<100352xf32, #tpu.memory_space<vmem_shared>> -> memref<6272xf32, #tpu.memory_space<vmem_shared>>
      %dma_wait3A_63 = tpu.memref_slice %arg42[%mul3A_0] : memref<100352xf32, #tpu.memory_space<vmem_shared>> -> memref<6272xf32, #tpu.memory_space<vmem_shared>>
      tpu.wait_dma2 semaphore(%run_scoped3A_59 : memref<!tpu.dma_semaphore, #tpu.memory_space<semaphore_mem>>) src(%arg28 : memref<6272xf32, #tpu.memory_space<vmem>>) dst(%dma_wait3A_63 : memref<6272xf32, #tpu.memory_space<vmem_shared>>)
      tpu.yield
    }) : () -> ()
    %barrier3A = arith.constant 0 : index
    tpu.barrier barrier_id(%barrier3A)
    %mul3A_22 = arith.constant 3200000 : i32
    %mul3A_23 = arith.muli %arg0, %mul3A_22 : i32
    %mul3A_24 = arith.constant 200000 : i32
    %mul3A_25 = arith.muli %arg1, %mul3A_24 : i32
    %add3A = arith.addi %mul3A_23, %mul3A_25 : i32
    %add3A_26 = arith.constant 0 : i32
    %add3A_27 = arith.addi %add3A, %add3A_26 : i32
    %multiple_of3A = tpu.assume_multiple %add3A_27, 8 : i32
    %dma_start3A = tpu.memref_slice %arg6[%multiple_of3A] : memref<6400000xi32, #tpu.memory_space<hbm>> -> memref<4000xi32, #tpu.memory_space<hbm>>
    %dma_start3A_28 = tpu.memref_slice %arg6[%multiple_of3A] : memref<6400000xi32, #tpu.memory_space<hbm>> -> memref<4000xi32, #tpu.memory_space<hbm>>
    tpu.enqueue_dma source(%dma_start3A_28 : memref<4000xi32, #tpu.memory_space<hbm>>) target(%arg10 : memref<4000xi32, #tpu.memory_space<vmem>>) target_semaphore(%arg31 : memref<!tpu.dma_semaphore, #tpu.memory_space<semaphore_mem>>)
    %dma_start3A_29 = tpu.memref_slice %arg7[%multiple_of3A] : memref<6400000xi32, #tpu.memory_space<hbm>> -> memref<4000xi32, #tpu.memory_space<hbm>>
    %dma_start3A_30 = tpu.memref_slice %arg7[%multiple_of3A] : memref<6400000xi32, #tpu.memory_space<hbm>> -> memref<4000xi32, #tpu.memory_space<hbm>>
    tpu.enqueue_dma source(%dma_start3A_30 : memref<4000xi32, #tpu.memory_space<hbm>>) target(%arg12 : memref<4000xi32, #tpu.memory_space<vmem>>) target_semaphore(%arg31 : memref<!tpu.dma_semaphore, #tpu.memory_space<semaphore_mem>>)
    %dma_start3A_31 = tpu.memref_slice %arg8[%multiple_of3A] : memref<6400000xf32, #tpu.memory_space<hbm>> -> memref<4000xf32, #tpu.memory_space<hbm>>
    %dma_start3A_32 = tpu.memref_slice %arg8[%multiple_of3A] : memref<6400000xf32, #tpu.memory_space<hbm>> -> memref<4000xf32, #tpu.memory_space<hbm>>
    tpu.enqueue_dma source(%dma_start3A_32 : memref<4000xf32, #tpu.memory_space<hbm>>) target(%arg14 : memref<4000xf32, #tpu.memory_space<vmem>>) target_semaphore(%arg31 : memref<!tpu.dma_semaphore, #tpu.memory_space<semaphore_mem>>)
    %scan3A_33 = arith.constant 0 : i32
    %scan3A_34 = arith.constant 0 : i32
    %scan3A_35 = arith.constant 25 : i32
    %scan3A_36 = arith.addi %scan3A_34, %scan3A_35 : i32
    %scan3A_37 = arith.constant 1 : i32
    %scan3A_38 = scf.for %scan3A_59 = %scan3A_34 to %scan3A_36 step %scan3A_37 iter_args(%scan3A_60 = %scan3A_33) -> (i32)  : i32 {
      %mul3A_61 = arith.constant 2 : i32
      %mul3A_62 = arith.muli %scan3A_59, %mul3A_61 : i32
      %add3A_63 = arith.constant 0 : i32
      %add3A_64 = arith.addi %mul3A_62, %add3A_63 : i32
      %mul3A_65 = arith.constant 3200000 : i32
      %mul3A_66 = arith.muli %arg0, %mul3A_65 : i32
      %mul3A_67 = arith.constant 200000 : i32
      %mul3A_68 = arith.muli %arg1, %mul3A_67 : i32
      %add3A_69 = arith.addi %mul3A_66, %mul3A_68 : i32
      %mul3A_70 = arith.constant 4000 : i32
      %mul3A_71 = arith.muli %add3A_64, %mul3A_70 : i32
      %add3A_72 = arith.addi %add3A_69, %mul3A_71 : i32
      %multiple_of3A_73 = tpu.assume_multiple %add3A_72, 8 : i32
      %dma_wait3A_74 = tpu.memref_slice %arg6[%multiple_of3A_73] : memref<6400000xi32, #tpu.memory_space<hbm>> -> memref<4000xi32, #tpu.memory_space<hbm>>
      %dma_wait3A_75 = tpu.memref_slice %arg6[%multiple_of3A_73] : memref<6400000xi32, #tpu.memory_space<hbm>> -> memref<4000xi32, #tpu.memory_space<hbm>>
      tpu.wait_dma2 semaphore(%arg31 : memref<!tpu.dma_semaphore, #tpu.memory_space<semaphore_mem>>) src(%dma_wait3A_75 : memref<4000xi32, #tpu.memory_space<hbm>>) dst(%arg10 : memref<4000xi32, #tpu.memory_space<vmem>>)
      %dma_wait3A_76 = tpu.memref_slice %arg7[%multiple_of3A_73] : memref<6400000xi32, #tpu.memory_space<hbm>> -> memref<4000xi32, #tpu.memory_space<hbm>>
      %dma_wait3A_77 = tpu.memref_slice %arg7[%multiple_of3A_73] : memref<6400000xi32, #tpu.memory_space<hbm>> -> memref<4000xi32, #tpu.memory_space<hbm>>
      tpu.wait_dma2 semaphore(%arg31 : memref<!tpu.dma_semaphore, #tpu.memory_space<semaphore_mem>>) src(%dma_wait3A_77 : memref<4000xi32, #tpu.memory_space<hbm>>) dst(%arg12 : memref<4000xi32, #tpu.memory_space<vmem>>)
      %dma_wait3A_78 = tpu.memref_slice %arg8[%multiple_of3A_73] : memref<6400000xf32, #tpu.memory_space<hbm>> -> memref<4000xf32, #tpu.memory_space<hbm>>
      %dma_wait3A_79 = tpu.memref_slice %arg8[%multiple_of3A_73] : memref<6400000xf32, #tpu.memory_space<hbm>> -> memref<4000xf32, #tpu.memory_space<hbm>>
      tpu.wait_dma2 semaphore(%arg31 : memref<!tpu.dma_semaphore, #tpu.memory_space<semaphore_mem>>) src(%dma_wait3A_79 : memref<4000xf32, #tpu.memory_space<hbm>>) dst(%arg14 : memref<4000xf32, #tpu.memory_space<vmem>>)
      %dma_start3A_80 = arith.constant 0 : i32
      %dma_start3A_81 = tpu.memref_slice %arg37[%dma_start3A_80] : memref<100352xi32, #tpu.memory_space<vmem_shared>> -> memref<100352xi32, #tpu.memory_space<vmem_shared>>
      tpu.enqueue_indirect_dma source(%dma_start3A_81 : memref<100352xi32, #tpu.memory_space<vmem_shared>>) target(%arg16 : memref<4000xi32, #tpu.memory_space<vmem>>) offsets(%arg10 : memref<4000xi32, #tpu.memory_space<vmem>>) semaphore(%arg33 : memref<!tpu.dma_semaphore, #tpu.memory_space<semaphore_mem>>)
      %dma_start3A_82 = arith.constant 0 : i32
      %dma_start3A_83 = tpu.memref_slice %arg38[%dma_start3A_82] : memref<100352xi32, #tpu.memory_space<vmem_shared>> -> memref<100352xi32, #tpu.memory_space<vmem_shared>>
      tpu.enqueue_indirect_dma source(%dma_start3A_83 : memref<100352xi32, #tpu.memory_space<vmem_shared>>) target(%arg18 : memref<4000xi32, #tpu.memory_space<vmem>>) offsets(%arg10 : memref<4000xi32, #tpu.memory_space<vmem>>) semaphore(%arg33 : memref<!tpu.dma_semaphore, #tpu.memory_space<semaphore_mem>>)
      %ge3A = arith.constant 1 : i32
      %ge3A_84 = arith.cmpi sge, %add3A_64, %ge3A : i32
      %add3A_85 = arith.constant 1 : i32
      %add3A_86 = arith.addi %add3A_64, %add3A_85 : i32
      %lt3A = arith.constant 50 : i32
      %lt3A_87 = arith.cmpi slt, %add3A_86, %lt3A : i32
      %and3A = arith.andi %ge3A_84, %lt3A_87 : i1
      %convert_element_type3A = arith.extui %and3A : i1 to i32
      %cond3A = arith.constant 0 : i32
      %cond3A_88 = arith.cmpi ne, %convert_element_type3A, %cond3A : i32
      scf.if %cond3A_88 {
        %dma_wait3A_175 = arith.constant 0 : i32
        %dma_wait3A_176 = tpu.memref_slice %arg39[%dma_wait3A_175] : memref<100352xf32, #tpu.memory_space<vmem_shared>> -> memref<100352xf32, #tpu.memory_space<vmem_shared>>
        tpu.wait_indirect_dma semaphore(%arg36 : memref<!tpu.dma_semaphore, #tpu.memory_space<semaphore_mem>>) src(%arg21 : memref<4000xf32, #tpu.memory_space<vmem>>) dst(%dma_wait3A_176 : memref<100352xf32, #tpu.memory_space<vmem_shared>>)
        %dma_wait3A_177 = arith.constant 0 : i32
        %dma_wait3A_178 = tpu.memref_slice %arg40[%dma_wait3A_177] : memref<100352xf32, #tpu.memory_space<vmem_shared>> -> memref<100352xf32, #tpu.memory_space<vmem_shared>>
        tpu.wait_indirect_dma semaphore(%arg36 : memref<!tpu.dma_semaphore, #tpu.memory_space<semaphore_mem>>) src(%arg23 : memref<4000xf32, #tpu.memory_space<vmem>>) dst(%dma_wait3A_178 : memref<100352xf32, #tpu.memory_space<vmem_shared>>)
        %dma_wait3A_179 = arith.constant 0 : i32
        %dma_wait3A_180 = tpu.memref_slice %arg41[%dma_wait3A_179] : memref<100352xf32, #tpu.memory_space<vmem_shared>> -> memref<100352xf32, #tpu.memory_space<vmem_shared>>
        tpu.wait_indirect_dma semaphore(%arg36 : memref<!tpu.dma_semaphore, #tpu.memory_space<semaphore_mem>>) src(%arg25 : memref<4000xf32, #tpu.memory_space<vmem>>) dst(%dma_wait3A_180 : memref<100352xf32, #tpu.memory_space<vmem_shared>>)
        %dma_wait3A_181 = arith.constant 0 : i32
        %dma_wait3A_182 = tpu.memref_slice %arg42[%dma_wait3A_181] : memref<100352xf32, #tpu.memory_space<vmem_shared>> -> memref<100352xf32, #tpu.memory_space<vmem_shared>>
        tpu.wait_indirect_dma semaphore(%arg36 : memref<!tpu.dma_semaphore, #tpu.memory_space<semaphore_mem>>) src(%arg27 : memref<4000xf32, #tpu.memory_space<vmem>>) dst(%dma_wait3A_182 : memref<100352xf32, #tpu.memory_space<vmem_shared>>)
      } else {
      }
      %add3A_89 = arith.constant 1 : i32
      %add3A_90 = arith.addi %add3A_64, %add3A_89 : i32
      %lt3A_91 = arith.constant 50 : i32
      %lt3A_92 = arith.cmpi slt, %add3A_90, %lt3A_91 : i32
      %convert_element_type3A_93 = arith.extui %lt3A_92 : i1 to i32
      %cond3A_94 = arith.constant 0 : i32
      %cond3A_95 = arith.cmpi ne, %convert_element_type3A_93, %cond3A_94 : i32
      scf.if %cond3A_95 {
        %add3A_175 = arith.constant 1 : i32
        %add3A_176 = arith.addi %add3A_64, %add3A_175 : i32
        %mul3A_177 = arith.constant 3200000 : i32
        %mul3A_178 = arith.muli %arg0, %mul3A_177 : i32
        %mul3A_179 = arith.constant 200000 : i32
        %mul3A_180 = arith.muli %arg1, %mul3A_179 : i32
        %add3A_181 = arith.addi %mul3A_178, %mul3A_180 : i32
        %mul3A_182 = arith.constant 4000 : i32
        %mul3A_183 = arith.muli %add3A_176, %mul3A_182 : i32
        %add3A_184 = arith.addi %add3A_181, %mul3A_183 : i32
        %multiple_of3A_185 = tpu.assume_multiple %add3A_184, 8 : i32
        %dma_start3A_186 = tpu.memref_slice %arg6[%multiple_of3A_185] : memref<6400000xi32, #tpu.memory_space<hbm>> -> memref<4000xi32, #tpu.memory_space<hbm>>
        %dma_start3A_187 = tpu.memref_slice %arg6[%multiple_of3A_185] : memref<6400000xi32, #tpu.memory_space<hbm>> -> memref<4000xi32, #tpu.memory_space<hbm>>
        tpu.enqueue_dma source(%dma_start3A_187 : memref<4000xi32, #tpu.memory_space<hbm>>) target(%arg11 : memref<4000xi32, #tpu.memory_space<vmem>>) target_semaphore(%arg32 : memref<!tpu.dma_semaphore, #tpu.memory_space<semaphore_mem>>)
        %dma_start3A_188 = tpu.memref_slice %arg7[%multiple_of3A_185] : memref<6400000xi32, #tpu.memory_space<hbm>> -> memref<4000xi32, #tpu.memory_space<hbm>>
        %dma_start3A_189 = tpu.memref_slice %arg7[%multiple_of3A_185] : memref<6400000xi32, #tpu.memory_space<hbm>> -> memref<4000xi32, #tpu.memory_space<hbm>>
        tpu.enqueue_dma source(%dma_start3A_189 : memref<4000xi32, #tpu.memory_space<hbm>>) target(%arg13 : memref<4000xi32, #tpu.memory_space<vmem>>) target_semaphore(%arg32 : memref<!tpu.dma_semaphore, #tpu.memory_space<semaphore_mem>>)
        %dma_start3A_190 = tpu.memref_slice %arg8[%multiple_of3A_185] : memref<6400000xf32, #tpu.memory_space<hbm>> -> memref<4000xf32, #tpu.memory_space<hbm>>
        %dma_start3A_191 = tpu.memref_slice %arg8[%multiple_of3A_185] : memref<6400000xf32, #tpu.memory_space<hbm>> -> memref<4000xf32, #tpu.memory_space<hbm>>
        tpu.enqueue_dma source(%dma_start3A_191 : memref<4000xf32, #tpu.memory_space<hbm>>) target(%arg15 : memref<4000xf32, #tpu.memory_space<vmem>>) target_semaphore(%arg32 : memref<!tpu.dma_semaphore, #tpu.memory_space<semaphore_mem>>)
      } else {
      }
      %dma_wait3A_96 = arith.constant 0 : i32
      %dma_wait3A_97 = tpu.memref_slice %arg37[%dma_wait3A_96] : memref<100352xi32, #tpu.memory_space<vmem_shared>> -> memref<100352xi32, #tpu.memory_space<vmem_shared>>
      tpu.wait_indirect_dma semaphore(%arg33 : memref<!tpu.dma_semaphore, #tpu.memory_space<semaphore_mem>>) src(%dma_wait3A_97 : memref<100352xi32, #tpu.memory_space<vmem_shared>>) dst(%arg16 : memref<4000xi32, #tpu.memory_space<vmem>>)
      %dma_wait3A_98 = arith.constant 0 : i32
      %dma_wait3A_99 = tpu.memref_slice %arg38[%dma_wait3A_98] : memref<100352xi32, #tpu.memory_space<vmem_shared>> -> memref<100352xi32, #tpu.memory_space<vmem_shared>>
      tpu.wait_indirect_dma semaphore(%arg33 : memref<!tpu.dma_semaphore, #tpu.memory_space<semaphore_mem>>) src(%dma_wait3A_99 : memref<100352xi32, #tpu.memory_space<vmem_shared>>) dst(%arg18 : memref<4000xi32, #tpu.memory_space<vmem>>)
      %scan3A_100 = arith.constant 0 : i32
      %scan3A_101 = arith.constant 0 : i32
      %scan3A_102 = arith.constant 50 : i32
      %scan3A_103 = arith.addi %scan3A_101, %scan3A_102 : i32
      %scan3A_104 = arith.constant 1 : i32
      %scan3A_105 = scf.for %scan3A_175 = %scan3A_101 to %scan3A_103 step %scan3A_104 iter_args(%scan3A_176 = %scan3A_100) -> (i32)  : i32 {
        %mul3A_177 = arith.constant 5 : i32
        %mul3A_178 = arith.muli %scan3A_175, %mul3A_177 : i32
        %add3A_179 = arith.constant 0 : i32
        %add3A_180 = arith.addi %mul3A_178, %add3A_179 : i32
        %mul3A_181 = arith.constant 16 : i32
        %mul3A_182 = arith.muli %add3A_180, %mul3A_181 : i32
        %get3A = arith.index_cast %mul3A_182 : i32 to index
        %get3A_183 = tpu.vector_load %arg14[%get3A] {strides = array<i32>} : memref<4000xf32, #tpu.memory_space<vmem>>, vector<16xf32>,
        %get3A_184 = arith.index_cast %mul3A_182 : i32 to index
        %get3A_185 = tpu.vector_load %arg16[%get3A_184] {strides = array<i32>} : memref<4000xi32, #tpu.memory_space<vmem>>, vector<16xi32>,
        %bitcast3A = vector.bitcast %get3A_185 : vector<16xi32> to vector<32xbf16>
        %unpack3A = tpu.unpack_subelements %bitcast3A, 0 {pack_format = #tpu.pack_format<interleaved>} : vector<32xbf16> -> vector<16xf32>
        %unpack3A_186 = tpu.unpack_subelements %bitcast3A, 1 {pack_format = #tpu.pack_format<interleaved>} : vector<32xbf16> -> vector<16xf32>
        %get3A_187 = arith.index_cast %mul3A_182 : i32 to index
        %get3A_188 = tpu.vector_load %arg18[%get3A_187] {strides = array<i32>} : memref<4000xi32, #tpu.memory_space<vmem>>, vector<16xi32>,
        %bitcast3A_189 = vector.bitcast %get3A_188 : vector<16xi32> to vector<32xbf16>
        %unpack3A_190 = tpu.unpack_subelements %bitcast3A_189, 0 {pack_format = #tpu.pack_format<interleaved>} : vector<32xbf16> -> vector<16xf32>
        %unpack3A_191 = tpu.unpack_subelements %bitcast3A_189, 1 {pack_format = #tpu.pack_format<interleaved>} : vector<32xbf16> -> vector<16xf32>
        %mul3A_192 = arith.mulf %unpack3A, %get3A_183 : vector<16xf32>
        %swap3A = arith.index_cast %mul3A_182 : i32 to index
        %swap3A_193 = tpu.vector_load %arg20[%swap3A] {strides = array<i32>} : memref<4000xf32, #tpu.memory_space<vmem>>, vector<16xf32>,
        tpu.vector_store %arg20[%swap3A], %mul3A_192 {strides = array<i32>} : memref<4000xf32, #tpu.memory_space<vmem>>, vector<16xf32>,
        %mul3A_194 = arith.mulf %unpack3A_186, %get3A_183 : vector<16xf32>
        %swap3A_195 = arith.index_cast %mul3A_182 : i32 to index
        %swap3A_196 = tpu.vector_load %arg22[%swap3A_195] {strides = array<i32>} : memref<4000xf32, #tpu.memory_space<vmem>>, vector<16xf32>,
        tpu.vector_store %arg22[%swap3A_195], %mul3A_194 {strides = array<i32>} : memref<4000xf32, #tpu.memory_space<vmem>>, vector<16xf32>,
        %mul3A_197 = arith.mulf %unpack3A_190, %get3A_183 : vector<16xf32>
        %swap3A_198 = arith.index_cast %mul3A_182 : i32 to index
        %swap3A_199 = tpu.vector_load %arg24[%swap3A_198] {strides = array<i32>} : memref<4000xf32, #tpu.memory_space<vmem>>, vector<16xf32>,
        tpu.vector_store %arg24[%swap3A_198], %mul3A_197 {strides = array<i32>} : memref<4000xf32, #tpu.memory_space<vmem>>, vector<16xf32>,
        %mul3A_200 = arith.mulf %unpack3A_191, %get3A_183 : vector<16xf32>
        %swap3A_201 = arith.index_cast %mul3A_182 : i32 to index
        %swap3A_202 = tpu.vector_load %arg26[%swap3A_201] {strides = array<i32>} : memref<4000xf32, #tpu.memory_space<vmem>>, vector<16xf32>,
        tpu.vector_store %arg26[%swap3A_201], %mul3A_200 {strides = array<i32>} : memref<4000xf32, #tpu.memory_space<vmem>>, vector<16xf32>,
        %mul3A_203 = arith.constant 5 : i32
        %mul3A_204 = arith.muli %scan3A_175, %mul3A_203 : i32
        %add3A_205 = arith.constant 1 : i32
        %add3A_206 = arith.addi %mul3A_204, %add3A_205 : i32
        %mul3A_207 = arith.constant 16 : i32
        %mul3A_208 = arith.muli %add3A_206, %mul3A_207 : i32
        %get3A_209 = arith.index_cast %mul3A_208 : i32 to index
        %get3A_210 = tpu.vector_load %arg14[%get3A_209] {strides = array<i32>} : memref<4000xf32, #tpu.memory_space<vmem>>, vector<16xf32>,
        %get3A_211 = arith.index_cast %mul3A_208 : i32 to index
        %get3A_212 = tpu.vector_load %arg16[%get3A_211] {strides = array<i32>} : memref<4000xi32, #tpu.memory_space<vmem>>, vector<16xi32>,
        %bitcast3A_213 = vector.bitcast %get3A_212 : vector<16xi32> to vector<32xbf16>
        %unpack3A_214 = tpu.unpack_subelements %bitcast3A_213, 0 {pack_format = #tpu.pack_format<interleaved>} : vector<32xbf16> -> vector<16xf32>
        %unpack3A_215 = tpu.unpack_subelements %bitcast3A_213, 1 {pack_format = #tpu.pack_format<interleaved>} : vector<32xbf16> -> vector<16xf32>
        %get3A_216 = arith.index_cast %mul3A_208 : i32 to index
        %get3A_217 = tpu.vector_load %arg18[%get3A_216] {strides = array<i32>} : memref<4000xi32, #tpu.memory_space<vmem>>, vector<16xi32>,
        %bitcast3A_218 = vector.bitcast %get3A_217 : vector<16xi32> to vector<32xbf16>
        %unpack3A_219 = tpu.unpack_subelements %bitcast3A_218, 0 {pack_format = #tpu.pack_format<interleaved>} : vector<32xbf16> -> vector<16xf32>
        %unpack3A_220 = tpu.unpack_subelements %bitcast3A_218, 1 {pack_format = #tpu.pack_format<interleaved>} : vector<32xbf16> -> vector<16xf32>
        %mul3A_221 = arith.mulf %unpack3A_214, %get3A_210 : vector<16xf32>
        %swap3A_222 = arith.index_cast %mul3A_208 : i32 to index
        %swap3A_223 = tpu.vector_load %arg20[%swap3A_222] {strides = array<i32>} : memref<4000xf32, #tpu.memory_space<vmem>>, vector<16xf32>,
        tpu.vector_store %arg20[%swap3A_222], %mul3A_221 {strides = array<i32>} : memref<4000xf32, #tpu.memory_space<vmem>>, vector<16xf32>,
        %mul3A_224 = arith.mulf %unpack3A_215, %get3A_210 : vector<16xf32>
        %swap3A_225 = arith.index_cast %mul3A_208 : i32 to index
        %swap3A_226 = tpu.vector_load %arg22[%swap3A_225] {strides = array<i32>} : memref<4000xf32, #tpu.memory_space<vmem>>, vector<16xf32>,
        tpu.vector_store %arg22[%swap3A_225], %mul3A_224 {strides = array<i32>} : memref<4000xf32, #tpu.memory_space<vmem>>, vector<16xf32>,
        %mul3A_227 = arith.mulf %unpack3A_219, %get3A_210 : vector<16xf32>
        %swap3A_228 = arith.index_cast %mul3A_208 : i32 to index
        %swap3A_229 = tpu.vector_load %arg24[%swap3A_228] {strides = array<i32>} : memref<4000xf32, #tpu.memory_space<vmem>>, vector<16xf32>,
        tpu.vector_store %arg24[%swap3A_228], %mul3A_227 {strides = array<i32>} : memref<4000xf32, #tpu.memory_space<vmem>>, vector<16xf32>,
        %mul3A_230 = arith.mulf %unpack3A_220, %get3A_210 : vector<16xf32>
        %swap3A_231 = arith.index_cast %mul3A_208 : i32 to index
        %swap3A_232 = tpu.vector_load %arg26[%swap3A_231] {strides = array<i32>} : memref<4000xf32, #tpu.memory_space<vmem>>, vector<16xf32>,
        tpu.vector_store %arg26[%swap3A_231], %mul3A_230 {strides = array<i32>} : memref<4000xf32, #tpu.memory_space<vmem>>, vector<16xf32>,
        %mul3A_233 = arith.constant 5 : i32
        %mul3A_234 = arith.muli %scan3A_175, %mul3A_233 : i32
        %add3A_235 = arith.constant 2 : i32
        %add3A_236 = arith.addi %mul3A_234, %add3A_235 : i32
        %mul3A_237 = arith.constant 16 : i32
        %mul3A_238 = arith.muli %add3A_236, %mul3A_237 : i32
        %get3A_239 = arith.index_cast %mul3A_238 : i32 to index
        %get3A_240 = tpu.vector_load %arg14[%get3A_239] {strides = array<i32>} : memref<4000xf32, #tpu.memory_space<vmem>>, vector<16xf32>,
        %get3A_241 = arith.index_cast %mul3A_238 : i32 to index
        %get3A_242 = tpu.vector_load %arg16[%get3A_241] {strides = array<i32>} : memref<4000xi32, #tpu.memory_space<vmem>>, vector<16xi32>,
        %bitcast3A_243 = vector.bitcast %get3A_242 : vector<16xi32> to vector<32xbf16>
        %unpack3A_244 = tpu.unpack_subelements %bitcast3A_243, 0 {pack_format = #tpu.pack_format<interleaved>} : vector<32xbf16> -> vector<16xf32>
        %unpack3A_245 = tpu.unpack_subelements %bitcast3A_243, 1 {pack_format = #tpu.pack_format<interleaved>} : vector<32xbf16> -> vector<16xf32>
        %get3A_246 = arith.index_cast %mul3A_238 : i32 to index
        %get3A_247 = tpu.vector_load %arg18[%get3A_246] {strides = array<i32>} : memref<4000xi32, #tpu.memory_space<vmem>>, vector<16xi32>,
        %bitcast3A_248 = vector.bitcast %get3A_247 : vector<16xi32> to vector<32xbf16>
        %unpack3A_249 = tpu.unpack_subelements %bitcast3A_248, 0 {pack_format = #tpu.pack_format<interleaved>} : vector<32xbf16> -> vector<16xf32>
        %unpack3A_250 = tpu.unpack_subelements %bitcast3A_248, 1 {pack_format = #tpu.pack_format<interleaved>} : vector<32xbf16> -> vector<16xf32>
        %mul3A_251 = arith.mulf %unpack3A_244, %get3A_240 : vector<16xf32>
        %swap3A_252 = arith.index_cast %mul3A_238 : i32 to index
        %swap3A_253 = tpu.vector_load %arg20[%swap3A_252] {strides = array<i32>} : memref<4000xf32, #tpu.memory_space<vmem>>, vector<16xf32>,
        tpu.vector_store %arg20[%swap3A_252], %mul3A_251 {strides = array<i32>} : memref<4000xf32, #tpu.memory_space<vmem>>, vector<16xf32>,
        %mul3A_254 = arith.mulf %unpack3A_245, %get3A_240 : vector<16xf32>
        %swap3A_255 = arith.index_cast %mul3A_238 : i32 to index
        %swap3A_256 = tpu.vector_load %arg22[%swap3A_255] {strides = array<i32>} : memref<4000xf32, #tpu.memory_space<vmem>>, vector<16xf32>,
        tpu.vector_store %arg22[%swap3A_255], %mul3A_254 {strides = array<i32>} : memref<4000xf32, #tpu.memory_space<vmem>>, vector<16xf32>,
        %mul3A_257 = arith.mulf %unpack3A_249, %get3A_240 : vector<16xf32>
        %swap3A_258 = arith.index_cast %mul3A_238 : i32 to index
        %swap3A_259 = tpu.vector_load %arg24[%swap3A_258] {strides = array<i32>} : memref<4000xf32, #tpu.memory_space<vmem>>, vector<16xf32>,
        tpu.vector_store %arg24[%swap3A_258], %mul3A_257 {strides = array<i32>} : memref<4000xf32, #tpu.memory_space<vmem>>, vector<16xf32>,
        %mul3A_260 = arith.mulf %unpack3A_250, %get3A_240 : vector<16xf32>
        %swap3A_261 = arith.index_cast %mul3A_238 : i32 to index
        %swap3A_262 = tpu.vector_load %arg26[%swap3A_261] {strides = array<i32>} : memref<4000xf32, #tpu.memory_space<vmem>>, vector<16xf32>,
        tpu.vector_store %arg26[%swap3A_261], %mul3A_260 {strides = array<i32>} : memref<4000xf32, #tpu.memory_space<vmem>>, vector<16xf32>,
        %mul3A_263 = arith.constant 5 : i32
        %mul3A_264 = arith.muli %scan3A_175, %mul3A_263 : i32
        %add3A_265 = arith.constant 3 : i32
        %add3A_266 = arith.addi %mul3A_264, %add3A_265 : i32
        %mul3A_267 = arith.constant 16 : i32
        %mul3A_268 = arith.muli %add3A_266, %mul3A_267 : i32
        %get3A_269 = arith.index_cast %mul3A_268 : i32 to index
        %get3A_270 = tpu.vector_load %arg14[%get3A_269] {strides = array<i32>} : memref<4000xf32, #tpu.memory_space<vmem>>, vector<16xf32>,
        %get3A_271 = arith.index_cast %mul3A_268 : i32 to index
        %get3A_272 = tpu.vector_load %arg16[%get3A_271] {strides = array<i32>} : memref<4000xi32, #tpu.memory_space<vmem>>, vector<16xi32>,
        %bitcast3A_273 = vector.bitcast %get3A_272 : vector<16xi32> to vector<32xbf16>
        %unpack3A_274 = tpu.unpack_subelements %bitcast3A_273, 0 {pack_format = #tpu.pack_format<interleaved>} : vector<32xbf16> -> vector<16xf32>
        %unpack3A_275 = tpu.unpack_subelements %bitcast3A_273, 1 {pack_format = #tpu.pack_format<interleaved>} : vector<32xbf16> -> vector<16xf32>
        %get3A_276 = arith.index_cast %mul3A_268 : i32 to index
        %get3A_277 = tpu.vector_load %arg18[%get3A_276] {strides = array<i32>} : memref<4000xi32, #tpu.memory_space<vmem>>, vector<16xi32>,
        %bitcast3A_278 = vector.bitcast %get3A_277 : vector<16xi32> to vector<32xbf16>
        %unpack3A_279 = tpu.unpack_subelements %bitcast3A_278, 0 {pack_format = #tpu.pack_format<interleaved>} : vector<32xbf16> -> vector<16xf32>
        %unpack3A_280 = tpu.unpack_subelements %bitcast3A_278, 1 {pack_format = #tpu.pack_format<interleaved>} : vector<32xbf16> -> vector<16xf32>
        %mul3A_281 = arith.mulf %unpack3A_274, %get3A_270 : vector<16xf32>
        %swap3A_282 = arith.index_cast %mul3A_268 : i32 to index
        %swap3A_283 = tpu.vector_load %arg20[%swap3A_282] {strides = array<i32>} : memref<4000xf32, #tpu.memory_space<vmem>>, vector<16xf32>,
        tpu.vector_store %arg20[%swap3A_282], %mul3A_281 {strides = array<i32>} : memref<4000xf32, #tpu.memory_space<vmem>>, vector<16xf32>,
        %mul3A_284 = arith.mulf %unpack3A_275, %get3A_270 : vector<16xf32>
        %swap3A_285 = arith.index_cast %mul3A_268 : i32 to index
        %swap3A_286 = tpu.vector_load %arg22[%swap3A_285] {strides = array<i32>} : memref<4000xf32, #tpu.memory_space<vmem>>, vector<16xf32>,
        tpu.vector_store %arg22[%swap3A_285], %mul3A_284 {strides = array<i32>} : memref<4000xf32, #tpu.memory_space<vmem>>, vector<16xf32>,
        %mul3A_287 = arith.mulf %unpack3A_279, %get3A_270 : vector<16xf32>
        %swap3A_288 = arith.index_cast %mul3A_268 : i32 to index
        %swap3A_289 = tpu.vector_load %arg24[%swap3A_288] {strides = array<i32>} : memref<4000xf32, #tpu.memory_space<vmem>>, vector<16xf32>,
        tpu.vector_store %arg24[%swap3A_288], %mul3A_287 {strides = array<i32>} : memref<4000xf32, #tpu.memory_space<vmem>>, vector<16xf32>,
        %mul3A_290 = arith.mulf %unpack3A_280, %get3A_270 : vector<16xf32>
        %swap3A_291 = arith.index_cast %mul3A_268 : i32 to index
        %swap3A_292 = tpu.vector_load %arg26[%swap3A_291] {strides = array<i32>} : memref<4000xf32, #tpu.memory_space<vmem>>, vector<16xf32>,
        tpu.vector_store %arg26[%swap3A_291], %mul3A_290 {strides = array<i32>} : memref<4000xf32, #tpu.memory_space<vmem>>, vector<16xf32>,
        %mul3A_293 = arith.constant 5 : i32
        %mul3A_294 = arith.muli %scan3A_175, %mul3A_293 : i32
        %add3A_295 = arith.constant 4 : i32
        %add3A_296 = arith.addi %mul3A_294, %add3A_295 : i32
        %mul3A_297 = arith.constant 16 : i32
        %mul3A_298 = arith.muli %add3A_296, %mul3A_297 : i32
        %get3A_299 = arith.index_cast %mul3A_298 : i32 to index
        %get3A_300 = tpu.vector_load %arg14[%get3A_299] {strides = array<i32>} : memref<4000xf32, #tpu.memory_space<vmem>>, vector<16xf32>,
        %get3A_301 = arith.index_cast %mul3A_298 : i32 to index
        %get3A_302 = tpu.vector_load %arg16[%get3A_301] {strides = array<i32>} : memref<4000xi32, #tpu.memory_space<vmem>>, vector<16xi32>,
        %bitcast3A_303 = vector.bitcast %get3A_302 : vector<16xi32> to vector<32xbf16>
        %unpack3A_304 = tpu.unpack_subelements %bitcast3A_303, 0 {pack_format = #tpu.pack_format<interleaved>} : vector<32xbf16> -> vector<16xf32>
        %unpack3A_305 = tpu.unpack_subelements %bitcast3A_303, 1 {pack_format = #tpu.pack_format<interleaved>} : vector<32xbf16> -> vector<16xf32>
        %get3A_306 = arith.index_cast %mul3A_298 : i32 to index
        %get3A_307 = tpu.vector_load %arg18[%get3A_306] {strides = array<i32>} : memref<4000xi32, #tpu.memory_space<vmem>>, vector<16xi32>,
        %bitcast3A_308 = vector.bitcast %get3A_307 : vector<16xi32> to vector<32xbf16>
        %unpack3A_309 = tpu.unpack_subelements %bitcast3A_308, 0 {pack_format = #tpu.pack_format<interleaved>} : vector<32xbf16> -> vector<16xf32>
        %unpack3A_310 = tpu.unpack_subelements %bitcast3A_308, 1 {pack_format = #tpu.pack_format<interleaved>} : vector<32xbf16> -> vector<16xf32>
        %mul3A_311 = arith.mulf %unpack3A_304, %get3A_300 : vector<16xf32>
        %swap3A_312 = arith.index_cast %mul3A_298 : i32 to index
        %swap3A_313 = tpu.vector_load %arg20[%swap3A_312] {strides = array<i32>} : memref<4000xf32, #tpu.memory_space<vmem>>, vector<16xf32>,
        tpu.vector_store %arg20[%swap3A_312], %mul3A_311 {strides = array<i32>} : memref<4000xf32, #tpu.memory_space<vmem>>, vector<16xf32>,
        %mul3A_314 = arith.mulf %unpack3A_305, %get3A_300 : vector<16xf32>
        %swap3A_315 = arith.index_cast %mul3A_298 : i32 to index
        %swap3A_316 = tpu.vector_load %arg22[%swap3A_315] {strides = array<i32>} : memref<4000xf32, #tpu.memory_space<vmem>>, vector<16xf32>,
        tpu.vector_store %arg22[%swap3A_315], %mul3A_314 {strides = array<i32>} : memref<4000xf32, #tpu.memory_space<vmem>>, vector<16xf32>,
        %mul3A_317 = arith.mulf %unpack3A_309, %get3A_300 : vector<16xf32>
        %swap3A_318 = arith.index_cast %mul3A_298 : i32 to index
        %swap3A_319 = tpu.vector_load %arg24[%swap3A_318] {strides = array<i32>} : memref<4000xf32, #tpu.memory_space<vmem>>, vector<16xf32>,
        tpu.vector_store %arg24[%swap3A_318], %mul3A_317 {strides = array<i32>} : memref<4000xf32, #tpu.memory_space<vmem>>, vector<16xf32>,
        %mul3A_320 = arith.mulf %unpack3A_310, %get3A_300 : vector<16xf32>
        %swap3A_321 = arith.index_cast %mul3A_298 : i32 to index
        %swap3A_322 = tpu.vector_load %arg26[%swap3A_321] {strides = array<i32>} : memref<4000xf32, #tpu.memory_space<vmem>>, vector<16xf32>,
        tpu.vector_store %arg26[%swap3A_321], %mul3A_320 {strides = array<i32>} : memref<4000xf32, #tpu.memory_space<vmem>>, vector<16xf32>,
        %scan3A_323 = arith.constant 0 : i32
        scf.yield %scan3A_323 : i32
      }
      %scan3A_106 = arith.constant 50 : i32
      %dma_start3A_107 = arith.constant 0 : i32
      %dma_start3A_108 = tpu.memref_slice %arg39[%dma_start3A_107] : memref<100352xf32, #tpu.memory_space<vmem_shared>> -> memref<100352xf32, #tpu.memory_space<vmem_shared>>
      tpu.enqueue_indirect_dma source(%arg20 : memref<4000xf32, #tpu.memory_space<vmem>>) target(%dma_start3A_108 : memref<100352xf32, #tpu.memory_space<vmem_shared>>) offsets(%arg12 : memref<4000xi32, #tpu.memory_space<vmem>>) semaphore(%arg35 : memref<!tpu.dma_semaphore, #tpu.memory_space<semaphore_mem>>) {add = true}
      %dma_start3A_109 = arith.constant 0 : i32
      %dma_start3A_110 = tpu.memref_slice %arg40[%dma_start3A_109] : memref<100352xf32, #tpu.memory_space<vmem_shared>> -> memref<100352xf32, #tpu.memory_space<vmem_shared>>
      tpu.enqueue_indirect_dma source(%arg22 : memref<4000xf32, #tpu.memory_space<vmem>>) target(%dma_start3A_110 : memref<100352xf32, #tpu.memory_space<vmem_shared>>) offsets(%arg12 : memref<4000xi32, #tpu.memory_space<vmem>>) semaphore(%arg35 : memref<!tpu.dma_semaphore, #tpu.memory_space<semaphore_mem>>) {add = true}
      %dma_start3A_111 = arith.constant 0 : i32
      %dma_start3A_112 = tpu.memref_slice %arg41[%dma_start3A_111] : memref<100352xf32, #tpu.memory_space<vmem_shared>> -> memref<100352xf32, #tpu.memory_space<vmem_shared>>
      tpu.enqueue_indirect_dma source(%arg24 : memref<4000xf32, #tpu.memory_space<vmem>>) target(%dma_start3A_112 : memref<100352xf32, #tpu.memory_space<vmem_shared>>) offsets(%arg12 : memref<4000xi32, #tpu.memory_space<vmem>>) semaphore(%arg35 : memref<!tpu.dma_semaphore, #tpu.memory_space<semaphore_mem>>) {add = true}
      %dma_start3A_113 = arith.constant 0 : i32
      %dma_start3A_114 = tpu.memref_slice %arg42[%dma_start3A_113] : memref<100352xf32, #tpu.memory_space<vmem_shared>> -> memref<100352xf32, #tpu.memory_space<vmem_shared>>
      tpu.enqueue_indirect_dma source(%arg26 : memref<4000xf32, #tpu.memory_space<vmem>>) target(%dma_start3A_114 : memref<100352xf32, #tpu.memory_space<vmem_shared>>) offsets(%arg12 : memref<4000xi32, #tpu.memory_space<vmem>>) semaphore(%arg35 : memref<!tpu.dma_semaphore, #tpu.memory_space<semaphore_mem>>) {add = true}
      %mul3A_115 = arith.constant 2 : i32
      %mul3A_116 = arith.muli %scan3A_59, %mul3A_115 : i32
      %add3A_117 = arith.constant 1 : i32
      %add3A_118 = arith.addi %mul3A_116, %add3A_117 : i32
      %mul3A_119 = arith.constant 3200000 : i32
      %mul3A_120 = arith.muli %arg0, %mul3A_119 : i32
      %mul3A_121 = arith.constant 200000 : i32
      %mul3A_122 = arith.muli %arg1, %mul3A_121 : i32
      %add3A_123 = arith.addi %mul3A_120, %mul3A_122 : i32
      %mul3A_124 = arith.constant 4000 : i32
      %mul3A_125 = arith.muli %add3A_118, %mul3A_124 : i32
      %add3A_126 = arith.addi %add3A_123, %mul3A_125 : i32
      %multiple_of3A_127 = tpu.assume_multiple %add3A_126, 8 : i32
      %dma_wait3A_128 = tpu.memref_slice %arg6[%multiple_of3A_127] : memref<6400000xi32, #tpu.memory_space<hbm>> -> memref<4000xi32, #tpu.memory_space<hbm>>
      %dma_wait3A_129 = tpu.memref_slice %arg6[%multiple_of3A_127] : memref<6400000xi32, #tpu.memory_space<hbm>> -> memref<4000xi32, #tpu.memory_space<hbm>>
      tpu.wait_dma2 semaphore(%arg32 : memref<!tpu.dma_semaphore, #tpu.memory_space<semaphore_mem>>) src(%dma_wait3A_129 : memref<4000xi32, #tpu.memory_space<hbm>>) dst(%arg11 : memref<4000xi32, #tpu.memory_space<vmem>>)
      %dma_wait3A_130 = tpu.memref_slice %arg7[%multiple_of3A_127] : memref<6400000xi32, #tpu.memory_space<hbm>> -> memref<4000xi32, #tpu.memory_space<hbm>>
      %dma_wait3A_131 = tpu.memref_slice %arg7[%multiple_of3A_127] : memref<6400000xi32, #tpu.memory_space<hbm>> -> memref<4000xi32, #tpu.memory_space<hbm>>
      tpu.wait_dma2 semaphore(%arg32 : memref<!tpu.dma_semaphore, #tpu.memory_space<semaphore_mem>>) src(%dma_wait3A_131 : memref<4000xi32, #tpu.memory_space<hbm>>) dst(%arg13 : memref<4000xi32, #tpu.memory_space<vmem>>)
      %dma_wait3A_132 = tpu.memref_slice %arg8[%multiple_of3A_127] : memref<6400000xf32, #tpu.memory_space<hbm>> -> memref<4000xf32, #tpu.memory_space<hbm>>
      %dma_wait3A_133 = tpu.memref_slice %arg8[%multiple_of3A_127] : memref<6400000xf32, #tpu.memory_space<hbm>> -> memref<4000xf32, #tpu.memory_space<hbm>>
      tpu.wait_dma2 semaphore(%arg32 : memref<!tpu.dma_semaphore, #tpu.memory_space<semaphore_mem>>) src(%dma_wait3A_133 : memref<4000xf32, #tpu.memory_space<hbm>>) dst(%arg15 : memref<4000xf32, #tpu.memory_space<vmem>>)
      %dma_start3A_134 = arith.constant 0 : i32
      %dma_start3A_135 = tpu.memref_slice %arg37[%dma_start3A_134] : memref<100352xi32, #tpu.memory_space<vmem_shared>> -> memref<100352xi32, #tpu.memory_space<vmem_shared>>
      tpu.enqueue_indirect_dma source(%dma_start3A_135 : memref<100352xi32, #tpu.memory_space<vmem_shared>>) target(%arg17 : memref<4000xi32, #tpu.memory_space<vmem>>) offsets(%arg11 : memref<4000xi32, #tpu.memory_space<vmem>>) semaphore(%arg34 : memref<!tpu.dma_semaphore, #tpu.memory_space<semaphore_mem>>)
      %dma_start3A_136 = arith.constant 0 : i32
      %dma_start3A_137 = tpu.memref_slice %arg38[%dma_start3A_136] : memref<100352xi32, #tpu.memory_space<vmem_shared>> -> memref<100352xi32, #tpu.memory_space<vmem_shared>>
      tpu.enqueue_indirect_dma source(%dma_start3A_137 : memref<100352xi32, #tpu.memory_space<vmem_shared>>) target(%arg19 : memref<4000xi32, #tpu.memory_space<vmem>>) offsets(%arg11 : memref<4000xi32, #tpu.memory_space<vmem>>) semaphore(%arg34 : memref<!tpu.dma_semaphore, #tpu.memory_space<semaphore_mem>>)
      %ge3A_138 = arith.constant 1 : i32
      %ge3A_139 = arith.cmpi sge, %add3A_118, %ge3A_138 : i32
      %add3A_140 = arith.constant 1 : i32
      %add3A_141 = arith.addi %add3A_118, %add3A_140 : i32
      %lt3A_142 = arith.constant 50 : i32
      %lt3A_143 = arith.cmpi slt, %add3A_141, %lt3A_142 : i32
      %and3A_144 = arith.andi %ge3A_139, %lt3A_143 : i1
      %convert_element_type3A_145 = arith.extui %and3A_144 : i1 to i32
      %cond3A_146 = arith.constant 0 : i32
      %cond3A_147 = arith.cmpi ne, %convert_element_type3A_145, %cond3A_146 : i32
      scf.if %cond3A_147 {
        %dma_wait3A_175 = arith.constant 0 : i32
        %dma_wait3A_176 = tpu.memref_slice %arg39[%dma_wait3A_175] : memref<100352xf32, #tpu.memory_space<vmem_shared>> -> memref<100352xf32, #tpu.memory_space<vmem_shared>>
        tpu.wait_indirect_dma semaphore(%arg35 : memref<!tpu.dma_semaphore, #tpu.memory_space<semaphore_mem>>) src(%arg20 : memref<4000xf32, #tpu.memory_space<vmem>>) dst(%dma_wait3A_176 : memref<100352xf32, #tpu.memory_space<vmem_shared>>)
        %dma_wait3A_177 = arith.constant 0 : i32
        %dma_wait3A_178 = tpu.memref_slice %arg40[%dma_wait3A_177] : memref<100352xf32, #tpu.memory_space<vmem_shared>> -> memref<100352xf32, #tpu.memory_space<vmem_shared>>
        tpu.wait_indirect_dma semaphore(%arg35 : memref<!tpu.dma_semaphore, #tpu.memory_space<semaphore_mem>>) src(%arg22 : memref<4000xf32, #tpu.memory_space<vmem>>) dst(%dma_wait3A_178 : memref<100352xf32, #tpu.memory_space<vmem_shared>>)
        %dma_wait3A_179 = arith.constant 0 : i32
        %dma_wait3A_180 = tpu.memref_slice %arg41[%dma_wait3A_179] : memref<100352xf32, #tpu.memory_space<vmem_shared>> -> memref<100352xf32, #tpu.memory_space<vmem_shared>>
        tpu.wait_indirect_dma semaphore(%arg35 : memref<!tpu.dma_semaphore, #tpu.memory_space<semaphore_mem>>) src(%arg24 : memref<4000xf32, #tpu.memory_space<vmem>>) dst(%dma_wait3A_180 : memref<100352xf32, #tpu.memory_space<vmem_shared>>)
        %dma_wait3A_181 = arith.constant 0 : i32
        %dma_wait3A_182 = tpu.memref_slice %arg42[%dma_wait3A_181] : memref<100352xf32, #tpu.memory_space<vmem_shared>> -> memref<100352xf32, #tpu.memory_space<vmem_shared>>
        tpu.wait_indirect_dma semaphore(%arg35 : memref<!tpu.dma_semaphore, #tpu.memory_space<semaphore_mem>>) src(%arg26 : memref<4000xf32, #tpu.memory_space<vmem>>) dst(%dma_wait3A_182 : memref<100352xf32, #tpu.memory_space<vmem_shared>>)
      } else {
      }
      %add3A_148 = arith.constant 1 : i32
      %add3A_149 = arith.addi %add3A_118, %add3A_148 : i32
      %lt3A_150 = arith.constant 50 : i32
      %lt3A_151 = arith.cmpi slt, %add3A_149, %lt3A_150 : i32
      %convert_element_type3A_152 = arith.extui %lt3A_151 : i1 to i32
      %cond3A_153 = arith.constant 0 : i32
      %cond3A_154 = arith.cmpi ne, %convert_element_type3A_152, %cond3A_153 : i32
      scf.if %cond3A_154 {
        %add3A_175 = arith.constant 1 : i32
        %add3A_176 = arith.addi %add3A_118, %add3A_175 : i32
        %mul3A_177 = arith.constant 3200000 : i32
        %mul3A_178 = arith.muli %arg0, %mul3A_177 : i32
        %mul3A_179 = arith.constant 200000 : i32
        %mul3A_180 = arith.muli %arg1, %mul3A_179 : i32
        %add3A_181 = arith.addi %mul3A_178, %mul3A_180 : i32
        %mul3A_182 = arith.constant 4000 : i32
        %mul3A_183 = arith.muli %add3A_176, %mul3A_182 : i32
        %add3A_184 = arith.addi %add3A_181, %mul3A_183 : i32
        %multiple_of3A_185 = tpu.assume_multiple %add3A_184, 8 : i32
        %dma_start3A_186 = tpu.memref_slice %arg6[%multiple_of3A_185] : memref<6400000xi32, #tpu.memory_space<hbm>> -> memref<4000xi32, #tpu.memory_space<hbm>>
        %dma_start3A_187 = tpu.memref_slice %arg6[%multiple_of3A_185] : memref<6400000xi32, #tpu.memory_space<hbm>> -> memref<4000xi32, #tpu.memory_space<hbm>>
        tpu.enqueue_dma source(%dma_start3A_187 : memref<4000xi32, #tpu.memory_space<hbm>>) target(%arg10 : memref<4000xi32, #tpu.memory_space<vmem>>) target_semaphore(%arg31 : memref<!tpu.dma_semaphore, #tpu.memory_space<semaphore_mem>>)
        %dma_start3A_188 = tpu.memref_slice %arg7[%multiple_of3A_185] : memref<6400000xi32, #tpu.memory_space<hbm>> -> memref<4000xi32, #tpu.memory_space<hbm>>
        %dma_start3A_189 = tpu.memref_slice %arg7[%multiple_of3A_185] : memref<6400000xi32, #tpu.memory_space<hbm>> -> memref<4000xi32, #tpu.memory_space<hbm>>
        tpu.enqueue_dma source(%dma_start3A_189 : memref<4000xi32, #tpu.memory_space<hbm>>) target(%arg12 : memref<4000xi32, #tpu.memory_space<vmem>>) target_semaphore(%arg31 : memref<!tpu.dma_semaphore, #tpu.memory_space<semaphore_mem>>)
        %dma_start3A_190 = tpu.memref_slice %arg8[%multiple_of3A_185] : memref<6400000xf32, #tpu.memory_space<hbm>> -> memref<4000xf32, #tpu.memory_space<hbm>>
        %dma_start3A_191 = tpu.memref_slice %arg8[%multiple_of3A_185] : memref<6400000xf32, #tpu.memory_space<hbm>> -> memref<4000xf32, #tpu.memory_space<hbm>>
        tpu.enqueue_dma source(%dma_start3A_191 : memref<4000xf32, #tpu.memory_space<hbm>>) target(%arg14 : memref<4000xf32, #tpu.memory_space<vmem>>) target_semaphore(%arg31 : memref<!tpu.dma_semaphore, #tpu.memory_space<semaphore_mem>>)
      } else {
      }
      %dma_wait3A_155 = arith.constant 0 : i32
      %dma_wait3A_156 = tpu.memref_slice %arg37[%dma_wait3A_155] : memref<100352xi32, #tpu.memory_space<vmem_shared>> -> memref<100352xi32, #tpu.memory_space<vmem_shared>>
      tpu.wait_indirect_dma semaphore(%arg34 : memref<!tpu.dma_semaphore, #tpu.memory_space<semaphore_mem>>) src(%dma_wait3A_156 : memref<100352xi32, #tpu.memory_space<vmem_shared>>) dst(%arg17 : memref<4000xi32, #tpu.memory_space<vmem>>)
      %dma_wait3A_157 = arith.constant 0 : i32
      %dma_wait3A_158 = tpu.memref_slice %arg38[%dma_wait3A_157] : memref<100352xi32, #tpu.memory_space<vmem_shared>> -> memref<100352xi32, #tpu.memory_space<vmem_shared>>
      tpu.wait_indirect_dma semaphore(%arg34 : memref<!tpu.dma_semaphore, #tpu.memory_space<semaphore_mem>>) src(%dma_wait3A_158 : memref<100352xi32, #tpu.memory_space<vmem_shared>>) dst(%arg19 : memref<4000xi32, #tpu.memory_space<vmem>>)
      %scan3A_159 = arith.constant 0 : i32
      %scan3A_160 = arith.constant 0 : i32
      %scan3A_161 = arith.constant 50 : i32
      %scan3A_162 = arith.addi %scan3A_160, %scan3A_161 : i32
      %scan3A_163 = arith.constant 1 : i32
      %scan3A_164 = scf.for %scan3A_175 = %scan3A_160 to %scan3A_162 step %scan3A_163 iter_args(%scan3A_176 = %scan3A_159) -> (i32)  : i32 {
        %mul3A_177 = arith.constant 5 : i32
        %mul3A_178 = arith.muli %scan3A_175, %mul3A_177 : i32
        %add3A_179 = arith.constant 0 : i32
        %add3A_180 = arith.addi %mul3A_178, %add3A_179 : i32
        %mul3A_181 = arith.constant 16 : i32
        %mul3A_182 = arith.muli %add3A_180, %mul3A_181 : i32
        %get3A = arith.index_cast %mul3A_182 : i32 to index
        %get3A_183 = tpu.vector_load %arg15[%get3A] {strides = array<i32>} : memref<4000xf32, #tpu.memory_space<vmem>>, vector<16xf32>,
        %get3A_184 = arith.index_cast %mul3A_182 : i32 to index
        %get3A_185 = tpu.vector_load %arg17[%get3A_184] {strides = array<i32>} : memref<4000xi32, #tpu.memory_space<vmem>>, vector<16xi32>,
        %bitcast3A = vector.bitcast %get3A_185 : vector<16xi32> to vector<32xbf16>
        %unpack3A = tpu.unpack_subelements %bitcast3A, 0 {pack_format = #tpu.pack_format<interleaved>} : vector<32xbf16> -> vector<16xf32>
        %unpack3A_186 = tpu.unpack_subelements %bitcast3A, 1 {pack_format = #tpu.pack_format<interleaved>} : vector<32xbf16> -> vector<16xf32>
        %get3A_187 = arith.index_cast %mul3A_182 : i32 to index
        %get3A_188 = tpu.vector_load %arg19[%get3A_187] {strides = array<i32>} : memref<4000xi32, #tpu.memory_space<vmem>>, vector<16xi32>,
        %bitcast3A_189 = vector.bitcast %get3A_188 : vector<16xi32> to vector<32xbf16>
        %unpack3A_190 = tpu.unpack_subelements %bitcast3A_189, 0 {pack_format = #tpu.pack_format<interleaved>} : vector<32xbf16> -> vector<16xf32>
        %unpack3A_191 = tpu.unpack_subelements %bitcast3A_189, 1 {pack_format = #tpu.pack_format<interleaved>} : vector<32xbf16> -> vector<16xf32>
        %mul3A_192 = arith.mulf %unpack3A, %get3A_183 : vector<16xf32>
        %swap3A = arith.index_cast %mul3A_182 : i32 to index
        %swap3A_193 = tpu.vector_load %arg21[%swap3A] {strides = array<i32>} : memref<4000xf32, #tpu.memory_space<vmem>>, vector<16xf32>,
        tpu.vector_store %arg21[%swap3A], %mul3A_192 {strides = array<i32>} : memref<4000xf32, #tpu.memory_space<vmem>>, vector<16xf32>,
        %mul3A_194 = arith.mulf %unpack3A_186, %get3A_183 : vector<16xf32>
        %swap3A_195 = arith.index_cast %mul3A_182 : i32 to index
        %swap3A_196 = tpu.vector_load %arg23[%swap3A_195] {strides = array<i32>} : memref<4000xf32, #tpu.memory_space<vmem>>, vector<16xf32>,
        tpu.vector_store %arg23[%swap3A_195], %mul3A_194 {strides = array<i32>} : memref<4000xf32, #tpu.memory_space<vmem>>, vector<16xf32>,
        %mul3A_197 = arith.mulf %unpack3A_190, %get3A_183 : vector<16xf32>
        %swap3A_198 = arith.index_cast %mul3A_182 : i32 to index
        %swap3A_199 = tpu.vector_load %arg25[%swap3A_198] {strides = array<i32>} : memref<4000xf32, #tpu.memory_space<vmem>>, vector<16xf32>,
        tpu.vector_store %arg25[%swap3A_198], %mul3A_197 {strides = array<i32>} : memref<4000xf32, #tpu.memory_space<vmem>>, vector<16xf32>,
        %mul3A_200 = arith.mulf %unpack3A_191, %get3A_183 : vector<16xf32>
        %swap3A_201 = arith.index_cast %mul3A_182 : i32 to index
        %swap3A_202 = tpu.vector_load %arg27[%swap3A_201] {strides = array<i32>} : memref<4000xf32, #tpu.memory_space<vmem>>, vector<16xf32>,
        tpu.vector_store %arg27[%swap3A_201], %mul3A_200 {strides = array<i32>} : memref<4000xf32, #tpu.memory_space<vmem>>, vector<16xf32>,
        %mul3A_203 = arith.constant 5 : i32
        %mul3A_204 = arith.muli %scan3A_175, %mul3A_203 : i32
        %add3A_205 = arith.constant 1 : i32
        %add3A_206 = arith.addi %mul3A_204, %add3A_205 : i32
        %mul3A_207 = arith.constant 16 : i32
        %mul3A_208 = arith.muli %add3A_206, %mul3A_207 : i32
        %get3A_209 = arith.index_cast %mul3A_208 : i32 to index
        %get3A_210 = tpu.vector_load %arg15[%get3A_209] {strides = array<i32>} : memref<4000xf32, #tpu.memory_space<vmem>>, vector<16xf32>,
        %get3A_211 = arith.index_cast %mul3A_208 : i32 to index
        %get3A_212 = tpu.vector_load %arg17[%get3A_211] {strides = array<i32>} : memref<4000xi32, #tpu.memory_space<vmem>>, vector<16xi32>,
        %bitcast3A_213 = vector.bitcast %get3A_212 : vector<16xi32> to vector<32xbf16>
        %unpack3A_214 = tpu.unpack_subelements %bitcast3A_213, 0 {pack_format = #tpu.pack_format<interleaved>} : vector<32xbf16> -> vector<16xf32>
        %unpack3A_215 = tpu.unpack_subelements %bitcast3A_213, 1 {pack_format = #tpu.pack_format<interleaved>} : vector<32xbf16> -> vector<16xf32>
        %get3A_216 = arith.index_cast %mul3A_208 : i32 to index
        %get3A_217 = tpu.vector_load %arg19[%get3A_216] {strides = array<i32>} : memref<4000xi32, #tpu.memory_space<vmem>>, vector<16xi32>,
        %bitcast3A_218 = vector.bitcast %get3A_217 : vector<16xi32> to vector<32xbf16>
        %unpack3A_219 = tpu.unpack_subelements %bitcast3A_218, 0 {pack_format = #tpu.pack_format<interleaved>} : vector<32xbf16> -> vector<16xf32>
        %unpack3A_220 = tpu.unpack_subelements %bitcast3A_218, 1 {pack_format = #tpu.pack_format<interleaved>} : vector<32xbf16> -> vector<16xf32>
        %mul3A_221 = arith.mulf %unpack3A_214, %get3A_210 : vector<16xf32>
        %swap3A_222 = arith.index_cast %mul3A_208 : i32 to index
        %swap3A_223 = tpu.vector_load %arg21[%swap3A_222] {strides = array<i32>} : memref<4000xf32, #tpu.memory_space<vmem>>, vector<16xf32>,
        tpu.vector_store %arg21[%swap3A_222], %mul3A_221 {strides = array<i32>} : memref<4000xf32, #tpu.memory_space<vmem>>, vector<16xf32>,
        %mul3A_224 = arith.mulf %unpack3A_215, %get3A_210 : vector<16xf32>
        %swap3A_225 = arith.index_cast %mul3A_208 : i32 to index
        %swap3A_226 = tpu.vector_load %arg23[%swap3A_225] {strides = array<i32>} : memref<4000xf32, #tpu.memory_space<vmem>>, vector<16xf32>,
        tpu.vector_store %arg23[%swap3A_225], %mul3A_224 {strides = array<i32>} : memref<4000xf32, #tpu.memory_space<vmem>>, vector<16xf32>,
        %mul3A_227 = arith.mulf %unpack3A_219, %get3A_210 : vector<16xf32>
        %swap3A_228 = arith.index_cast %mul3A_208 : i32 to index
        %swap3A_229 = tpu.vector_load %arg25[%swap3A_228] {strides = array<i32>} : memref<4000xf32, #tpu.memory_space<vmem>>, vector<16xf32>,
        tpu.vector_store %arg25[%swap3A_228], %mul3A_227 {strides = array<i32>} : memref<4000xf32, #tpu.memory_space<vmem>>, vector<16xf32>,
        %mul3A_230 = arith.mulf %unpack3A_220, %get3A_210 : vector<16xf32>
        %swap3A_231 = arith.index_cast %mul3A_208 : i32 to index
        %swap3A_232 = tpu.vector_load %arg27[%swap3A_231] {strides = array<i32>} : memref<4000xf32, #tpu.memory_space<vmem>>, vector<16xf32>,
        tpu.vector_store %arg27[%swap3A_231], %mul3A_230 {strides = array<i32>} : memref<4000xf32, #tpu.memory_space<vmem>>, vector<16xf32>,
        %mul3A_233 = arith.constant 5 : i32
        %mul3A_234 = arith.muli %scan3A_175, %mul3A_233 : i32
        %add3A_235 = arith.constant 2 : i32
        %add3A_236 = arith.addi %mul3A_234, %add3A_235 : i32
        %mul3A_237 = arith.constant 16 : i32
        %mul3A_238 = arith.muli %add3A_236, %mul3A_237 : i32
        %get3A_239 = arith.index_cast %mul3A_238 : i32 to index
        %get3A_240 = tpu.vector_load %arg15[%get3A_239] {strides = array<i32>} : memref<4000xf32, #tpu.memory_space<vmem>>, vector<16xf32>,
        %get3A_241 = arith.index_cast %mul3A_238 : i32 to index
        %get3A_242 = tpu.vector_load %arg17[%get3A_241] {strides = array<i32>} : memref<4000xi32, #tpu.memory_space<vmem>>, vector<16xi32>,
        %bitcast3A_243 = vector.bitcast %get3A_242 : vector<16xi32> to vector<32xbf16>
        %unpack3A_244 = tpu.unpack_subelements %bitcast3A_243, 0 {pack_format = #tpu.pack_format<interleaved>} : vector<32xbf16> -> vector<16xf32>
        %unpack3A_245 = tpu.unpack_subelements %bitcast3A_243, 1 {pack_format = #tpu.pack_format<interleaved>} : vector<32xbf16> -> vector<16xf32>
        %get3A_246 = arith.index_cast %mul3A_238 : i32 to index
        %get3A_247 = tpu.vector_load %arg19[%get3A_246] {strides = array<i32>} : memref<4000xi32, #tpu.memory_space<vmem>>, vector<16xi32>,
        %bitcast3A_248 = vector.bitcast %get3A_247 : vector<16xi32> to vector<32xbf16>
        %unpack3A_249 = tpu.unpack_subelements %bitcast3A_248, 0 {pack_format = #tpu.pack_format<interleaved>} : vector<32xbf16> -> vector<16xf32>
        %unpack3A_250 = tpu.unpack_subelements %bitcast3A_248, 1 {pack_format = #tpu.pack_format<interleaved>} : vector<32xbf16> -> vector<16xf32>
        %mul3A_251 = arith.mulf %unpack3A_244, %get3A_240 : vector<16xf32>
        %swap3A_252 = arith.index_cast %mul3A_238 : i32 to index
        %swap3A_253 = tpu.vector_load %arg21[%swap3A_252] {strides = array<i32>} : memref<4000xf32, #tpu.memory_space<vmem>>, vector<16xf32>,
        tpu.vector_store %arg21[%swap3A_252], %mul3A_251 {strides = array<i32>} : memref<4000xf32, #tpu.memory_space<vmem>>, vector<16xf32>,
        %mul3A_254 = arith.mulf %unpack3A_245, %get3A_240 : vector<16xf32>
        %swap3A_255 = arith.index_cast %mul3A_238 : i32 to index
        %swap3A_256 = tpu.vector_load %arg23[%swap3A_255] {strides = array<i32>} : memref<4000xf32, #tpu.memory_space<vmem>>, vector<16xf32>,
        tpu.vector_store %arg23[%swap3A_255], %mul3A_254 {strides = array<i32>} : memref<4000xf32, #tpu.memory_space<vmem>>, vector<16xf32>,
        %mul3A_257 = arith.mulf %unpack3A_249, %get3A_240 : vector<16xf32>
        %swap3A_258 = arith.index_cast %mul3A_238 : i32 to index
        %swap3A_259 = tpu.vector_load %arg25[%swap3A_258] {strides = array<i32>} : memref<4000xf32, #tpu.memory_space<vmem>>, vector<16xf32>,
        tpu.vector_store %arg25[%swap3A_258], %mul3A_257 {strides = array<i32>} : memref<4000xf32, #tpu.memory_space<vmem>>, vector<16xf32>,
        %mul3A_260 = arith.mulf %unpack3A_250, %get3A_240 : vector<16xf32>
        %swap3A_261 = arith.index_cast %mul3A_238 : i32 to index
        %swap3A_262 = tpu.vector_load %arg27[%swap3A_261] {strides = array<i32>} : memref<4000xf32, #tpu.memory_space<vmem>>, vector<16xf32>,
        tpu.vector_store %arg27[%swap3A_261], %mul3A_260 {strides = array<i32>} : memref<4000xf32, #tpu.memory_space<vmem>>, vector<16xf32>,
        %mul3A_263 = arith.constant 5 : i32
        %mul3A_264 = arith.muli %scan3A_175, %mul3A_263 : i32
        %add3A_265 = arith.constant 3 : i32
        %add3A_266 = arith.addi %mul3A_264, %add3A_265 : i32
        %mul3A_267 = arith.constant 16 : i32
        %mul3A_268 = arith.muli %add3A_266, %mul3A_267 : i32
        %get3A_269 = arith.index_cast %mul3A_268 : i32 to index
        %get3A_270 = tpu.vector_load %arg15[%get3A_269] {strides = array<i32>} : memref<4000xf32, #tpu.memory_space<vmem>>, vector<16xf32>,
        %get3A_271 = arith.index_cast %mul3A_268 : i32 to index
        %get3A_272 = tpu.vector_load %arg17[%get3A_271] {strides = array<i32>} : memref<4000xi32, #tpu.memory_space<vmem>>, vector<16xi32>,
        %bitcast3A_273 = vector.bitcast %get3A_272 : vector<16xi32> to vector<32xbf16>
        %unpack3A_274 = tpu.unpack_subelements %bitcast3A_273, 0 {pack_format = #tpu.pack_format<interleaved>} : vector<32xbf16> -> vector<16xf32>
        %unpack3A_275 = tpu.unpack_subelements %bitcast3A_273, 1 {pack_format = #tpu.pack_format<interleaved>} : vector<32xbf16> -> vector<16xf32>
        %get3A_276 = arith.index_cast %mul3A_268 : i32 to index
        %get3A_277 = tpu.vector_load %arg19[%get3A_276] {strides = array<i32>} : memref<4000xi32, #tpu.memory_space<vmem>>, vector<16xi32>,
        %bitcast3A_278 = vector.bitcast %get3A_277 : vector<16xi32> to vector<32xbf16>
        %unpack3A_279 = tpu.unpack_subelements %bitcast3A_278, 0 {pack_format = #tpu.pack_format<interleaved>} : vector<32xbf16> -> vector<16xf32>
        %unpack3A_280 = tpu.unpack_subelements %bitcast3A_278, 1 {pack_format = #tpu.pack_format<interleaved>} : vector<32xbf16> -> vector<16xf32>
        %mul3A_281 = arith.mulf %unpack3A_274, %get3A_270 : vector<16xf32>
        %swap3A_282 = arith.index_cast %mul3A_268 : i32 to index
        %swap3A_283 = tpu.vector_load %arg21[%swap3A_282] {strides = array<i32>} : memref<4000xf32, #tpu.memory_space<vmem>>, vector<16xf32>,
        tpu.vector_store %arg21[%swap3A_282], %mul3A_281 {strides = array<i32>} : memref<4000xf32, #tpu.memory_space<vmem>>, vector<16xf32>,
        %mul3A_284 = arith.mulf %unpack3A_275, %get3A_270 : vector<16xf32>
        %swap3A_285 = arith.index_cast %mul3A_268 : i32 to index
        %swap3A_286 = tpu.vector_load %arg23[%swap3A_285] {strides = array<i32>} : memref<4000xf32, #tpu.memory_space<vmem>>, vector<16xf32>,
        tpu.vector_store %arg23[%swap3A_285], %mul3A_284 {strides = array<i32>} : memref<4000xf32, #tpu.memory_space<vmem>>, vector<16xf32>,
        %mul3A_287 = arith.mulf %unpack3A_279, %get3A_270 : vector<16xf32>
        %swap3A_288 = arith.index_cast %mul3A_268 : i32 to index
        %swap3A_289 = tpu.vector_load %arg25[%swap3A_288] {strides = array<i32>} : memref<4000xf32, #tpu.memory_space<vmem>>, vector<16xf32>,
        tpu.vector_store %arg25[%swap3A_288], %mul3A_287 {strides = array<i32>} : memref<4000xf32, #tpu.memory_space<vmem>>, vector<16xf32>,
        %mul3A_290 = arith.mulf %unpack3A_280, %get3A_270 : vector<16xf32>
        %swap3A_291 = arith.index_cast %mul3A_268 : i32 to index
        %swap3A_292 = tpu.vector_load %arg27[%swap3A_291] {strides = array<i32>} : memref<4000xf32, #tpu.memory_space<vmem>>, vector<16xf32>,
        tpu.vector_store %arg27[%swap3A_291], %mul3A_290 {strides = array<i32>} : memref<4000xf32, #tpu.memory_space<vmem>>, vector<16xf32>,
        %mul3A_293 = arith.constant 5 : i32
        %mul3A_294 = arith.muli %scan3A_175, %mul3A_293 : i32
        %add3A_295 = arith.constant 4 : i32
        %add3A_296 = arith.addi %mul3A_294, %add3A_295 : i32
        %mul3A_297 = arith.constant 16 : i32
        %mul3A_298 = arith.muli %add3A_296, %mul3A_297 : i32
        %get3A_299 = arith.index_cast %mul3A_298 : i32 to index
        %get3A_300 = tpu.vector_load %arg15[%get3A_299] {strides = array<i32>} : memref<4000xf32, #tpu.memory_space<vmem>>, vector<16xf32>,
        %get3A_301 = arith.index_cast %mul3A_298 : i32 to index
        %get3A_302 = tpu.vector_load %arg17[%get3A_301] {strides = array<i32>} : memref<4000xi32, #tpu.memory_space<vmem>>, vector<16xi32>,
        %bitcast3A_303 = vector.bitcast %get3A_302 : vector<16xi32> to vector<32xbf16>
        %unpack3A_304 = tpu.unpack_subelements %bitcast3A_303, 0 {pack_format = #tpu.pack_format<interleaved>} : vector<32xbf16> -> vector<16xf32>
        %unpack3A_305 = tpu.unpack_subelements %bitcast3A_303, 1 {pack_format = #tpu.pack_format<interleaved>} : vector<32xbf16> -> vector<16xf32>
        %get3A_306 = arith.index_cast %mul3A_298 : i32 to index
        %get3A_307 = tpu.vector_load %arg19[%get3A_306] {strides = array<i32>} : memref<4000xi32, #tpu.memory_space<vmem>>, vector<16xi32>,
        %bitcast3A_308 = vector.bitcast %get3A_307 : vector<16xi32> to vector<32xbf16>
        %unpack3A_309 = tpu.unpack_subelements %bitcast3A_308, 0 {pack_format = #tpu.pack_format<interleaved>} : vector<32xbf16> -> vector<16xf32>
        %unpack3A_310 = tpu.unpack_subelements %bitcast3A_308, 1 {pack_format = #tpu.pack_format<interleaved>} : vector<32xbf16> -> vector<16xf32>
        %mul3A_311 = arith.mulf %unpack3A_304, %get3A_300 : vector<16xf32>
        %swap3A_312 = arith.index_cast %mul3A_298 : i32 to index
        %swap3A_313 = tpu.vector_load %arg21[%swap3A_312] {strides = array<i32>} : memref<4000xf32, #tpu.memory_space<vmem>>, vector<16xf32>,
        tpu.vector_store %arg21[%swap3A_312], %mul3A_311 {strides = array<i32>} : memref<4000xf32, #tpu.memory_space<vmem>>, vector<16xf32>,
        %mul3A_314 = arith.mulf %unpack3A_305, %get3A_300 : vector<16xf32>
        %swap3A_315 = arith.index_cast %mul3A_298 : i32 to index
        %swap3A_316 = tpu.vector_load %arg23[%swap3A_315] {strides = array<i32>} : memref<4000xf32, #tpu.memory_space<vmem>>, vector<16xf32>,
        tpu.vector_store %arg23[%swap3A_315], %mul3A_314 {strides = array<i32>} : memref<4000xf32, #tpu.memory_space<vmem>>, vector<16xf32>,
        %mul3A_317 = arith.mulf %unpack3A_309, %get3A_300 : vector<16xf32>
        %swap3A_318 = arith.index_cast %mul3A_298 : i32 to index
        %swap3A_319 = tpu.vector_load %arg25[%swap3A_318] {strides = array<i32>} : memref<4000xf32, #tpu.memory_space<vmem>>, vector<16xf32>,
        tpu.vector_store %arg25[%swap3A_318], %mul3A_317 {strides = array<i32>} : memref<4000xf32, #tpu.memory_space<vmem>>, vector<16xf32>,
        %mul3A_320 = arith.mulf %unpack3A_310, %get3A_300 : vector<16xf32>
        %swap3A_321 = arith.index_cast %mul3A_298 : i32 to index
        %swap3A_322 = tpu.vector_load %arg27[%swap3A_321] {strides = array<i32>} : memref<4000xf32, #tpu.memory_space<vmem>>, vector<16xf32>,
        tpu.vector_store %arg27[%swap3A_321], %mul3A_320 {strides = array<i32>} : memref<4000xf32, #tpu.memory_space<vmem>>, vector<16xf32>,
        %scan3A_323 = arith.constant 0 : i32
        scf.yield %scan3A_323 : i32
      }
      %scan3A_165 = arith.constant 50 : i32
      %dma_start3A_166 = arith.constant 0 : i32
      %dma_start3A_167 = tpu.memref_slice %arg39[%dma_start3A_166] : memref<100352xf32, #tpu.memory_space<vmem_shared>> -> memref<100352xf32, #tpu.memory_space<vmem_shared>>
      tpu.enqueue_indirect_dma source(%arg21 : memref<4000xf32, #tpu.memory_space<vmem>>) target(%dma_start3A_167 : memref<100352xf32, #tpu.memory_space<vmem_shared>>) offsets(%arg13 : memref<4000xi32, #tpu.memory_space<vmem>>) semaphore(%arg36 : memref<!tpu.dma_semaphore, #tpu.memory_space<semaphore_mem>>) {add = true}
      %dma_start3A_168 = arith.constant 0 : i32
      %dma_start3A_169 = tpu.memref_slice %arg40[%dma_start3A_168] : memref<100352xf32, #tpu.memory_space<vmem_shared>> -> memref<100352xf32, #tpu.memory_space<vmem_shared>>
      tpu.enqueue_indirect_dma source(%arg23 : memref<4000xf32, #tpu.memory_space<vmem>>) target(%dma_start3A_169 : memref<100352xf32, #tpu.memory_space<vmem_shared>>) offsets(%arg13 : memref<4000xi32, #tpu.memory_space<vmem>>) semaphore(%arg36 : memref<!tpu.dma_semaphore, #tpu.memory_space<semaphore_mem>>) {add = true}
      %dma_start3A_170 = arith.constant 0 : i32
      %dma_start3A_171 = tpu.memref_slice %arg41[%dma_start3A_170] : memref<100352xf32, #tpu.memory_space<vmem_shared>> -> memref<100352xf32, #tpu.memory_space<vmem_shared>>
      tpu.enqueue_indirect_dma source(%arg25 : memref<4000xf32, #tpu.memory_space<vmem>>) target(%dma_start3A_171 : memref<100352xf32, #tpu.memory_space<vmem_shared>>) offsets(%arg13 : memref<4000xi32, #tpu.memory_space<vmem>>) semaphore(%arg36 : memref<!tpu.dma_semaphore, #tpu.memory_space<semaphore_mem>>) {add = true}
      %dma_start3A_172 = arith.constant 0 : i32
      %dma_start3A_173 = tpu.memref_slice %arg42[%dma_start3A_172] : memref<100352xf32, #tpu.memory_space<vmem_shared>> -> memref<100352xf32, #tpu.memory_space<vmem_shared>>
      tpu.enqueue_indirect_dma source(%arg27 : memref<4000xf32, #tpu.memory_space<vmem>>) target(%dma_start3A_173 : memref<100352xf32, #tpu.memory_space<vmem_shared>>) offsets(%arg13 : memref<4000xi32, #tpu.memory_space<vmem>>) semaphore(%arg36 : memref<!tpu.dma_semaphore, #tpu.memory_space<semaphore_mem>>) {add = true}
      %scan3A_174 = arith.constant 0 : i32
      scf.yield %scan3A_174 : i32
    }
    %scan3A_39 = arith.constant 25 : i32
    %dma_wait3A = arith.constant 0 : i32
    %dma_wait3A_40 = tpu.memref_slice %arg39[%dma_wait3A] : memref<100352xf32, #tpu.memory_space<vmem_shared>> -> memref<100352xf32, #tpu.memory_space<vmem_shared>>
    tpu.wait_indirect_dma semaphore(%arg35 : memref<!tpu.dma_semaphore, #tpu.memory_space<semaphore_mem>>) src(%arg20 : memref<4000xf32, #tpu.memory_space<vmem>>) dst(%dma_wait3A_40 : memref<100352xf32, #tpu.memory_space<vmem_shared>>)
    %dma_wait3A_41 = arith.constant 0 : i32
    %dma_wait3A_42 = tpu.memref_slice %arg40[%dma_wait3A_41] : memref<100352xf32, #tpu.memory_space<vmem_shared>> -> memref<100352xf32, #tpu.memory_space<vmem_shared>>
    tpu.wait_indirect_dma semaphore(%arg35 : memref<!tpu.dma_semaphore, #tpu.memory_space<semaphore_mem>>) src(%arg22 : memref<4000xf32, #tpu.memory_space<vmem>>) dst(%dma_wait3A_42 : memref<100352xf32, #tpu.memory_space<vmem_shared>>)
    %dma_wait3A_43 = arith.constant 0 : i32
    %dma_wait3A_44 = tpu.memref_slice %arg41[%dma_wait3A_43] : memref<100352xf32, #tpu.memory_space<vmem_shared>> -> memref<100352xf32, #tpu.memory_space<vmem_shared>>
    tpu.wait_indirect_dma semaphore(%arg35 : memref<!tpu.dma_semaphore, #tpu.memory_space<semaphore_mem>>) src(%arg24 : memref<4000xf32, #tpu.memory_space<vmem>>) dst(%dma_wait3A_44 : memref<100352xf32, #tpu.memory_space<vmem_shared>>)
    %dma_wait3A_45 = arith.constant 0 : i32
    %dma_wait3A_46 = tpu.memref_slice %arg42[%dma_wait3A_45] : memref<100352xf32, #tpu.memory_space<vmem_shared>> -> memref<100352xf32, #tpu.memory_space<vmem_shared>>
    tpu.wait_indirect_dma semaphore(%arg35 : memref<!tpu.dma_semaphore, #tpu.memory_space<semaphore_mem>>) src(%arg26 : memref<4000xf32, #tpu.memory_space<vmem>>) dst(%dma_wait3A_46 : memref<100352xf32, #tpu.memory_space<vmem_shared>>)
    %dma_wait3A_47 = arith.constant 0 : i32
    %dma_wait3A_48 = tpu.memref_slice %arg39[%dma_wait3A_47] : memref<100352xf32, #tpu.memory_space<vmem_shared>> -> memref<100352xf32, #tpu.memory_space<vmem_shared>>
    tpu.wait_indirect_dma semaphore(%arg36 : memref<!tpu.dma_semaphore, #tpu.memory_space<semaphore_mem>>) src(%arg21 : memref<4000xf32, #tpu.memory_space<vmem>>) dst(%dma_wait3A_48 : memref<100352xf32, #tpu.memory_space<vmem_shared>>)
    %dma_wait3A_49 = arith.constant 0 : i32
    %dma_wait3A_50 = tpu.memref_slice %arg40[%dma_wait3A_49] : memref<100352xf32, #tpu.memory_space<vmem_shared>> -> memref<100352xf32, #tpu.memory_space<vmem_shared>>
    tpu.wait_indirect_dma semaphore(%arg36 : memref<!tpu.dma_semaphore, #tpu.memory_space<semaphore_mem>>) src(%arg23 : memref<4000xf32, #tpu.memory_space<vmem>>) dst(%dma_wait3A_50 : memref<100352xf32, #tpu.memory_space<vmem_shared>>)
    %dma_wait3A_51 = arith.constant 0 : i32
    %dma_wait3A_52 = tpu.memref_slice %arg41[%dma_wait3A_51] : memref<100352xf32, #tpu.memory_space<vmem_shared>> -> memref<100352xf32, #tpu.memory_space<vmem_shared>>
    tpu.wait_indirect_dma semaphore(%arg36 : memref<!tpu.dma_semaphore, #tpu.memory_space<semaphore_mem>>) src(%arg25 : memref<4000xf32, #tpu.memory_space<vmem>>) dst(%dma_wait3A_52 : memref<100352xf32, #tpu.memory_space<vmem_shared>>)
    %dma_wait3A_53 = arith.constant 0 : i32
    %dma_wait3A_54 = tpu.memref_slice %arg42[%dma_wait3A_53] : memref<100352xf32, #tpu.memory_space<vmem_shared>> -> memref<100352xf32, #tpu.memory_space<vmem_shared>>
    tpu.wait_indirect_dma semaphore(%arg36 : memref<!tpu.dma_semaphore, #tpu.memory_space<semaphore_mem>>) src(%arg27 : memref<4000xf32, #tpu.memory_space<vmem>>) dst(%dma_wait3A_54 : memref<100352xf32, #tpu.memory_space<vmem_shared>>)
    %barrier3A_55 = arith.constant 0 : index
    tpu.barrier barrier_id(%barrier3A_55)
    %run_scoped3A = arith.constant 0 : i32
    "tpu.region"() ({
      %run_scoped3A_59 = tpu.sem_alloc : memref<!tpu.dma_semaphore, #tpu.memory_space<semaphore_mem>>
      %dma_start3A_60 = tpu.memref_slice %arg9[%arg0, %run_scoped3A, %mul3A_0] : memref<2x4x100352xf32, #tpu.memory_space<hbm>> -> memref<1x1x6272xf32, #tpu.memory_space<hbm>>
      %dma_start3A_61 = tpu.memref_squeeze %dma_start3A_60 : memref<1x1x6272xf32, #tpu.memory_space<hbm>> -> memref<6272xf32, #tpu.memory_space<hbm>>
      %dma_start3A_62 = tpu.memref_slice %arg39[%mul3A_0] : memref<100352xf32, #tpu.memory_space<vmem_shared>> -> memref<6272xf32, #tpu.memory_space<vmem_shared>>
      tpu.enqueue_dma source(%dma_start3A_62 : memref<6272xf32, #tpu.memory_space<vmem_shared>>) target(%dma_start3A_61 : memref<6272xf32, #tpu.memory_space<hbm>>) target_semaphore(%run_scoped3A_59 : memref<!tpu.dma_semaphore, #tpu.memory_space<semaphore_mem>>)
      %dma_wait3A_63 = tpu.memref_slice %arg9[%arg0, %run_scoped3A, %mul3A_0] : memref<2x4x100352xf32, #tpu.memory_space<hbm>> -> memref<1x1x6272xf32, #tpu.memory_space<hbm>>
      %dma_wait3A_64 = tpu.memref_squeeze %dma_wait3A_63 : memref<1x1x6272xf32, #tpu.memory_space<hbm>> -> memref<6272xf32, #tpu.memory_space<hbm>>
      %dma_wait3A_65 = tpu.memref_slice %arg39[%mul3A_0] : memref<100352xf32, #tpu.memory_space<vmem_shared>> -> memref<6272xf32, #tpu.memory_space<vmem_shared>>
      tpu.wait_dma2 semaphore(%run_scoped3A_59 : memref<!tpu.dma_semaphore, #tpu.memory_space<semaphore_mem>>) src(%dma_wait3A_65 : memref<6272xf32, #tpu.memory_space<vmem_shared>>) dst(%dma_wait3A_64 : memref<6272xf32, #tpu.memory_space<hbm>>)
      tpu.yield
    }) : () -> ()
    %run_scoped3A_56 = arith.constant 1 : i32
    "tpu.region"() ({
      %run_scoped3A_59 = tpu.sem_alloc : memref<!tpu.dma_semaphore, #tpu.memory_space<semaphore_mem>>
      %dma_start3A_60 = tpu.memref_slice %arg9[%arg0, %run_scoped3A_56, %mul3A_0] : memref<2x4x100352xf32, #tpu.memory_space<hbm>> -> memref<1x1x6272xf32, #tpu.memory_space<hbm>>
      %dma_start3A_61 = tpu.memref_squeeze %dma_start3A_60 : memref<1x1x6272xf32, #tpu.memory_space<hbm>> -> memref<6272xf32, #tpu.memory_space<hbm>>
      %dma_start3A_62 = tpu.memref_slice %arg40[%mul3A_0] : memref<100352xf32, #tpu.memory_space<vmem_shared>> -> memref<6272xf32, #tpu.memory_space<vmem_shared>>
      tpu.enqueue_dma source(%dma_start3A_62 : memref<6272xf32, #tpu.memory_space<vmem_shared>>) target(%dma_start3A_61 : memref<6272xf32, #tpu.memory_space<hbm>>) target_semaphore(%run_scoped3A_59 : memref<!tpu.dma_semaphore, #tpu.memory_space<semaphore_mem>>)
      %dma_wait3A_63 = tpu.memref_slice %arg9[%arg0, %run_scoped3A_56, %mul3A_0] : memref<2x4x100352xf32, #tpu.memory_space<hbm>> -> memref<1x1x6272xf32, #tpu.memory_space<hbm>>
      %dma_wait3A_64 = tpu.memref_squeeze %dma_wait3A_63 : memref<1x1x6272xf32, #tpu.memory_space<hbm>> -> memref<6272xf32, #tpu.memory_space<hbm>>
      %dma_wait3A_65 = tpu.memref_slice %arg40[%mul3A_0] : memref<100352xf32, #tpu.memory_space<vmem_shared>> -> memref<6272xf32, #tpu.memory_space<vmem_shared>>
      tpu.wait_dma2 semaphore(%run_scoped3A_59 : memref<!tpu.dma_semaphore, #tpu.memory_space<semaphore_mem>>) src(%dma_wait3A_65 : memref<6272xf32, #tpu.memory_space<vmem_shared>>) dst(%dma_wait3A_64 : memref<6272xf32, #tpu.memory_space<hbm>>)
      tpu.yield
    }) : () -> ()
    %run_scoped3A_57 = arith.constant 2 : i32
    "tpu.region"() ({
      %run_scoped3A_59 = tpu.sem_alloc : memref<!tpu.dma_semaphore, #tpu.memory_space<semaphore_mem>>
      %dma_start3A_60 = tpu.memref_slice %arg9[%arg0, %run_scoped3A_57, %mul3A_0] : memref<2x4x100352xf32, #tpu.memory_space<hbm>> -> memref<1x1x6272xf32, #tpu.memory_space<hbm>>
      %dma_start3A_61 = tpu.memref_squeeze %dma_start3A_60 : memref<1x1x6272xf32, #tpu.memory_space<hbm>> -> memref<6272xf32, #tpu.memory_space<hbm>>
      %dma_start3A_62 = tpu.memref_slice %arg41[%mul3A_0] : memref<100352xf32, #tpu.memory_space<vmem_shared>> -> memref<6272xf32, #tpu.memory_space<vmem_shared>>
      tpu.enqueue_dma source(%dma_start3A_62 : memref<6272xf32, #tpu.memory_space<vmem_shared>>) target(%dma_start3A_61 : memref<6272xf32, #tpu.memory_space<hbm>>) target_semaphore(%run_scoped3A_59 : memref<!tpu.dma_semaphore, #tpu.memory_space<semaphore_mem>>)
      %dma_wait3A_63 = tpu.memref_slice %arg9[%arg0, %run_scoped3A_57, %mul3A_0] : memref<2x4x100352xf32, #tpu.memory_space<hbm>> -> memref<1x1x6272xf32, #tpu.memory_space<hbm>>
      %dma_wait3A_64 = tpu.memref_squeeze %dma_wait3A_63 : memref<1x1x6272xf32, #tpu.memory_space<hbm>> -> memref<6272xf32, #tpu.memory_space<hbm>>
      %dma_wait3A_65 = tpu.memref_slice %arg41[%mul3A_0] : memref<100352xf32, #tpu.memory_space<vmem_shared>> -> memref<6272xf32, #tpu.memory_space<vmem_shared>>
      tpu.wait_dma2 semaphore(%run_scoped3A_59 : memref<!tpu.dma_semaphore, #tpu.memory_space<semaphore_mem>>) src(%dma_wait3A_65 : memref<6272xf32, #tpu.memory_space<vmem_shared>>) dst(%dma_wait3A_64 : memref<6272xf32, #tpu.memory_space<hbm>>)
      tpu.yield
    }) : () -> ()
    %run_scoped3A_58 = arith.constant 3 : i32
    "tpu.region"() ({
      %run_scoped3A_59 = tpu.sem_alloc : memref<!tpu.dma_semaphore, #tpu.memory_space<semaphore_mem>>
      %dma_start3A_60 = tpu.memref_slice %arg9[%arg0, %run_scoped3A_58, %mul3A_0] : memref<2x4x100352xf32, #tpu.memory_space<hbm>> -> memref<1x1x6272xf32, #tpu.memory_space<hbm>>
      %dma_start3A_61 = tpu.memref_squeeze %dma_start3A_60 : memref<1x1x6272xf32, #tpu.memory_space<hbm>> -> memref<6272xf32, #tpu.memory_space<hbm>>
      %dma_start3A_62 = tpu.memref_slice %arg42[%mul3A_0] : memref<100352xf32, #tpu.memory_space<vmem_shared>> -> memref<6272xf32, #tpu.memory_space<vmem_shared>>
      tpu.enqueue_dma source(%dma_start3A_62 : memref<6272xf32, #tpu.memory_space<vmem_shared>>) target(%dma_start3A_61 : memref<6272xf32, #tpu.memory_space<hbm>>) target_semaphore(%run_scoped3A_59 : memref<!tpu.dma_semaphore, #tpu.memory_space<semaphore_mem>>)
      %dma_wait3A_63 = tpu.memref_slice %arg9[%arg0, %run_scoped3A_58, %mul3A_0] : memref<2x4x100352xf32, #tpu.memory_space<hbm>> -> memref<1x1x6272xf32, #tpu.memory_space<hbm>>
      %dma_wait3A_64 = tpu.memref_squeeze %dma_wait3A_63 : memref<1x1x6272xf32, #tpu.memory_space<hbm>> -> memref<6272xf32, #tpu.memory_space<hbm>>
      %dma_wait3A_65 = tpu.memref_slice %arg42[%mul3A_0] : memref<100352xf32, #tpu.memory_space<vmem_shared>> -> memref<6272xf32, #tpu.memory_space<vmem_shared>>
      tpu.wait_dma2 semaphore(%run_scoped3A_59 : memref<!tpu.dma_semaphore, #tpu.memory_space<semaphore_mem>>) src(%dma_wait3A_65 : memref<6272xf32, #tpu.memory_space<vmem_shared>>) dst(%dma_wait3A_64 : memref<6272xf32, #tpu.memory_space<hbm>>)
      tpu.yield
    }) : () -> ()
    return
  }
}

#map = affine_map<(d0, d1) -> (0)>
#map1 = affine_map<(d0, d1) -> (0, 0)>
module attributes {stable_mosaic.version = 14 : i64} {
  func.func @body(%arg0: i32, %arg1: i32, %arg2: memref<100352xf32, #tpu.memory_space<hbm>>, %arg3: memref<6400000xi32, #tpu.memory_space<hbm>>, %arg4: memref<6400000xi32, #tpu.memory_space<hbm>>, %arg5: memref<6400000xf32, #tpu.memory_space<hbm>>, %arg6: memref<2x100352xf32, #tpu.memory_space<hbm>>, %arg7: memref<10000xi32, #tpu.memory_space<vmem>>, %arg8: memref<10000xi32, #tpu.memory_space<vmem>>, %arg9: memref<10000xi32, #tpu.memory_space<vmem>>, %arg10: memref<10000xi32, #tpu.memory_space<vmem>>, %arg11: memref<10000xf32, #tpu.memory_space<vmem>>, %arg12: memref<10000xf32, #tpu.memory_space<vmem>>, %arg13: memref<10000xf32, #tpu.memory_space<vmem>>, %arg14: memref<10000xf32, #tpu.memory_space<vmem>>, %arg15: memref<6272xf32, #tpu.memory_space<vmem>>, %arg16: memref<!tpu.dma_semaphore, #tpu.memory_space<semaphore_mem>>, %arg17: memref<!tpu.dma_semaphore, #tpu.memory_space<semaphore_mem>>, %arg18: memref<!tpu.dma_semaphore, #tpu.memory_space<semaphore_mem>>, %arg19: memref<!tpu.dma_semaphore, #tpu.memory_space<semaphore_mem>>, %arg20: memref<!tpu.dma_semaphore, #tpu.memory_space<semaphore_mem>>, %arg21: memref<!tpu.dma_semaphore, #tpu.memory_space<semaphore_mem>>, %arg22: memref<100352xf32, #tpu.memory_space<vmem_shared>>, %arg23: memref<100352xf32, #tpu.memory_space<vmem_shared>>) attributes {dimension_semantics = [#tpu.dimension_semantics<core_parallel>, #tpu.dimension_semantics<subcore_parallel>], iteration_bounds = array<i64: 2, 16>, scalar_prefetch = 0 : i64, scratch_operands = 17 : i64, tpu.core_type = #tpu.core_type<sc_vector_subcore>, window_params = [{transform_indices = #map}, {transform_indices = #map}, {transform_indices = #map}, {transform_indices = #map}, {transform_indices = #map1}]} {
    %mul3A = arith.constant 6272 : i32
    %mul3A_0 = arith.muli %arg1, %mul3A : i32
    %broadcast_in_dim3A = arith.constant 0.000000e+00 : f32
    %broadcast_in_dim3A_1 = vector.broadcast %broadcast_in_dim3A : f32 to vector<16xf32>
    %scan3A = arith.constant 0 : i32
    %scan3A_2 = arith.constant 0 : i32
    %scan3A_3 = arith.constant 392 : i32
    %scan3A_4 = arith.addi %scan3A_2, %scan3A_3 : i32
    %scan3A_5 = arith.constant 1 : i32
    %scan3A_6 = scf.for %scan3A_30 = %scan3A_2 to %scan3A_4 step %scan3A_5 iter_args(%scan3A_31 = %scan3A) -> (i32)  : i32 {
      %mul3A_32 = arith.constant 16 : i32
      %mul3A_33 = arith.muli %scan3A_30, %mul3A_32 : i32
      %swap3A = arith.index_cast %mul3A_33 : i32 to index
      %swap3A_34 = tpu.vector_load %arg15[%swap3A] {strides = array<i32>} : memref<6272xf32, #tpu.memory_space<vmem>>, vector<16xf32>,
      %swap3A_35 = vector.shape_cast %swap3A_34 : vector<16xf32> to vector<16xf32>
      %swap3A_36 = vector.shape_cast %broadcast_in_dim3A_1 : vector<16xf32> to vector<16xf32>
      tpu.vector_store %arg15[%swap3A], %swap3A_36 {strides = array<i32>} : memref<6272xf32, #tpu.memory_space<vmem>>, vector<16xf32>,
      %scan3A_37 = arith.constant 0 : i32
      scf.yield %scan3A_37 : i32
    }
    %scan3A_7 = arith.constant 392 : i32
    "tpu.region"() ({
      %run_scoped3A = tpu.sem_alloc : memref<!tpu.dma_semaphore, #tpu.memory_space<semaphore_mem>>
      %dma_start3A_30 = tpu.memref_slice %arg22[%mul3A_0] : memref<100352xf32, #tpu.memory_space<vmem_shared>> -> memref<6272xf32, #tpu.memory_space<vmem_shared>>
      %dma_start3A_31 = tpu.memref_slice %arg2[%mul3A_0] : memref<100352xf32, #tpu.memory_space<hbm>> -> memref<6272xf32, #tpu.memory_space<hbm>>
      tpu.enqueue_dma source(%dma_start3A_31 : memref<6272xf32, #tpu.memory_space<hbm>>) target(%dma_start3A_30 : memref<6272xf32, #tpu.memory_space<vmem_shared>>) target_semaphore(%run_scoped3A : memref<!tpu.dma_semaphore, #tpu.memory_space<semaphore_mem>>)
      %dma_wait3A_32 = tpu.memref_slice %arg22[%mul3A_0] : memref<100352xf32, #tpu.memory_space<vmem_shared>> -> memref<6272xf32, #tpu.memory_space<vmem_shared>>
      %dma_wait3A_33 = tpu.memref_slice %arg2[%mul3A_0] : memref<100352xf32, #tpu.memory_space<hbm>> -> memref<6272xf32, #tpu.memory_space<hbm>>
      tpu.wait_dma2 semaphore(%run_scoped3A : memref<!tpu.dma_semaphore, #tpu.memory_space<semaphore_mem>>) src(%dma_wait3A_33 : memref<6272xf32, #tpu.memory_space<hbm>>) dst(%dma_wait3A_32 : memref<6272xf32, #tpu.memory_space<vmem_shared>>)
      tpu.yield
    }) : () -> ()
    "tpu.region"() ({
      %run_scoped3A = tpu.sem_alloc : memref<!tpu.dma_semaphore, #tpu.memory_space<semaphore_mem>>
      %dma_start3A_30 = tpu.memref_slice %arg23[%mul3A_0] : memref<100352xf32, #tpu.memory_space<vmem_shared>> -> memref<6272xf32, #tpu.memory_space<vmem_shared>>
      %dma_start3A_31 = tpu.memref_slice %arg23[%mul3A_0] : memref<100352xf32, #tpu.memory_space<vmem_shared>> -> memref<6272xf32, #tpu.memory_space<vmem_shared>>
      tpu.enqueue_dma source(%arg15 : memref<6272xf32, #tpu.memory_space<vmem>>) target(%dma_start3A_31 : memref<6272xf32, #tpu.memory_space<vmem_shared>>) target_semaphore(%run_scoped3A : memref<!tpu.dma_semaphore, #tpu.memory_space<semaphore_mem>>)
      %dma_wait3A_32 = tpu.memref_slice %arg23[%mul3A_0] : memref<100352xf32, #tpu.memory_space<vmem_shared>> -> memref<6272xf32, #tpu.memory_space<vmem_shared>>
      %dma_wait3A_33 = tpu.memref_slice %arg23[%mul3A_0] : memref<100352xf32, #tpu.memory_space<vmem_shared>> -> memref<6272xf32, #tpu.memory_space<vmem_shared>>
      tpu.wait_dma2 semaphore(%run_scoped3A : memref<!tpu.dma_semaphore, #tpu.memory_space<semaphore_mem>>) src(%arg15 : memref<6272xf32, #tpu.memory_space<vmem>>) dst(%dma_wait3A_33 : memref<6272xf32, #tpu.memory_space<vmem_shared>>)
      tpu.yield
    }) : () -> ()
    %barrier3A = arith.constant 0 : index
    tpu.barrier barrier_id(%barrier3A)
    %mul3A_8 = arith.constant 3200000 : i32
    %mul3A_9 = arith.muli %arg0, %mul3A_8 : i32
    %mul3A_10 = arith.constant 200000 : i32
    %mul3A_11 = arith.muli %arg1, %mul3A_10 : i32
    %add3A = arith.addi %mul3A_9, %mul3A_11 : i32
    %add3A_12 = arith.constant 0 : i32
    %add3A_13 = arith.addi %add3A, %add3A_12 : i32
    %multiple_of3A = tpu.assume_multiple %add3A_13, 8 : i32
    %dma_start3A = tpu.memref_slice %arg3[%multiple_of3A] : memref<6400000xi32, #tpu.memory_space<hbm>> -> memref<10000xi32, #tpu.memory_space<hbm>>
    %dma_start3A_14 = tpu.memref_slice %arg3[%multiple_of3A] : memref<6400000xi32, #tpu.memory_space<hbm>> -> memref<10000xi32, #tpu.memory_space<hbm>>
    tpu.enqueue_dma source(%dma_start3A_14 : memref<10000xi32, #tpu.memory_space<hbm>>) target(%arg7 : memref<10000xi32, #tpu.memory_space<vmem>>) target_semaphore(%arg16 : memref<!tpu.dma_semaphore, #tpu.memory_space<semaphore_mem>>)
    %dma_start3A_15 = tpu.memref_slice %arg4[%multiple_of3A] : memref<6400000xi32, #tpu.memory_space<hbm>> -> memref<10000xi32, #tpu.memory_space<hbm>>
    %dma_start3A_16 = tpu.memref_slice %arg4[%multiple_of3A] : memref<6400000xi32, #tpu.memory_space<hbm>> -> memref<10000xi32, #tpu.memory_space<hbm>>
    tpu.enqueue_dma source(%dma_start3A_16 : memref<10000xi32, #tpu.memory_space<hbm>>) target(%arg9 : memref<10000xi32, #tpu.memory_space<vmem>>) target_semaphore(%arg16 : memref<!tpu.dma_semaphore, #tpu.memory_space<semaphore_mem>>)
    %dma_start3A_17 = tpu.memref_slice %arg5[%multiple_of3A] : memref<6400000xf32, #tpu.memory_space<hbm>> -> memref<10000xf32, #tpu.memory_space<hbm>>
    %dma_start3A_18 = tpu.memref_slice %arg5[%multiple_of3A] : memref<6400000xf32, #tpu.memory_space<hbm>> -> memref<10000xf32, #tpu.memory_space<hbm>>
    tpu.enqueue_dma source(%dma_start3A_18 : memref<10000xf32, #tpu.memory_space<hbm>>) target(%arg11 : memref<10000xf32, #tpu.memory_space<vmem>>) target_semaphore(%arg16 : memref<!tpu.dma_semaphore, #tpu.memory_space<semaphore_mem>>)
    %scan3A_19 = arith.constant 0 : i32
    %scan3A_20 = arith.constant 0 : i32
    %scan3A_21 = arith.constant 10 : i32
    %scan3A_22 = arith.addi %scan3A_20, %scan3A_21 : i32
    %scan3A_23 = arith.constant 1 : i32
    %scan3A_24 = scf.for %scan3A_30 = %scan3A_20 to %scan3A_22 step %scan3A_23 iter_args(%scan3A_31 = %scan3A_19) -> (i32)  : i32 {
      %mul3A_32 = arith.constant 2 : i32
      %mul3A_33 = arith.muli %scan3A_30, %mul3A_32 : i32
      %add3A_34 = arith.constant 0 : i32
      %add3A_35 = arith.addi %mul3A_33, %add3A_34 : i32
      %mul3A_36 = arith.constant 3200000 : i32
      %mul3A_37 = arith.muli %arg0, %mul3A_36 : i32
      %mul3A_38 = arith.constant 200000 : i32
      %mul3A_39 = arith.muli %arg1, %mul3A_38 : i32
      %add3A_40 = arith.addi %mul3A_37, %mul3A_39 : i32
      %mul3A_41 = arith.constant 10000 : i32
      %mul3A_42 = arith.muli %add3A_35, %mul3A_41 : i32
      %add3A_43 = arith.addi %add3A_40, %mul3A_42 : i32
      %multiple_of3A_44 = tpu.assume_multiple %add3A_43, 8 : i32
      %dma_wait3A_45 = tpu.memref_slice %arg3[%multiple_of3A_44] : memref<6400000xi32, #tpu.memory_space<hbm>> -> memref<10000xi32, #tpu.memory_space<hbm>>
      %dma_wait3A_46 = tpu.memref_slice %arg3[%multiple_of3A_44] : memref<6400000xi32, #tpu.memory_space<hbm>> -> memref<10000xi32, #tpu.memory_space<hbm>>
      tpu.wait_dma2 semaphore(%arg16 : memref<!tpu.dma_semaphore, #tpu.memory_space<semaphore_mem>>) src(%dma_wait3A_46 : memref<10000xi32, #tpu.memory_space<hbm>>) dst(%arg7 : memref<10000xi32, #tpu.memory_space<vmem>>)
      %dma_wait3A_47 = tpu.memref_slice %arg4[%multiple_of3A_44] : memref<6400000xi32, #tpu.memory_space<hbm>> -> memref<10000xi32, #tpu.memory_space<hbm>>
      %dma_wait3A_48 = tpu.memref_slice %arg4[%multiple_of3A_44] : memref<6400000xi32, #tpu.memory_space<hbm>> -> memref<10000xi32, #tpu.memory_space<hbm>>
      tpu.wait_dma2 semaphore(%arg16 : memref<!tpu.dma_semaphore, #tpu.memory_space<semaphore_mem>>) src(%dma_wait3A_48 : memref<10000xi32, #tpu.memory_space<hbm>>) dst(%arg9 : memref<10000xi32, #tpu.memory_space<vmem>>)
      %dma_wait3A_49 = tpu.memref_slice %arg5[%multiple_of3A_44] : memref<6400000xf32, #tpu.memory_space<hbm>> -> memref<10000xf32, #tpu.memory_space<hbm>>
      %dma_wait3A_50 = tpu.memref_slice %arg5[%multiple_of3A_44] : memref<6400000xf32, #tpu.memory_space<hbm>> -> memref<10000xf32, #tpu.memory_space<hbm>>
      tpu.wait_dma2 semaphore(%arg16 : memref<!tpu.dma_semaphore, #tpu.memory_space<semaphore_mem>>) src(%dma_wait3A_50 : memref<10000xf32, #tpu.memory_space<hbm>>) dst(%arg11 : memref<10000xf32, #tpu.memory_space<vmem>>)
      %dma_start3A_51 = arith.constant 0 : i32
      %dma_start3A_52 = tpu.memref_slice %arg22[%dma_start3A_51] : memref<100352xf32, #tpu.memory_space<vmem_shared>> -> memref<100352xf32, #tpu.memory_space<vmem_shared>>
      tpu.enqueue_indirect_dma source(%dma_start3A_52 : memref<100352xf32, #tpu.memory_space<vmem_shared>>) target(%arg13 : memref<10000xf32, #tpu.memory_space<vmem>>) offsets(%arg7 : memref<10000xi32, #tpu.memory_space<vmem>>) semaphore(%arg18 : memref<!tpu.dma_semaphore, #tpu.memory_space<semaphore_mem>>)
      %ge3A = arith.constant 1 : i32
      %ge3A_53 = arith.cmpi sge, %add3A_35, %ge3A : i32
      %add3A_54 = arith.constant 1 : i32
      %add3A_55 = arith.addi %add3A_35, %add3A_54 : i32
      %lt3A = arith.constant 20 : i32
      %lt3A_56 = arith.cmpi slt, %add3A_55, %lt3A : i32
      %and3A = arith.andi %ge3A_53, %lt3A_56 : i1
      %convert_element_type3A = arith.extui %and3A : i1 to i32
      %cond3A = arith.constant 0 : i32
      %cond3A_57 = arith.cmpi ne, %convert_element_type3A, %cond3A : i32
      scf.if %cond3A_57 {
        %dma_wait3A_126 = arith.constant 0 : i32
        %dma_wait3A_127 = tpu.memref_slice %arg23[%dma_wait3A_126] : memref<100352xf32, #tpu.memory_space<vmem_shared>> -> memref<100352xf32, #tpu.memory_space<vmem_shared>>
        tpu.wait_indirect_dma semaphore(%arg21 : memref<!tpu.dma_semaphore, #tpu.memory_space<semaphore_mem>>) src(%arg14 : memref<10000xf32, #tpu.memory_space<vmem>>) dst(%dma_wait3A_127 : memref<100352xf32, #tpu.memory_space<vmem_shared>>)
      } else {
      }
      %add3A_58 = arith.constant 1 : i32
      %add3A_59 = arith.addi %add3A_35, %add3A_58 : i32
      %lt3A_60 = arith.constant 20 : i32
      %lt3A_61 = arith.cmpi slt, %add3A_59, %lt3A_60 : i32
      %convert_element_type3A_62 = arith.extui %lt3A_61 : i1 to i32
      %cond3A_63 = arith.constant 0 : i32
      %cond3A_64 = arith.cmpi ne, %convert_element_type3A_62, %cond3A_63 : i32
      scf.if %cond3A_64 {
        %add3A_126 = arith.constant 1 : i32
        %add3A_127 = arith.addi %add3A_35, %add3A_126 : i32
        %mul3A_128 = arith.constant 3200000 : i32
        %mul3A_129 = arith.muli %arg0, %mul3A_128 : i32
        %mul3A_130 = arith.constant 200000 : i32
        %mul3A_131 = arith.muli %arg1, %mul3A_130 : i32
        %add3A_132 = arith.addi %mul3A_129, %mul3A_131 : i32
        %mul3A_133 = arith.constant 10000 : i32
        %mul3A_134 = arith.muli %add3A_127, %mul3A_133 : i32
        %add3A_135 = arith.addi %add3A_132, %mul3A_134 : i32
        %multiple_of3A_136 = tpu.assume_multiple %add3A_135, 8 : i32
        %dma_start3A_137 = tpu.memref_slice %arg3[%multiple_of3A_136] : memref<6400000xi32, #tpu.memory_space<hbm>> -> memref<10000xi32, #tpu.memory_space<hbm>>
        %dma_start3A_138 = tpu.memref_slice %arg3[%multiple_of3A_136] : memref<6400000xi32, #tpu.memory_space<hbm>> -> memref<10000xi32, #tpu.memory_space<hbm>>
        tpu.enqueue_dma source(%dma_start3A_138 : memref<10000xi32, #tpu.memory_space<hbm>>) target(%arg8 : memref<10000xi32, #tpu.memory_space<vmem>>) target_semaphore(%arg17 : memref<!tpu.dma_semaphore, #tpu.memory_space<semaphore_mem>>)
        %dma_start3A_139 = tpu.memref_slice %arg4[%multiple_of3A_136] : memref<6400000xi32, #tpu.memory_space<hbm>> -> memref<10000xi32, #tpu.memory_space<hbm>>
        %dma_start3A_140 = tpu.memref_slice %arg4[%multiple_of3A_136] : memref<6400000xi32, #tpu.memory_space<hbm>> -> memref<10000xi32, #tpu.memory_space<hbm>>
        tpu.enqueue_dma source(%dma_start3A_140 : memref<10000xi32, #tpu.memory_space<hbm>>) target(%arg10 : memref<10000xi32, #tpu.memory_space<vmem>>) target_semaphore(%arg17 : memref<!tpu.dma_semaphore, #tpu.memory_space<semaphore_mem>>)
        %dma_start3A_141 = tpu.memref_slice %arg5[%multiple_of3A_136] : memref<6400000xf32, #tpu.memory_space<hbm>> -> memref<10000xf32, #tpu.memory_space<hbm>>
        %dma_start3A_142 = tpu.memref_slice %arg5[%multiple_of3A_136] : memref<6400000xf32, #tpu.memory_space<hbm>> -> memref<10000xf32, #tpu.memory_space<hbm>>
        tpu.enqueue_dma source(%dma_start3A_142 : memref<10000xf32, #tpu.memory_space<hbm>>) target(%arg12 : memref<10000xf32, #tpu.memory_space<vmem>>) target_semaphore(%arg17 : memref<!tpu.dma_semaphore, #tpu.memory_space<semaphore_mem>>)
      } else {
      }
      %dma_wait3A_65 = arith.constant 0 : i32
      %dma_wait3A_66 = tpu.memref_slice %arg22[%dma_wait3A_65] : memref<100352xf32, #tpu.memory_space<vmem_shared>> -> memref<100352xf32, #tpu.memory_space<vmem_shared>>
      tpu.wait_indirect_dma semaphore(%arg18 : memref<!tpu.dma_semaphore, #tpu.memory_space<semaphore_mem>>) src(%dma_wait3A_66 : memref<100352xf32, #tpu.memory_space<vmem_shared>>) dst(%arg13 : memref<10000xf32, #tpu.memory_space<vmem>>)
      %scan3A_67 = arith.constant 0 : i32
      %scan3A_68 = arith.constant 0 : i32
      %scan3A_69 = arith.constant 125 : i32
      %scan3A_70 = arith.addi %scan3A_68, %scan3A_69 : i32
      %scan3A_71 = arith.constant 1 : i32
      %scan3A_72 = scf.for %scan3A_126 = %scan3A_68 to %scan3A_70 step %scan3A_71 iter_args(%scan3A_127 = %scan3A_67) -> (i32)  : i32 {
        %mul3A_128 = arith.constant 5 : i32
        %mul3A_129 = arith.muli %scan3A_126, %mul3A_128 : i32
        %add3A_130 = arith.constant 0 : i32
        %add3A_131 = arith.addi %mul3A_129, %add3A_130 : i32
        %mul3A_132 = arith.constant 16 : i32
        %mul3A_133 = arith.muli %add3A_131, %mul3A_132 : i32
        %get3A = arith.index_cast %mul3A_133 : i32 to index
        %get3A_134 = tpu.vector_load %arg11[%get3A] {strides = array<i32>} : memref<10000xf32, #tpu.memory_space<vmem>>, vector<16xf32>,
        %get3A_135 = vector.shape_cast %get3A_134 : vector<16xf32> to vector<16xf32>
        %get3A_136 = arith.index_cast %mul3A_133 : i32 to index
        %get3A_137 = tpu.vector_load %arg13[%get3A_136] {strides = array<i32>} : memref<10000xf32, #tpu.memory_space<vmem>>, vector<16xf32>,
        %get3A_138 = vector.shape_cast %get3A_137 : vector<16xf32> to vector<16xf32>
        %mul3A_139 = arith.mulf %get3A_138, %get3A_135 : vector<16xf32>
        %swap3A = arith.index_cast %mul3A_133 : i32 to index
        %swap3A_140 = tpu.vector_load %arg13[%swap3A] {strides = array<i32>} : memref<10000xf32, #tpu.memory_space<vmem>>, vector<16xf32>,
        %swap3A_141 = vector.shape_cast %swap3A_140 : vector<16xf32> to vector<16xf32>
        %swap3A_142 = vector.shape_cast %mul3A_139 : vector<16xf32> to vector<16xf32>
        tpu.vector_store %arg13[%swap3A], %swap3A_142 {strides = array<i32>} : memref<10000xf32, #tpu.memory_space<vmem>>, vector<16xf32>,
        %mul3A_143 = arith.constant 5 : i32
        %mul3A_144 = arith.muli %scan3A_126, %mul3A_143 : i32
        %add3A_145 = arith.constant 1 : i32
        %add3A_146 = arith.addi %mul3A_144, %add3A_145 : i32
        %mul3A_147 = arith.constant 16 : i32
        %mul3A_148 = arith.muli %add3A_146, %mul3A_147 : i32
        %get3A_149 = arith.index_cast %mul3A_148 : i32 to index
        %get3A_150 = tpu.vector_load %arg11[%get3A_149] {strides = array<i32>} : memref<10000xf32, #tpu.memory_space<vmem>>, vector<16xf32>,
        %get3A_151 = vector.shape_cast %get3A_150 : vector<16xf32> to vector<16xf32>
        %get3A_152 = arith.index_cast %mul3A_148 : i32 to index
        %get3A_153 = tpu.vector_load %arg13[%get3A_152] {strides = array<i32>} : memref<10000xf32, #tpu.memory_space<vmem>>, vector<16xf32>,
        %get3A_154 = vector.shape_cast %get3A_153 : vector<16xf32> to vector<16xf32>
        %mul3A_155 = arith.mulf %get3A_154, %get3A_151 : vector<16xf32>
        %swap3A_156 = arith.index_cast %mul3A_148 : i32 to index
        %swap3A_157 = tpu.vector_load %arg13[%swap3A_156] {strides = array<i32>} : memref<10000xf32, #tpu.memory_space<vmem>>, vector<16xf32>,
        %swap3A_158 = vector.shape_cast %swap3A_157 : vector<16xf32> to vector<16xf32>
        %swap3A_159 = vector.shape_cast %mul3A_155 : vector<16xf32> to vector<16xf32>
        tpu.vector_store %arg13[%swap3A_156], %swap3A_159 {strides = array<i32>} : memref<10000xf32, #tpu.memory_space<vmem>>, vector<16xf32>,
        %mul3A_160 = arith.constant 5 : i32
        %mul3A_161 = arith.muli %scan3A_126, %mul3A_160 : i32
        %add3A_162 = arith.constant 2 : i32
        %add3A_163 = arith.addi %mul3A_161, %add3A_162 : i32
        %mul3A_164 = arith.constant 16 : i32
        %mul3A_165 = arith.muli %add3A_163, %mul3A_164 : i32
        %get3A_166 = arith.index_cast %mul3A_165 : i32 to index
        %get3A_167 = tpu.vector_load %arg11[%get3A_166] {strides = array<i32>} : memref<10000xf32, #tpu.memory_space<vmem>>, vector<16xf32>,
        %get3A_168 = vector.shape_cast %get3A_167 : vector<16xf32> to vector<16xf32>
        %get3A_169 = arith.index_cast %mul3A_165 : i32 to index
        %get3A_170 = tpu.vector_load %arg13[%get3A_169] {strides = array<i32>} : memref<10000xf32, #tpu.memory_space<vmem>>, vector<16xf32>,
        %get3A_171 = vector.shape_cast %get3A_170 : vector<16xf32> to vector<16xf32>
        %mul3A_172 = arith.mulf %get3A_171, %get3A_168 : vector<16xf32>
        %swap3A_173 = arith.index_cast %mul3A_165 : i32 to index
        %swap3A_174 = tpu.vector_load %arg13[%swap3A_173] {strides = array<i32>} : memref<10000xf32, #tpu.memory_space<vmem>>, vector<16xf32>,
        %swap3A_175 = vector.shape_cast %swap3A_174 : vector<16xf32> to vector<16xf32>
        %swap3A_176 = vector.shape_cast %mul3A_172 : vector<16xf32> to vector<16xf32>
        tpu.vector_store %arg13[%swap3A_173], %swap3A_176 {strides = array<i32>} : memref<10000xf32, #tpu.memory_space<vmem>>, vector<16xf32>,
        %mul3A_177 = arith.constant 5 : i32
        %mul3A_178 = arith.muli %scan3A_126, %mul3A_177 : i32
        %add3A_179 = arith.constant 3 : i32
        %add3A_180 = arith.addi %mul3A_178, %add3A_179 : i32
        %mul3A_181 = arith.constant 16 : i32
        %mul3A_182 = arith.muli %add3A_180, %mul3A_181 : i32
        %get3A_183 = arith.index_cast %mul3A_182 : i32 to index
        %get3A_184 = tpu.vector_load %arg11[%get3A_183] {strides = array<i32>} : memref<10000xf32, #tpu.memory_space<vmem>>, vector<16xf32>,
        %get3A_185 = vector.shape_cast %get3A_184 : vector<16xf32> to vector<16xf32>
        %get3A_186 = arith.index_cast %mul3A_182 : i32 to index
        %get3A_187 = tpu.vector_load %arg13[%get3A_186] {strides = array<i32>} : memref<10000xf32, #tpu.memory_space<vmem>>, vector<16xf32>,
        %get3A_188 = vector.shape_cast %get3A_187 : vector<16xf32> to vector<16xf32>
        %mul3A_189 = arith.mulf %get3A_188, %get3A_185 : vector<16xf32>
        %swap3A_190 = arith.index_cast %mul3A_182 : i32 to index
        %swap3A_191 = tpu.vector_load %arg13[%swap3A_190] {strides = array<i32>} : memref<10000xf32, #tpu.memory_space<vmem>>, vector<16xf32>,
        %swap3A_192 = vector.shape_cast %swap3A_191 : vector<16xf32> to vector<16xf32>
        %swap3A_193 = vector.shape_cast %mul3A_189 : vector<16xf32> to vector<16xf32>
        tpu.vector_store %arg13[%swap3A_190], %swap3A_193 {strides = array<i32>} : memref<10000xf32, #tpu.memory_space<vmem>>, vector<16xf32>,
        %mul3A_194 = arith.constant 5 : i32
        %mul3A_195 = arith.muli %scan3A_126, %mul3A_194 : i32
        %add3A_196 = arith.constant 4 : i32
        %add3A_197 = arith.addi %mul3A_195, %add3A_196 : i32
        %mul3A_198 = arith.constant 16 : i32
        %mul3A_199 = arith.muli %add3A_197, %mul3A_198 : i32
        %get3A_200 = arith.index_cast %mul3A_199 : i32 to index
        %get3A_201 = tpu.vector_load %arg11[%get3A_200] {strides = array<i32>} : memref<10000xf32, #tpu.memory_space<vmem>>, vector<16xf32>,
        %get3A_202 = vector.shape_cast %get3A_201 : vector<16xf32> to vector<16xf32>
        %get3A_203 = arith.index_cast %mul3A_199 : i32 to index
        %get3A_204 = tpu.vector_load %arg13[%get3A_203] {strides = array<i32>} : memref<10000xf32, #tpu.memory_space<vmem>>, vector<16xf32>,
        %get3A_205 = vector.shape_cast %get3A_204 : vector<16xf32> to vector<16xf32>
        %mul3A_206 = arith.mulf %get3A_205, %get3A_202 : vector<16xf32>
        %swap3A_207 = arith.index_cast %mul3A_199 : i32 to index
        %swap3A_208 = tpu.vector_load %arg13[%swap3A_207] {strides = array<i32>} : memref<10000xf32, #tpu.memory_space<vmem>>, vector<16xf32>,
        %swap3A_209 = vector.shape_cast %swap3A_208 : vector<16xf32> to vector<16xf32>
        %swap3A_210 = vector.shape_cast %mul3A_206 : vector<16xf32> to vector<16xf32>
        tpu.vector_store %arg13[%swap3A_207], %swap3A_210 {strides = array<i32>} : memref<10000xf32, #tpu.memory_space<vmem>>, vector<16xf32>,
        %scan3A_211 = arith.constant 0 : i32
        scf.yield %scan3A_211 : i32
      }
      %scan3A_73 = arith.constant 125 : i32
      %dma_start3A_74 = arith.constant 0 : i32
      %dma_start3A_75 = tpu.memref_slice %arg23[%dma_start3A_74] : memref<100352xf32, #tpu.memory_space<vmem_shared>> -> memref<100352xf32, #tpu.memory_space<vmem_shared>>
      tpu.enqueue_indirect_dma source(%arg13 : memref<10000xf32, #tpu.memory_space<vmem>>) target(%dma_start3A_75 : memref<100352xf32, #tpu.memory_space<vmem_shared>>) offsets(%arg9 : memref<10000xi32, #tpu.memory_space<vmem>>) semaphore(%arg20 : memref<!tpu.dma_semaphore, #tpu.memory_space<semaphore_mem>>) {add = true}
      %mul3A_76 = arith.constant 2 : i32
      %mul3A_77 = arith.muli %scan3A_30, %mul3A_76 : i32
      %add3A_78 = arith.constant 1 : i32
      %add3A_79 = arith.addi %mul3A_77, %add3A_78 : i32
      %mul3A_80 = arith.constant 3200000 : i32
      %mul3A_81 = arith.muli %arg0, %mul3A_80 : i32
      %mul3A_82 = arith.constant 200000 : i32
      %mul3A_83 = arith.muli %arg1, %mul3A_82 : i32
      %add3A_84 = arith.addi %mul3A_81, %mul3A_83 : i32
      %mul3A_85 = arith.constant 10000 : i32
      %mul3A_86 = arith.muli %add3A_79, %mul3A_85 : i32
      %add3A_87 = arith.addi %add3A_84, %mul3A_86 : i32
      %multiple_of3A_88 = tpu.assume_multiple %add3A_87, 8 : i32
      %dma_wait3A_89 = tpu.memref_slice %arg3[%multiple_of3A_88] : memref<6400000xi32, #tpu.memory_space<hbm>> -> memref<10000xi32, #tpu.memory_space<hbm>>
      %dma_wait3A_90 = tpu.memref_slice %arg3[%multiple_of3A_88] : memref<6400000xi32, #tpu.memory_space<hbm>> -> memref<10000xi32, #tpu.memory_space<hbm>>
      tpu.wait_dma2 semaphore(%arg17 : memref<!tpu.dma_semaphore, #tpu.memory_space<semaphore_mem>>) src(%dma_wait3A_90 : memref<10000xi32, #tpu.memory_space<hbm>>) dst(%arg8 : memref<10000xi32, #tpu.memory_space<vmem>>)
      %dma_wait3A_91 = tpu.memref_slice %arg4[%multiple_of3A_88] : memref<6400000xi32, #tpu.memory_space<hbm>> -> memref<10000xi32, #tpu.memory_space<hbm>>
      %dma_wait3A_92 = tpu.memref_slice %arg4[%multiple_of3A_88] : memref<6400000xi32, #tpu.memory_space<hbm>> -> memref<10000xi32, #tpu.memory_space<hbm>>
      tpu.wait_dma2 semaphore(%arg17 : memref<!tpu.dma_semaphore, #tpu.memory_space<semaphore_mem>>) src(%dma_wait3A_92 : memref<10000xi32, #tpu.memory_space<hbm>>) dst(%arg10 : memref<10000xi32, #tpu.memory_space<vmem>>)
      %dma_wait3A_93 = tpu.memref_slice %arg5[%multiple_of3A_88] : memref<6400000xf32, #tpu.memory_space<hbm>> -> memref<10000xf32, #tpu.memory_space<hbm>>
      %dma_wait3A_94 = tpu.memref_slice %arg5[%multiple_of3A_88] : memref<6400000xf32, #tpu.memory_space<hbm>> -> memref<10000xf32, #tpu.memory_space<hbm>>
      tpu.wait_dma2 semaphore(%arg17 : memref<!tpu.dma_semaphore, #tpu.memory_space<semaphore_mem>>) src(%dma_wait3A_94 : memref<10000xf32, #tpu.memory_space<hbm>>) dst(%arg12 : memref<10000xf32, #tpu.memory_space<vmem>>)
      %dma_start3A_95 = arith.constant 0 : i32
      %dma_start3A_96 = tpu.memref_slice %arg22[%dma_start3A_95] : memref<100352xf32, #tpu.memory_space<vmem_shared>> -> memref<100352xf32, #tpu.memory_space<vmem_shared>>
      tpu.enqueue_indirect_dma source(%dma_start3A_96 : memref<100352xf32, #tpu.memory_space<vmem_shared>>) target(%arg14 : memref<10000xf32, #tpu.memory_space<vmem>>) offsets(%arg8 : memref<10000xi32, #tpu.memory_space<vmem>>) semaphore(%arg19 : memref<!tpu.dma_semaphore, #tpu.memory_space<semaphore_mem>>)
      %ge3A_97 = arith.constant 1 : i32
      %ge3A_98 = arith.cmpi sge, %add3A_79, %ge3A_97 : i32
      %add3A_99 = arith.constant 1 : i32
      %add3A_100 = arith.addi %add3A_79, %add3A_99 : i32
      %lt3A_101 = arith.constant 20 : i32
      %lt3A_102 = arith.cmpi slt, %add3A_100, %lt3A_101 : i32
      %and3A_103 = arith.andi %ge3A_98, %lt3A_102 : i1
      %convert_element_type3A_104 = arith.extui %and3A_103 : i1 to i32
      %cond3A_105 = arith.constant 0 : i32
      %cond3A_106 = arith.cmpi ne, %convert_element_type3A_104, %cond3A_105 : i32
      scf.if %cond3A_106 {
        %dma_wait3A_126 = arith.constant 0 : i32
        %dma_wait3A_127 = tpu.memref_slice %arg23[%dma_wait3A_126] : memref<100352xf32, #tpu.memory_space<vmem_shared>> -> memref<100352xf32, #tpu.memory_space<vmem_shared>>
        tpu.wait_indirect_dma semaphore(%arg20 : memref<!tpu.dma_semaphore, #tpu.memory_space<semaphore_mem>>) src(%arg13 : memref<10000xf32, #tpu.memory_space<vmem>>) dst(%dma_wait3A_127 : memref<100352xf32, #tpu.memory_space<vmem_shared>>)
      } else {
      }
      %add3A_107 = arith.constant 1 : i32
      %add3A_108 = arith.addi %add3A_79, %add3A_107 : i32
      %lt3A_109 = arith.constant 20 : i32
      %lt3A_110 = arith.cmpi slt, %add3A_108, %lt3A_109 : i32
      %convert_element_type3A_111 = arith.extui %lt3A_110 : i1 to i32
      %cond3A_112 = arith.constant 0 : i32
      %cond3A_113 = arith.cmpi ne, %convert_element_type3A_111, %cond3A_112 : i32
      scf.if %cond3A_113 {
        %add3A_126 = arith.constant 1 : i32
        %add3A_127 = arith.addi %add3A_79, %add3A_126 : i32
        %mul3A_128 = arith.constant 3200000 : i32
        %mul3A_129 = arith.muli %arg0, %mul3A_128 : i32
        %mul3A_130 = arith.constant 200000 : i32
        %mul3A_131 = arith.muli %arg1, %mul3A_130 : i32
        %add3A_132 = arith.addi %mul3A_129, %mul3A_131 : i32
        %mul3A_133 = arith.constant 10000 : i32
        %mul3A_134 = arith.muli %add3A_127, %mul3A_133 : i32
        %add3A_135 = arith.addi %add3A_132, %mul3A_134 : i32
        %multiple_of3A_136 = tpu.assume_multiple %add3A_135, 8 : i32
        %dma_start3A_137 = tpu.memref_slice %arg3[%multiple_of3A_136] : memref<6400000xi32, #tpu.memory_space<hbm>> -> memref<10000xi32, #tpu.memory_space<hbm>>
        %dma_start3A_138 = tpu.memref_slice %arg3[%multiple_of3A_136] : memref<6400000xi32, #tpu.memory_space<hbm>> -> memref<10000xi32, #tpu.memory_space<hbm>>
        tpu.enqueue_dma source(%dma_start3A_138 : memref<10000xi32, #tpu.memory_space<hbm>>) target(%arg7 : memref<10000xi32, #tpu.memory_space<vmem>>) target_semaphore(%arg16 : memref<!tpu.dma_semaphore, #tpu.memory_space<semaphore_mem>>)
        %dma_start3A_139 = tpu.memref_slice %arg4[%multiple_of3A_136] : memref<6400000xi32, #tpu.memory_space<hbm>> -> memref<10000xi32, #tpu.memory_space<hbm>>
        %dma_start3A_140 = tpu.memref_slice %arg4[%multiple_of3A_136] : memref<6400000xi32, #tpu.memory_space<hbm>> -> memref<10000xi32, #tpu.memory_space<hbm>>
        tpu.enqueue_dma source(%dma_start3A_140 : memref<10000xi32, #tpu.memory_space<hbm>>) target(%arg9 : memref<10000xi32, #tpu.memory_space<vmem>>) target_semaphore(%arg16 : memref<!tpu.dma_semaphore, #tpu.memory_space<semaphore_mem>>)
        %dma_start3A_141 = tpu.memref_slice %arg5[%multiple_of3A_136] : memref<6400000xf32, #tpu.memory_space<hbm>> -> memref<10000xf32, #tpu.memory_space<hbm>>
        %dma_start3A_142 = tpu.memref_slice %arg5[%multiple_of3A_136] : memref<6400000xf32, #tpu.memory_space<hbm>> -> memref<10000xf32, #tpu.memory_space<hbm>>
        tpu.enqueue_dma source(%dma_start3A_142 : memref<10000xf32, #tpu.memory_space<hbm>>) target(%arg11 : memref<10000xf32, #tpu.memory_space<vmem>>) target_semaphore(%arg16 : memref<!tpu.dma_semaphore, #tpu.memory_space<semaphore_mem>>)
      } else {
      }
      %dma_wait3A_114 = arith.constant 0 : i32
      %dma_wait3A_115 = tpu.memref_slice %arg22[%dma_wait3A_114] : memref<100352xf32, #tpu.memory_space<vmem_shared>> -> memref<100352xf32, #tpu.memory_space<vmem_shared>>
      tpu.wait_indirect_dma semaphore(%arg19 : memref<!tpu.dma_semaphore, #tpu.memory_space<semaphore_mem>>) src(%dma_wait3A_115 : memref<100352xf32, #tpu.memory_space<vmem_shared>>) dst(%arg14 : memref<10000xf32, #tpu.memory_space<vmem>>)
      %scan3A_116 = arith.constant 0 : i32
      %scan3A_117 = arith.constant 0 : i32
      %scan3A_118 = arith.constant 125 : i32
      %scan3A_119 = arith.addi %scan3A_117, %scan3A_118 : i32
      %scan3A_120 = arith.constant 1 : i32
      %scan3A_121 = scf.for %scan3A_126 = %scan3A_117 to %scan3A_119 step %scan3A_120 iter_args(%scan3A_127 = %scan3A_116) -> (i32)  : i32 {
        %mul3A_128 = arith.constant 5 : i32
        %mul3A_129 = arith.muli %scan3A_126, %mul3A_128 : i32
        %add3A_130 = arith.constant 0 : i32
        %add3A_131 = arith.addi %mul3A_129, %add3A_130 : i32
        %mul3A_132 = arith.constant 16 : i32
        %mul3A_133 = arith.muli %add3A_131, %mul3A_132 : i32
        %get3A = arith.index_cast %mul3A_133 : i32 to index
        %get3A_134 = tpu.vector_load %arg12[%get3A] {strides = array<i32>} : memref<10000xf32, #tpu.memory_space<vmem>>, vector<16xf32>,
        %get3A_135 = vector.shape_cast %get3A_134 : vector<16xf32> to vector<16xf32>
        %get3A_136 = arith.index_cast %mul3A_133 : i32 to index
        %get3A_137 = tpu.vector_load %arg14[%get3A_136] {strides = array<i32>} : memref<10000xf32, #tpu.memory_space<vmem>>, vector<16xf32>,
        %get3A_138 = vector.shape_cast %get3A_137 : vector<16xf32> to vector<16xf32>
        %mul3A_139 = arith.mulf %get3A_138, %get3A_135 : vector<16xf32>
        %swap3A = arith.index_cast %mul3A_133 : i32 to index
        %swap3A_140 = tpu.vector_load %arg14[%swap3A] {strides = array<i32>} : memref<10000xf32, #tpu.memory_space<vmem>>, vector<16xf32>,
        %swap3A_141 = vector.shape_cast %swap3A_140 : vector<16xf32> to vector<16xf32>
        %swap3A_142 = vector.shape_cast %mul3A_139 : vector<16xf32> to vector<16xf32>
        tpu.vector_store %arg14[%swap3A], %swap3A_142 {strides = array<i32>} : memref<10000xf32, #tpu.memory_space<vmem>>, vector<16xf32>,
        %mul3A_143 = arith.constant 5 : i32
        %mul3A_144 = arith.muli %scan3A_126, %mul3A_143 : i32
        %add3A_145 = arith.constant 1 : i32
        %add3A_146 = arith.addi %mul3A_144, %add3A_145 : i32
        %mul3A_147 = arith.constant 16 : i32
        %mul3A_148 = arith.muli %add3A_146, %mul3A_147 : i32
        %get3A_149 = arith.index_cast %mul3A_148 : i32 to index
        %get3A_150 = tpu.vector_load %arg12[%get3A_149] {strides = array<i32>} : memref<10000xf32, #tpu.memory_space<vmem>>, vector<16xf32>,
        %get3A_151 = vector.shape_cast %get3A_150 : vector<16xf32> to vector<16xf32>
        %get3A_152 = arith.index_cast %mul3A_148 : i32 to index
        %get3A_153 = tpu.vector_load %arg14[%get3A_152] {strides = array<i32>} : memref<10000xf32, #tpu.memory_space<vmem>>, vector<16xf32>,
        %get3A_154 = vector.shape_cast %get3A_153 : vector<16xf32> to vector<16xf32>
        %mul3A_155 = arith.mulf %get3A_154, %get3A_151 : vector<16xf32>
        %swap3A_156 = arith.index_cast %mul3A_148 : i32 to index
        %swap3A_157 = tpu.vector_load %arg14[%swap3A_156] {strides = array<i32>} : memref<10000xf32, #tpu.memory_space<vmem>>, vector<16xf32>,
        %swap3A_158 = vector.shape_cast %swap3A_157 : vector<16xf32> to vector<16xf32>
        %swap3A_159 = vector.shape_cast %mul3A_155 : vector<16xf32> to vector<16xf32>
        tpu.vector_store %arg14[%swap3A_156], %swap3A_159 {strides = array<i32>} : memref<10000xf32, #tpu.memory_space<vmem>>, vector<16xf32>,
        %mul3A_160 = arith.constant 5 : i32
        %mul3A_161 = arith.muli %scan3A_126, %mul3A_160 : i32
        %add3A_162 = arith.constant 2 : i32
        %add3A_163 = arith.addi %mul3A_161, %add3A_162 : i32
        %mul3A_164 = arith.constant 16 : i32
        %mul3A_165 = arith.muli %add3A_163, %mul3A_164 : i32
        %get3A_166 = arith.index_cast %mul3A_165 : i32 to index
        %get3A_167 = tpu.vector_load %arg12[%get3A_166] {strides = array<i32>} : memref<10000xf32, #tpu.memory_space<vmem>>, vector<16xf32>,
        %get3A_168 = vector.shape_cast %get3A_167 : vector<16xf32> to vector<16xf32>
        %get3A_169 = arith.index_cast %mul3A_165 : i32 to index
        %get3A_170 = tpu.vector_load %arg14[%get3A_169] {strides = array<i32>} : memref<10000xf32, #tpu.memory_space<vmem>>, vector<16xf32>,
        %get3A_171 = vector.shape_cast %get3A_170 : vector<16xf32> to vector<16xf32>
        %mul3A_172 = arith.mulf %get3A_171, %get3A_168 : vector<16xf32>
        %swap3A_173 = arith.index_cast %mul3A_165 : i32 to index
        %swap3A_174 = tpu.vector_load %arg14[%swap3A_173] {strides = array<i32>} : memref<10000xf32, #tpu.memory_space<vmem>>, vector<16xf32>,
        %swap3A_175 = vector.shape_cast %swap3A_174 : vector<16xf32> to vector<16xf32>
        %swap3A_176 = vector.shape_cast %mul3A_172 : vector<16xf32> to vector<16xf32>
        tpu.vector_store %arg14[%swap3A_173], %swap3A_176 {strides = array<i32>} : memref<10000xf32, #tpu.memory_space<vmem>>, vector<16xf32>,
        %mul3A_177 = arith.constant 5 : i32
        %mul3A_178 = arith.muli %scan3A_126, %mul3A_177 : i32
        %add3A_179 = arith.constant 3 : i32
        %add3A_180 = arith.addi %mul3A_178, %add3A_179 : i32
        %mul3A_181 = arith.constant 16 : i32
        %mul3A_182 = arith.muli %add3A_180, %mul3A_181 : i32
        %get3A_183 = arith.index_cast %mul3A_182 : i32 to index
        %get3A_184 = tpu.vector_load %arg12[%get3A_183] {strides = array<i32>} : memref<10000xf32, #tpu.memory_space<vmem>>, vector<16xf32>,
        %get3A_185 = vector.shape_cast %get3A_184 : vector<16xf32> to vector<16xf32>
        %get3A_186 = arith.index_cast %mul3A_182 : i32 to index
        %get3A_187 = tpu.vector_load %arg14[%get3A_186] {strides = array<i32>} : memref<10000xf32, #tpu.memory_space<vmem>>, vector<16xf32>,
        %get3A_188 = vector.shape_cast %get3A_187 : vector<16xf32> to vector<16xf32>
        %mul3A_189 = arith.mulf %get3A_188, %get3A_185 : vector<16xf32>
        %swap3A_190 = arith.index_cast %mul3A_182 : i32 to index
        %swap3A_191 = tpu.vector_load %arg14[%swap3A_190] {strides = array<i32>} : memref<10000xf32, #tpu.memory_space<vmem>>, vector<16xf32>,
        %swap3A_192 = vector.shape_cast %swap3A_191 : vector<16xf32> to vector<16xf32>
        %swap3A_193 = vector.shape_cast %mul3A_189 : vector<16xf32> to vector<16xf32>
        tpu.vector_store %arg14[%swap3A_190], %swap3A_193 {strides = array<i32>} : memref<10000xf32, #tpu.memory_space<vmem>>, vector<16xf32>,
        %mul3A_194 = arith.constant 5 : i32
        %mul3A_195 = arith.muli %scan3A_126, %mul3A_194 : i32
        %add3A_196 = arith.constant 4 : i32
        %add3A_197 = arith.addi %mul3A_195, %add3A_196 : i32
        %mul3A_198 = arith.constant 16 : i32
        %mul3A_199 = arith.muli %add3A_197, %mul3A_198 : i32
        %get3A_200 = arith.index_cast %mul3A_199 : i32 to index
        %get3A_201 = tpu.vector_load %arg12[%get3A_200] {strides = array<i32>} : memref<10000xf32, #tpu.memory_space<vmem>>, vector<16xf32>,
        %get3A_202 = vector.shape_cast %get3A_201 : vector<16xf32> to vector<16xf32>
        %get3A_203 = arith.index_cast %mul3A_199 : i32 to index
        %get3A_204 = tpu.vector_load %arg14[%get3A_203] {strides = array<i32>} : memref<10000xf32, #tpu.memory_space<vmem>>, vector<16xf32>,
        %get3A_205 = vector.shape_cast %get3A_204 : vector<16xf32> to vector<16xf32>
        %mul3A_206 = arith.mulf %get3A_205, %get3A_202 : vector<16xf32>
        %swap3A_207 = arith.index_cast %mul3A_199 : i32 to index
        %swap3A_208 = tpu.vector_load %arg14[%swap3A_207] {strides = array<i32>} : memref<10000xf32, #tpu.memory_space<vmem>>, vector<16xf32>,
        %swap3A_209 = vector.shape_cast %swap3A_208 : vector<16xf32> to vector<16xf32>
        %swap3A_210 = vector.shape_cast %mul3A_206 : vector<16xf32> to vector<16xf32>
        tpu.vector_store %arg14[%swap3A_207], %swap3A_210 {strides = array<i32>} : memref<10000xf32, #tpu.memory_space<vmem>>, vector<16xf32>,
        %scan3A_211 = arith.constant 0 : i32
        scf.yield %scan3A_211 : i32
      }
      %scan3A_122 = arith.constant 125 : i32
      %dma_start3A_123 = arith.constant 0 : i32
      %dma_start3A_124 = tpu.memref_slice %arg23[%dma_start3A_123] : memref<100352xf32, #tpu.memory_space<vmem_shared>> -> memref<100352xf32, #tpu.memory_space<vmem_shared>>
      tpu.enqueue_indirect_dma source(%arg14 : memref<10000xf32, #tpu.memory_space<vmem>>) target(%dma_start3A_124 : memref<100352xf32, #tpu.memory_space<vmem_shared>>) offsets(%arg10 : memref<10000xi32, #tpu.memory_space<vmem>>) semaphore(%arg21 : memref<!tpu.dma_semaphore, #tpu.memory_space<semaphore_mem>>) {add = true}
      %scan3A_125 = arith.constant 0 : i32
      scf.yield %scan3A_125 : i32
    }
    %scan3A_25 = arith.constant 10 : i32
    %dma_wait3A = arith.constant 0 : i32
    %dma_wait3A_26 = tpu.memref_slice %arg23[%dma_wait3A] : memref<100352xf32, #tpu.memory_space<vmem_shared>> -> memref<100352xf32, #tpu.memory_space<vmem_shared>>
    tpu.wait_indirect_dma semaphore(%arg20 : memref<!tpu.dma_semaphore, #tpu.memory_space<semaphore_mem>>) src(%arg13 : memref<10000xf32, #tpu.memory_space<vmem>>) dst(%dma_wait3A_26 : memref<100352xf32, #tpu.memory_space<vmem_shared>>)
    %dma_wait3A_27 = arith.constant 0 : i32
    %dma_wait3A_28 = tpu.memref_slice %arg23[%dma_wait3A_27] : memref<100352xf32, #tpu.memory_space<vmem_shared>> -> memref<100352xf32, #tpu.memory_space<vmem_shared>>
    tpu.wait_indirect_dma semaphore(%arg21 : memref<!tpu.dma_semaphore, #tpu.memory_space<semaphore_mem>>) src(%arg14 : memref<10000xf32, #tpu.memory_space<vmem>>) dst(%dma_wait3A_28 : memref<100352xf32, #tpu.memory_space<vmem_shared>>)
    %barrier3A_29 = arith.constant 0 : index
    tpu.barrier barrier_id(%barrier3A_29)
    "tpu.region"() ({
      %run_scoped3A = tpu.sem_alloc : memref<!tpu.dma_semaphore, #tpu.memory_space<semaphore_mem>>
      %dma_start3A_30 = tpu.memref_slice %arg6[%arg0, %mul3A_0] : memref<2x100352xf32, #tpu.memory_space<hbm>> -> memref<1x6272xf32, #tpu.memory_space<hbm>>
      %dma_start3A_31 = tpu.memref_squeeze %dma_start3A_30 : memref<1x6272xf32, #tpu.memory_space<hbm>> -> memref<6272xf32, #tpu.memory_space<hbm>>
      %dma_start3A_32 = tpu.memref_slice %arg23[%mul3A_0] : memref<100352xf32, #tpu.memory_space<vmem_shared>> -> memref<6272xf32, #tpu.memory_space<vmem_shared>>
      tpu.enqueue_dma source(%dma_start3A_32 : memref<6272xf32, #tpu.memory_space<vmem_shared>>) target(%dma_start3A_31 : memref<6272xf32, #tpu.memory_space<hbm>>) target_semaphore(%run_scoped3A : memref<!tpu.dma_semaphore, #tpu.memory_space<semaphore_mem>>)
      %dma_wait3A_33 = tpu.memref_slice %arg6[%arg0, %mul3A_0] : memref<2x100352xf32, #tpu.memory_space<hbm>> -> memref<1x6272xf32, #tpu.memory_space<hbm>>
      %dma_wait3A_34 = tpu.memref_squeeze %dma_wait3A_33 : memref<1x6272xf32, #tpu.memory_space<hbm>> -> memref<6272xf32, #tpu.memory_space<hbm>>
      %dma_wait3A_35 = tpu.memref_slice %arg23[%mul3A_0] : memref<100352xf32, #tpu.memory_space<vmem_shared>> -> memref<6272xf32, #tpu.memory_space<vmem_shared>>
      tpu.wait_dma2 semaphore(%run_scoped3A : memref<!tpu.dma_semaphore, #tpu.memory_space<semaphore_mem>>) src(%dma_wait3A_35 : memref<6272xf32, #tpu.memory_space<vmem_shared>>) dst(%dma_wait3A_34 : memref<6272xf32, #tpu.memory_space<hbm>>)
      tpu.yield
    }) : () -> ()
    return
  }
}

module attributes {stable_mosaic.version = 14 : i64} {
  func.func @_tcA(%arg0: memref<2x784x128xf32, #tpu.memory_space<vmem>>, %arg1: memref<4x784x128xf32, #tpu.memory_space<vmem>>, %arg2: memref<784x128xf32, #tpu.memory_space<vmem>>, %arg3: memref<4x784x128xf32, #tpu.memory_space<vmem>>) attributes {dimension_semantics = [], scalar_prefetch = 0 : i64, scratch_operands = 0 : i64, tpu.core_type = #tpu.core_type<tc>} {
    %get3A = arith.constant 0 : index
    %get3A_0 = arith.constant 0 : index
    %get3A_1 = arith.constant 0 : index
    %get3A_2 = vector.load %arg0[%get3A, %get3A_0, %get3A_1] : memref<2x784x128xf32, #tpu.memory_space<vmem>>, vector<1x784x128xf32>
    %get3A_3 = vector.shape_cast %get3A_2 : vector<1x784x128xf32> to vector<784x128xf32>
    %get3A_4 = arith.constant 1 : index
    %get3A_5 = arith.constant 0 : index
    %get3A_6 = arith.constant 0 : index
    %get3A_7 = vector.load %arg0[%get3A_4, %get3A_5, %get3A_6] : memref<2x784x128xf32, #tpu.memory_space<vmem>>, vector<1x784x128xf32>
    %get3A_8 = vector.shape_cast %get3A_7 : vector<1x784x128xf32> to vector<784x128xf32>
    %add3A = arith.addf %get3A_3, %get3A_8 : vector<784x128xf32>
    %add3A_9 = arith.constant 1.000000e+00 : f32
    %add3A_10 = vector.broadcast %add3A_9 : f32 to vector<784x128xf32>
    %add3A_11 = arith.addf %add3A, %add3A_10 : vector<784x128xf32>
    %rsqrt3A = math.rsqrt %add3A_11 : vector<784x128xf32>
    %swap3A = arith.constant 0 : index
    %swap3A_12 = arith.constant 0 : index
    %swap3A_13 = vector.load %arg2[%swap3A, %swap3A_12] : memref<784x128xf32, #tpu.memory_space<vmem>>, vector<784x128xf32>
    tpu.vector_store %arg2[%swap3A, %swap3A_12], %rsqrt3A {strides = array<i32>} : memref<784x128xf32, #tpu.memory_space<vmem>>, vector<784x128xf32>,
    %get3A_14 = arith.constant 0 : index
    %get3A_15 = arith.constant 0 : index
    %get3A_16 = arith.constant 0 : index
    %get3A_17 = vector.load %arg1[%get3A_14, %get3A_15, %get3A_16] : memref<4x784x128xf32, #tpu.memory_space<vmem>>, vector<1x784x128xf32>
    %get3A_18 = vector.shape_cast %get3A_17 : vector<1x784x128xf32> to vector<784x128xf32>
    %mul3A = arith.mulf %get3A_18, %rsqrt3A : vector<784x128xf32>
    %swap3A_19 = arith.constant 0 : index
    %swap3A_20 = arith.constant 0 : index
    %swap3A_21 = arith.constant 0 : index
    %swap3A_22 = vector.load %arg3[%swap3A_19, %swap3A_20, %swap3A_21] : memref<4x784x128xf32, #tpu.memory_space<vmem>>, vector<1x784x128xf32>
    %swap3A_23 = vector.shape_cast %swap3A_22 : vector<1x784x128xf32> to vector<784x128xf32>
    %swap3A_24 = vector.shape_cast %mul3A : vector<784x128xf32> to vector<1x784x128xf32>
    tpu.vector_store %arg3[%swap3A_19, %swap3A_20, %swap3A_21], %swap3A_24 {strides = array<i32>} : memref<4x784x128xf32, #tpu.memory_space<vmem>>, vector<1x784x128xf32>,
    %get3A_25 = arith.constant 1 : index
    %get3A_26 = arith.constant 0 : index
    %get3A_27 = arith.constant 0 : index
    %get3A_28 = vector.load %arg1[%get3A_25, %get3A_26, %get3A_27] : memref<4x784x128xf32, #tpu.memory_space<vmem>>, vector<1x784x128xf32>
    %get3A_29 = vector.shape_cast %get3A_28 : vector<1x784x128xf32> to vector<784x128xf32>
    %mul3A_30 = arith.mulf %get3A_29, %rsqrt3A : vector<784x128xf32>
    %swap3A_31 = arith.constant 1 : index
    %swap3A_32 = arith.constant 0 : index
    %swap3A_33 = arith.constant 0 : index
    %swap3A_34 = vector.load %arg3[%swap3A_31, %swap3A_32, %swap3A_33] : memref<4x784x128xf32, #tpu.memory_space<vmem>>, vector<1x784x128xf32>
    %swap3A_35 = vector.shape_cast %swap3A_34 : vector<1x784x128xf32> to vector<784x128xf32>
    %swap3A_36 = vector.shape_cast %mul3A_30 : vector<784x128xf32> to vector<1x784x128xf32>
    tpu.vector_store %arg3[%swap3A_31, %swap3A_32, %swap3A_33], %swap3A_36 {strides = array<i32>} : memref<4x784x128xf32, #tpu.memory_space<vmem>>, vector<1x784x128xf32>,
    %get3A_37 = arith.constant 2 : index
    %get3A_38 = arith.constant 0 : index
    %get3A_39 = arith.constant 0 : index
    %get3A_40 = vector.load %arg1[%get3A_37, %get3A_38, %get3A_39] : memref<4x784x128xf32, #tpu.memory_space<vmem>>, vector<1x784x128xf32>
    %get3A_41 = vector.shape_cast %get3A_40 : vector<1x784x128xf32> to vector<784x128xf32>
    %mul3A_42 = arith.mulf %get3A_41, %rsqrt3A : vector<784x128xf32>
    %swap3A_43 = arith.constant 2 : index
    %swap3A_44 = arith.constant 0 : index
    %swap3A_45 = arith.constant 0 : index
    %swap3A_46 = vector.load %arg3[%swap3A_43, %swap3A_44, %swap3A_45] : memref<4x784x128xf32, #tpu.memory_space<vmem>>, vector<1x784x128xf32>
    %swap3A_47 = vector.shape_cast %swap3A_46 : vector<1x784x128xf32> to vector<784x128xf32>
    %swap3A_48 = vector.shape_cast %mul3A_42 : vector<784x128xf32> to vector<1x784x128xf32>
    tpu.vector_store %arg3[%swap3A_43, %swap3A_44, %swap3A_45], %swap3A_48 {strides = array<i32>} : memref<4x784x128xf32, #tpu.memory_space<vmem>>, vector<1x784x128xf32>,
    %get3A_49 = arith.constant 3 : index
    %get3A_50 = arith.constant 0 : index
    %get3A_51 = arith.constant 0 : index
    %get3A_52 = vector.load %arg1[%get3A_49, %get3A_50, %get3A_51] : memref<4x784x128xf32, #tpu.memory_space<vmem>>, vector<1x784x128xf32>
    %get3A_53 = vector.shape_cast %get3A_52 : vector<1x784x128xf32> to vector<784x128xf32>
    %mul3A_54 = arith.mulf %get3A_53, %rsqrt3A : vector<784x128xf32>
    %swap3A_55 = arith.constant 3 : index
    %swap3A_56 = arith.constant 0 : index
    %swap3A_57 = arith.constant 0 : index
    %swap3A_58 = vector.load %arg3[%swap3A_55, %swap3A_56, %swap3A_57] : memref<4x784x128xf32, #tpu.memory_space<vmem>>, vector<1x784x128xf32>
    %swap3A_59 = vector.shape_cast %swap3A_58 : vector<1x784x128xf32> to vector<784x128xf32>
    %swap3A_60 = vector.shape_cast %mul3A_54 : vector<784x128xf32> to vector<1x784x128xf32>
    tpu.vector_store %arg3[%swap3A_55, %swap3A_56, %swap3A_57], %swap3A_60 {strides = array<i32>} : memref<4x784x128xf32, #tpu.memory_space<vmem>>, vector<1x784x128xf32>,
    return
  }
}

module attributes {stable_mosaic.version = 14 : i64} {
  func.func @_tcB(%arg0: memref<2x4x784x128xf32, #tpu.memory_space<vmem>>, %arg1: memref<4x784x128xf32, #tpu.memory_space<vmem>>, %arg2: memref<784x128xf32, #tpu.memory_space<vmem>>, %arg3: memref<4x16xf32, #tpu.memory_space<smem>>, %arg4: memref<16xf32, #tpu.memory_space<smem>>, %arg5: memref<16x1xf32, #tpu.memory_space<smem>>, %arg6: memref<784x128xf32, #tpu.memory_space<vmem>>) attributes {dimension_semantics = [], scalar_prefetch = 0 : i64, scratch_operands = 0 : i64, tpu.core_type = #tpu.core_type<tc>} {
    %get3A = arith.constant 0 : index
    %get3A_0 = arith.constant 0 : index
    %get3A_1 = vector.load %arg2[%get3A, %get3A_0] : memref<784x128xf32, #tpu.memory_space<vmem>>, vector<784x128xf32>
    %get3A_2 = arith.constant 0 : index
    %get3A_3 = arith.constant 0 : index
    %get3A_4 = arith.constant 0 : index
    %get3A_5 = arith.constant 0 : index
    %get3A_6 = vector.load %arg0[%get3A_2, %get3A_3, %get3A_4, %get3A_5] : memref<2x4x784x128xf32, #tpu.memory_space<vmem>>, vector<1x1x784x128xf32>
    %get3A_7 = vector.shape_cast %get3A_6 : vector<1x1x784x128xf32> to vector<784x128xf32>
    %get3A_8 = arith.constant 1 : index
    %get3A_9 = arith.constant 0 : index
    %get3A_10 = arith.constant 0 : index
    %get3A_11 = arith.constant 0 : index
    %get3A_12 = vector.load %arg0[%get3A_8, %get3A_9, %get3A_10, %get3A_11] : memref<2x4x784x128xf32, #tpu.memory_space<vmem>>, vector<1x1x784x128xf32>
    %get3A_13 = vector.shape_cast %get3A_12 : vector<1x1x784x128xf32> to vector<784x128xf32>
    %add3A = arith.addf %get3A_7, %get3A_13 : vector<784x128xf32>
    %get3A_14 = arith.constant 0 : index
    %get3A_15 = arith.constant 0 : index
    %get3A_16 = arith.constant 0 : index
    %get3A_17 = vector.load %arg1[%get3A_14, %get3A_15, %get3A_16] : memref<4x784x128xf32, #tpu.memory_space<vmem>>, vector<1x784x128xf32>
    %get3A_18 = vector.shape_cast %get3A_17 : vector<1x784x128xf32> to vector<784x128xf32>
    %add3A_19 = arith.addf %add3A, %get3A_18 : vector<784x128xf32>
    %mul3A = arith.mulf %get3A_1, %add3A_19 : vector<784x128xf32>
    %get3A_20 = arith.constant 0 : index
    %get3A_21 = arith.constant 1 : index
    %get3A_22 = arith.constant 0 : index
    %get3A_23 = arith.constant 0 : index
    %get3A_24 = vector.load %arg0[%get3A_20, %get3A_21, %get3A_22, %get3A_23] : memref<2x4x784x128xf32, #tpu.memory_space<vmem>>, vector<1x1x784x128xf32>
    %get3A_25 = vector.shape_cast %get3A_24 : vector<1x1x784x128xf32> to vector<784x128xf32>
    %get3A_26 = arith.constant 1 : index
    %get3A_27 = arith.constant 1 : index
    %get3A_28 = arith.constant 0 : index
    %get3A_29 = arith.constant 0 : index
    %get3A_30 = vector.load %arg0[%get3A_26, %get3A_27, %get3A_28, %get3A_29] : memref<2x4x784x128xf32, #tpu.memory_space<vmem>>, vector<1x1x784x128xf32>
    %get3A_31 = vector.shape_cast %get3A_30 : vector<1x1x784x128xf32> to vector<784x128xf32>
    %add3A_32 = arith.addf %get3A_25, %get3A_31 : vector<784x128xf32>
    %get3A_33 = arith.constant 1 : index
    %get3A_34 = arith.constant 0 : index
    %get3A_35 = arith.constant 0 : index
    %get3A_36 = vector.load %arg1[%get3A_33, %get3A_34, %get3A_35] : memref<4x784x128xf32, #tpu.memory_space<vmem>>, vector<1x784x128xf32>
    %get3A_37 = vector.shape_cast %get3A_36 : vector<1x784x128xf32> to vector<784x128xf32>
    %add3A_38 = arith.addf %add3A_32, %get3A_37 : vector<784x128xf32>
    %mul3A_39 = arith.mulf %get3A_1, %add3A_38 : vector<784x128xf32>
    %get3A_40 = arith.constant 0 : index
    %get3A_41 = arith.constant 2 : index
    %get3A_42 = arith.constant 0 : index
    %get3A_43 = arith.constant 0 : index
    %get3A_44 = vector.load %arg0[%get3A_40, %get3A_41, %get3A_42, %get3A_43] : memref<2x4x784x128xf32, #tpu.memory_space<vmem>>, vector<1x1x784x128xf32>
    %get3A_45 = vector.shape_cast %get3A_44 : vector<1x1x784x128xf32> to vector<784x128xf32>
    %get3A_46 = arith.constant 1 : index
    %get3A_47 = arith.constant 2 : index
    %get3A_48 = arith.constant 0 : index
    %get3A_49 = arith.constant 0 : index
    %get3A_50 = vector.load %arg0[%get3A_46, %get3A_47, %get3A_48, %get3A_49] : memref<2x4x784x128xf32, #tpu.memory_space<vmem>>, vector<1x1x784x128xf32>
    %get3A_51 = vector.shape_cast %get3A_50 : vector<1x1x784x128xf32> to vector<784x128xf32>
    %add3A_52 = arith.addf %get3A_45, %get3A_51 : vector<784x128xf32>
    %get3A_53 = arith.constant 2 : index
    %get3A_54 = arith.constant 0 : index
    %get3A_55 = arith.constant 0 : index
    %get3A_56 = vector.load %arg1[%get3A_53, %get3A_54, %get3A_55] : memref<4x784x128xf32, #tpu.memory_space<vmem>>, vector<1x784x128xf32>
    %get3A_57 = vector.shape_cast %get3A_56 : vector<1x784x128xf32> to vector<784x128xf32>
    %add3A_58 = arith.addf %add3A_52, %get3A_57 : vector<784x128xf32>
    %mul3A_59 = arith.mulf %get3A_1, %add3A_58 : vector<784x128xf32>
    %get3A_60 = arith.constant 0 : index
    %get3A_61 = arith.constant 3 : index
    %get3A_62 = arith.constant 0 : index
    %get3A_63 = arith.constant 0 : index
    %get3A_64 = vector.load %arg0[%get3A_60, %get3A_61, %get3A_62, %get3A_63] : memref<2x4x784x128xf32, #tpu.memory_space<vmem>>, vector<1x1x784x128xf32>
    %get3A_65 = vector.shape_cast %get3A_64 : vector<1x1x784x128xf32> to vector<784x128xf32>
    %get3A_66 = arith.constant 1 : index
    %get3A_67 = arith.constant 3 : index
    %get3A_68 = arith.constant 0 : index
    %get3A_69 = arith.constant 0 : index
    %get3A_70 = vector.load %arg0[%get3A_66, %get3A_67, %get3A_68, %get3A_69] : memref<2x4x784x128xf32, #tpu.memory_space<vmem>>, vector<1x1x784x128xf32>
    %get3A_71 = vector.shape_cast %get3A_70 : vector<1x1x784x128xf32> to vector<784x128xf32>
    %add3A_72 = arith.addf %get3A_65, %get3A_71 : vector<784x128xf32>
    %get3A_73 = arith.constant 3 : index
    %get3A_74 = arith.constant 0 : index
    %get3A_75 = arith.constant 0 : index
    %get3A_76 = vector.load %arg1[%get3A_73, %get3A_74, %get3A_75] : memref<4x784x128xf32, #tpu.memory_space<vmem>>, vector<1x784x128xf32>
    %get3A_77 = vector.shape_cast %get3A_76 : vector<1x784x128xf32> to vector<784x128xf32>
    %add3A_78 = arith.addf %add3A_72, %get3A_77 : vector<784x128xf32>
    %mul3A_79 = arith.mulf %get3A_1, %add3A_78 : vector<784x128xf32>
    %broadcast_in_dim3A = arith.constant 0.000000e+00 : f32
    %broadcast_in_dim3A_80 = vector.broadcast %broadcast_in_dim3A : f32 to vector<784x128xf32>
    %get3A_81 = arith.constant 0 : index
    %get3A_82 = memref.load %arg4[%get3A_81] : memref<16xf32, #tpu.memory_space<smem>>
    %get3A_83 = arith.constant 0 : index
    %get3A_84 = arith.constant 0 : index
    %get3A_85 = memref.load %arg3[%get3A_83, %get3A_84] : memref<4x16xf32, #tpu.memory_space<smem>>
    %mul3A_86 = vector.broadcast %get3A_85 : f32 to vector<784x128xf32>
    %mul3A_87 = arith.mulf %mul3A, %mul3A_86 : vector<784x128xf32>
    %add3A_88 = vector.broadcast %get3A_82 : f32 to vector<784x128xf32>
    %add3A_89 = arith.addf %add3A_88, %mul3A_87 : vector<784x128xf32>
    %get3A_90 = arith.constant 1 : index
    %get3A_91 = arith.constant 0 : index
    %get3A_92 = memref.load %arg3[%get3A_90, %get3A_91] : memref<4x16xf32, #tpu.memory_space<smem>>
    %mul3A_93 = vector.broadcast %get3A_92 : f32 to vector<784x128xf32>
    %mul3A_94 = arith.mulf %mul3A_39, %mul3A_93 : vector<784x128xf32>
    %add3A_95 = arith.addf %add3A_89, %mul3A_94 : vector<784x128xf32>
    %get3A_96 = arith.constant 2 : index
    %get3A_97 = arith.constant 0 : index
    %get3A_98 = memref.load %arg3[%get3A_96, %get3A_97] : memref<4x16xf32, #tpu.memory_space<smem>>
    %mul3A_99 = vector.broadcast %get3A_98 : f32 to vector<784x128xf32>
    %mul3A_100 = arith.mulf %mul3A_59, %mul3A_99 : vector<784x128xf32>
    %add3A_101 = arith.addf %add3A_95, %mul3A_100 : vector<784x128xf32>
    %get3A_102 = arith.constant 3 : index
    %get3A_103 = arith.constant 0 : index
    %get3A_104 = memref.load %arg3[%get3A_102, %get3A_103] : memref<4x16xf32, #tpu.memory_space<smem>>
    %mul3A_105 = vector.broadcast %get3A_104 : f32 to vector<784x128xf32>
    %mul3A_106 = arith.mulf %mul3A_79, %mul3A_105 : vector<784x128xf32>
    %add3A_107 = arith.addf %add3A_101, %mul3A_106 : vector<784x128xf32>
    %max3A = arith.constant 0.000000e+00 : f32
    %max3A_108 = vector.broadcast %max3A : f32 to vector<784x128xf32>
    %max3A_109 = arith.maximumf %add3A_107, %max3A_108 : vector<784x128xf32>
    %get3A_110 = arith.constant 0 : index
    %get3A_111 = arith.constant 0 : index
    %get3A_112 = memref.load %arg5[%get3A_110, %get3A_111] : memref<16x1xf32, #tpu.memory_space<smem>>
    %mul3A_113 = vector.broadcast %get3A_112 : f32 to vector<784x128xf32>
    %mul3A_114 = arith.mulf %max3A_109, %mul3A_113 : vector<784x128xf32>
    %add3A_115 = arith.addf %broadcast_in_dim3A_80, %mul3A_114 : vector<784x128xf32>
    %get3A_116 = arith.constant 1 : index
    %get3A_117 = memref.load %arg4[%get3A_116] : memref<16xf32, #tpu.memory_space<smem>>
    %get3A_118 = arith.constant 0 : index
    %get3A_119 = arith.constant 1 : index
    %get3A_120 = memref.load %arg3[%get3A_118, %get3A_119] : memref<4x16xf32, #tpu.memory_space<smem>>
    %mul3A_121 = vector.broadcast %get3A_120 : f32 to vector<784x128xf32>
    %mul3A_122 = arith.mulf %mul3A, %mul3A_121 : vector<784x128xf32>
    %add3A_123 = vector.broadcast %get3A_117 : f32 to vector<784x128xf32>
    %add3A_124 = arith.addf %add3A_123, %mul3A_122 : vector<784x128xf32>
    %get3A_125 = arith.constant 1 : index
    %get3A_126 = arith.constant 1 : index
    %get3A_127 = memref.load %arg3[%get3A_125, %get3A_126] : memref<4x16xf32, #tpu.memory_space<smem>>
    %mul3A_128 = vector.broadcast %get3A_127 : f32 to vector<784x128xf32>
    %mul3A_129 = arith.mulf %mul3A_39, %mul3A_128 : vector<784x128xf32>
    %add3A_130 = arith.addf %add3A_124, %mul3A_129 : vector<784x128xf32>
    %get3A_131 = arith.constant 2 : index
    %get3A_132 = arith.constant 1 : index
    %get3A_133 = memref.load %arg3[%get3A_131, %get3A_132] : memref<4x16xf32, #tpu.memory_space<smem>>
    %mul3A_134 = vector.broadcast %get3A_133 : f32 to vector<784x128xf32>
    %mul3A_135 = arith.mulf %mul3A_59, %mul3A_134 : vector<784x128xf32>
    %add3A_136 = arith.addf %add3A_130, %mul3A_135 : vector<784x128xf32>
    %get3A_137 = arith.constant 3 : index
    %get3A_138 = arith.constant 1 : index
    %get3A_139 = memref.load %arg3[%get3A_137, %get3A_138] : memref<4x16xf32, #tpu.memory_space<smem>>
    %mul3A_140 = vector.broadcast %get3A_139 : f32 to vector<784x128xf32>
    %mul3A_141 = arith.mulf %mul3A_79, %mul3A_140 : vector<784x128xf32>
    %add3A_142 = arith.addf %add3A_136, %mul3A_141 : vector<784x128xf32>
    %max3A_143 = arith.constant 0.000000e+00 : f32
    %max3A_144 = vector.broadcast %max3A_143 : f32 to vector<784x128xf32>
    %max3A_145 = arith.maximumf %add3A_142, %max3A_144 : vector<784x128xf32>
    %get3A_146 = arith.constant 1 : index
    %get3A_147 = arith.constant 0 : index
    %get3A_148 = memref.load %arg5[%get3A_146, %get3A_147] : memref<16x1xf32, #tpu.memory_space<smem>>
    %mul3A_149 = vector.broadcast %get3A_148 : f32 to vector<784x128xf32>
    %mul3A_150 = arith.mulf %max3A_145, %mul3A_149 : vector<784x128xf32>
    %add3A_151 = arith.addf %add3A_115, %mul3A_150 : vector<784x128xf32>
    %get3A_152 = arith.constant 2 : index
    %get3A_153 = memref.load %arg4[%get3A_152] : memref<16xf32, #tpu.memory_space<smem>>
    %get3A_154 = arith.constant 0 : index
    %get3A_155 = arith.constant 2 : index
    %get3A_156 = memref.load %arg3[%get3A_154, %get3A_155] : memref<4x16xf32, #tpu.memory_space<smem>>
    %mul3A_157 = vector.broadcast %get3A_156 : f32 to vector<784x128xf32>
    %mul3A_158 = arith.mulf %mul3A, %mul3A_157 : vector<784x128xf32>
    %add3A_159 = vector.broadcast %get3A_153 : f32 to vector<784x128xf32>
    %add3A_160 = arith.addf %add3A_159, %mul3A_158 : vector<784x128xf32>
    %get3A_161 = arith.constant 1 : index
    %get3A_162 = arith.constant 2 : index
    %get3A_163 = memref.load %arg3[%get3A_161, %get3A_162] : memref<4x16xf32, #tpu.memory_space<smem>>
    %mul3A_164 = vector.broadcast %get3A_163 : f32 to vector<784x128xf32>
    %mul3A_165 = arith.mulf %mul3A_39, %mul3A_164 : vector<784x128xf32>
    %add3A_166 = arith.addf %add3A_160, %mul3A_165 : vector<784x128xf32>
    %get3A_167 = arith.constant 2 : index
    %get3A_168 = arith.constant 2 : index
    %get3A_169 = memref.load %arg3[%get3A_167, %get3A_168] : memref<4x16xf32, #tpu.memory_space<smem>>
    %mul3A_170 = vector.broadcast %get3A_169 : f32 to vector<784x128xf32>
    %mul3A_171 = arith.mulf %mul3A_59, %mul3A_170 : vector<784x128xf32>
    %add3A_172 = arith.addf %add3A_166, %mul3A_171 : vector<784x128xf32>
    %get3A_173 = arith.constant 3 : index
    %get3A_174 = arith.constant 2 : index
    %get3A_175 = memref.load %arg3[%get3A_173, %get3A_174] : memref<4x16xf32, #tpu.memory_space<smem>>
    %mul3A_176 = vector.broadcast %get3A_175 : f32 to vector<784x128xf32>
    %mul3A_177 = arith.mulf %mul3A_79, %mul3A_176 : vector<784x128xf32>
    %add3A_178 = arith.addf %add3A_172, %mul3A_177 : vector<784x128xf32>
    %max3A_179 = arith.constant 0.000000e+00 : f32
    %max3A_180 = vector.broadcast %max3A_179 : f32 to vector<784x128xf32>
    %max3A_181 = arith.maximumf %add3A_178, %max3A_180 : vector<784x128xf32>
    %get3A_182 = arith.constant 2 : index
    %get3A_183 = arith.constant 0 : index
    %get3A_184 = memref.load %arg5[%get3A_182, %get3A_183] : memref<16x1xf32, #tpu.memory_space<smem>>
    %mul3A_185 = vector.broadcast %get3A_184 : f32 to vector<784x128xf32>
    %mul3A_186 = arith.mulf %max3A_181, %mul3A_185 : vector<784x128xf32>
    %add3A_187 = arith.addf %add3A_151, %mul3A_186 : vector<784x128xf32>
    %get3A_188 = arith.constant 3 : index
    %get3A_189 = memref.load %arg4[%get3A_188] : memref<16xf32, #tpu.memory_space<smem>>
    %get3A_190 = arith.constant 0 : index
    %get3A_191 = arith.constant 3 : index
    %get3A_192 = memref.load %arg3[%get3A_190, %get3A_191] : memref<4x16xf32, #tpu.memory_space<smem>>
    %mul3A_193 = vector.broadcast %get3A_192 : f32 to vector<784x128xf32>
    %mul3A_194 = arith.mulf %mul3A, %mul3A_193 : vector<784x128xf32>
    %add3A_195 = vector.broadcast %get3A_189 : f32 to vector<784x128xf32>
    %add3A_196 = arith.addf %add3A_195, %mul3A_194 : vector<784x128xf32>
    %get3A_197 = arith.constant 1 : index
    %get3A_198 = arith.constant 3 : index
    %get3A_199 = memref.load %arg3[%get3A_197, %get3A_198] : memref<4x16xf32, #tpu.memory_space<smem>>
    %mul3A_200 = vector.broadcast %get3A_199 : f32 to vector<784x128xf32>
    %mul3A_201 = arith.mulf %mul3A_39, %mul3A_200 : vector<784x128xf32>
    %add3A_202 = arith.addf %add3A_196, %mul3A_201 : vector<784x128xf32>
    %get3A_203 = arith.constant 2 : index
    %get3A_204 = arith.constant 3 : index
    %get3A_205 = memref.load %arg3[%get3A_203, %get3A_204] : memref<4x16xf32, #tpu.memory_space<smem>>
    %mul3A_206 = vector.broadcast %get3A_205 : f32 to vector<784x128xf32>
    %mul3A_207 = arith.mulf %mul3A_59, %mul3A_206 : vector<784x128xf32>
    %add3A_208 = arith.addf %add3A_202, %mul3A_207 : vector<784x128xf32>
    %get3A_209 = arith.constant 3 : index
    %get3A_210 = arith.constant 3 : index
    %get3A_211 = memref.load %arg3[%get3A_209, %get3A_210] : memref<4x16xf32, #tpu.memory_space<smem>>
    %mul3A_212 = vector.broadcast %get3A_211 : f32 to vector<784x128xf32>
    %mul3A_213 = arith.mulf %mul3A_79, %mul3A_212 : vector<784x128xf32>
    %add3A_214 = arith.addf %add3A_208, %mul3A_213 : vector<784x128xf32>
    %max3A_215 = arith.constant 0.000000e+00 : f32
    %max3A_216 = vector.broadcast %max3A_215 : f32 to vector<784x128xf32>
    %max3A_217 = arith.maximumf %add3A_214, %max3A_216 : vector<784x128xf32>
    %get3A_218 = arith.constant 3 : index
    %get3A_219 = arith.constant 0 : index
    %get3A_220 = memref.load %arg5[%get3A_218, %get3A_219] : memref<16x1xf32, #tpu.memory_space<smem>>
    %mul3A_221 = vector.broadcast %get3A_220 : f32 to vector<784x128xf32>
    %mul3A_222 = arith.mulf %max3A_217, %mul3A_221 : vector<784x128xf32>
    %add3A_223 = arith.addf %add3A_187, %mul3A_222 : vector<784x128xf32>
    %get3A_224 = arith.constant 4 : index
    %get3A_225 = memref.load %arg4[%get3A_224] : memref<16xf32, #tpu.memory_space<smem>>
    %get3A_226 = arith.constant 0 : index
    %get3A_227 = arith.constant 4 : index
    %get3A_228 = memref.load %arg3[%get3A_226, %get3A_227] : memref<4x16xf32, #tpu.memory_space<smem>>
    %mul3A_229 = vector.broadcast %get3A_228 : f32 to vector<784x128xf32>
    %mul3A_230 = arith.mulf %mul3A, %mul3A_229 : vector<784x128xf32>
    %add3A_231 = vector.broadcast %get3A_225 : f32 to vector<784x128xf32>
    %add3A_232 = arith.addf %add3A_231, %mul3A_230 : vector<784x128xf32>
    %get3A_233 = arith.constant 1 : index
    %get3A_234 = arith.constant 4 : index
    %get3A_235 = memref.load %arg3[%get3A_233, %get3A_234] : memref<4x16xf32, #tpu.memory_space<smem>>
    %mul3A_236 = vector.broadcast %get3A_235 : f32 to vector<784x128xf32>
    %mul3A_237 = arith.mulf %mul3A_39, %mul3A_236 : vector<784x128xf32>
    %add3A_238 = arith.addf %add3A_232, %mul3A_237 : vector<784x128xf32>
    %get3A_239 = arith.constant 2 : index
    %get3A_240 = arith.constant 4 : index
    %get3A_241 = memref.load %arg3[%get3A_239, %get3A_240] : memref<4x16xf32, #tpu.memory_space<smem>>
    %mul3A_242 = vector.broadcast %get3A_241 : f32 to vector<784x128xf32>
    %mul3A_243 = arith.mulf %mul3A_59, %mul3A_242 : vector<784x128xf32>
    %add3A_244 = arith.addf %add3A_238, %mul3A_243 : vector<784x128xf32>
    %get3A_245 = arith.constant 3 : index
    %get3A_246 = arith.constant 4 : index
    %get3A_247 = memref.load %arg3[%get3A_245, %get3A_246] : memref<4x16xf32, #tpu.memory_space<smem>>
    %mul3A_248 = vector.broadcast %get3A_247 : f32 to vector<784x128xf32>
    %mul3A_249 = arith.mulf %mul3A_79, %mul3A_248 : vector<784x128xf32>
    %add3A_250 = arith.addf %add3A_244, %mul3A_249 : vector<784x128xf32>
    %max3A_251 = arith.constant 0.000000e+00 : f32
    %max3A_252 = vector.broadcast %max3A_251 : f32 to vector<784x128xf32>
    %max3A_253 = arith.maximumf %add3A_250, %max3A_252 : vector<784x128xf32>
    %get3A_254 = arith.constant 4 : index
    %get3A_255 = arith.constant 0 : index
    %get3A_256 = memref.load %arg5[%get3A_254, %get3A_255] : memref<16x1xf32, #tpu.memory_space<smem>>
    %mul3A_257 = vector.broadcast %get3A_256 : f32 to vector<784x128xf32>
    %mul3A_258 = arith.mulf %max3A_253, %mul3A_257 : vector<784x128xf32>
    %add3A_259 = arith.addf %add3A_223, %mul3A_258 : vector<784x128xf32>
    %get3A_260 = arith.constant 5 : index
    %get3A_261 = memref.load %arg4[%get3A_260] : memref<16xf32, #tpu.memory_space<smem>>
    %get3A_262 = arith.constant 0 : index
    %get3A_263 = arith.constant 5 : index
    %get3A_264 = memref.load %arg3[%get3A_262, %get3A_263] : memref<4x16xf32, #tpu.memory_space<smem>>
    %mul3A_265 = vector.broadcast %get3A_264 : f32 to vector<784x128xf32>
    %mul3A_266 = arith.mulf %mul3A, %mul3A_265 : vector<784x128xf32>
    %add3A_267 = vector.broadcast %get3A_261 : f32 to vector<784x128xf32>
    %add3A_268 = arith.addf %add3A_267, %mul3A_266 : vector<784x128xf32>
    %get3A_269 = arith.constant 1 : index
    %get3A_270 = arith.constant 5 : index
    %get3A_271 = memref.load %arg3[%get3A_269, %get3A_270] : memref<4x16xf32, #tpu.memory_space<smem>>
    %mul3A_272 = vector.broadcast %get3A_271 : f32 to vector<784x128xf32>
    %mul3A_273 = arith.mulf %mul3A_39, %mul3A_272 : vector<784x128xf32>
    %add3A_274 = arith.addf %add3A_268, %mul3A_273 : vector<784x128xf32>
    %get3A_275 = arith.constant 2 : index
    %get3A_276 = arith.constant 5 : index
    %get3A_277 = memref.load %arg3[%get3A_275, %get3A_276] : memref<4x16xf32, #tpu.memory_space<smem>>
    %mul3A_278 = vector.broadcast %get3A_277 : f32 to vector<784x128xf32>
    %mul3A_279 = arith.mulf %mul3A_59, %mul3A_278 : vector<784x128xf32>
    %add3A_280 = arith.addf %add3A_274, %mul3A_279 : vector<784x128xf32>
    %get3A_281 = arith.constant 3 : index
    %get3A_282 = arith.constant 5 : index
    %get3A_283 = memref.load %arg3[%get3A_281, %get3A_282] : memref<4x16xf32, #tpu.memory_space<smem>>
    %mul3A_284 = vector.broadcast %get3A_283 : f32 to vector<784x128xf32>
    %mul3A_285 = arith.mulf %mul3A_79, %mul3A_284 : vector<784x128xf32>
    %add3A_286 = arith.addf %add3A_280, %mul3A_285 : vector<784x128xf32>
    %max3A_287 = arith.constant 0.000000e+00 : f32
    %max3A_288 = vector.broadcast %max3A_287 : f32 to vector<784x128xf32>
    %max3A_289 = arith.maximumf %add3A_286, %max3A_288 : vector<784x128xf32>
    %get3A_290 = arith.constant 5 : index
    %get3A_291 = arith.constant 0 : index
    %get3A_292 = memref.load %arg5[%get3A_290, %get3A_291] : memref<16x1xf32, #tpu.memory_space<smem>>
    %mul3A_293 = vector.broadcast %get3A_292 : f32 to vector<784x128xf32>
    %mul3A_294 = arith.mulf %max3A_289, %mul3A_293 : vector<784x128xf32>
    %add3A_295 = arith.addf %add3A_259, %mul3A_294 : vector<784x128xf32>
    %get3A_296 = arith.constant 6 : index
    %get3A_297 = memref.load %arg4[%get3A_296] : memref<16xf32, #tpu.memory_space<smem>>
    %get3A_298 = arith.constant 0 : index
    %get3A_299 = arith.constant 6 : index
    %get3A_300 = memref.load %arg3[%get3A_298, %get3A_299] : memref<4x16xf32, #tpu.memory_space<smem>>
    %mul3A_301 = vector.broadcast %get3A_300 : f32 to vector<784x128xf32>
    %mul3A_302 = arith.mulf %mul3A, %mul3A_301 : vector<784x128xf32>
    %add3A_303 = vector.broadcast %get3A_297 : f32 to vector<784x128xf32>
    %add3A_304 = arith.addf %add3A_303, %mul3A_302 : vector<784x128xf32>
    %get3A_305 = arith.constant 1 : index
    %get3A_306 = arith.constant 6 : index
    %get3A_307 = memref.load %arg3[%get3A_305, %get3A_306] : memref<4x16xf32, #tpu.memory_space<smem>>
    %mul3A_308 = vector.broadcast %get3A_307 : f32 to vector<784x128xf32>
    %mul3A_309 = arith.mulf %mul3A_39, %mul3A_308 : vector<784x128xf32>
    %add3A_310 = arith.addf %add3A_304, %mul3A_309 : vector<784x128xf32>
    %get3A_311 = arith.constant 2 : index
    %get3A_312 = arith.constant 6 : index
    %get3A_313 = memref.load %arg3[%get3A_311, %get3A_312] : memref<4x16xf32, #tpu.memory_space<smem>>
    %mul3A_314 = vector.broadcast %get3A_313 : f32 to vector<784x128xf32>
    %mul3A_315 = arith.mulf %mul3A_59, %mul3A_314 : vector<784x128xf32>
    %add3A_316 = arith.addf %add3A_310, %mul3A_315 : vector<784x128xf32>
    %get3A_317 = arith.constant 3 : index
    %get3A_318 = arith.constant 6 : index
    %get3A_319 = memref.load %arg3[%get3A_317, %get3A_318] : memref<4x16xf32, #tpu.memory_space<smem>>
    %mul3A_320 = vector.broadcast %get3A_319 : f32 to vector<784x128xf32>
    %mul3A_321 = arith.mulf %mul3A_79, %mul3A_320 : vector<784x128xf32>
    %add3A_322 = arith.addf %add3A_316, %mul3A_321 : vector<784x128xf32>
    %max3A_323 = arith.constant 0.000000e+00 : f32
    %max3A_324 = vector.broadcast %max3A_323 : f32 to vector<784x128xf32>
    %max3A_325 = arith.maximumf %add3A_322, %max3A_324 : vector<784x128xf32>
    %get3A_326 = arith.constant 6 : index
    %get3A_327 = arith.constant 0 : index
    %get3A_328 = memref.load %arg5[%get3A_326, %get3A_327] : memref<16x1xf32, #tpu.memory_space<smem>>
    %mul3A_329 = vector.broadcast %get3A_328 : f32 to vector<784x128xf32>
    %mul3A_330 = arith.mulf %max3A_325, %mul3A_329 : vector<784x128xf32>
    %add3A_331 = arith.addf %add3A_295, %mul3A_330 : vector<784x128xf32>
    %get3A_332 = arith.constant 7 : index
    %get3A_333 = memref.load %arg4[%get3A_332] : memref<16xf32, #tpu.memory_space<smem>>
    %get3A_334 = arith.constant 0 : index
    %get3A_335 = arith.constant 7 : index
    %get3A_336 = memref.load %arg3[%get3A_334, %get3A_335] : memref<4x16xf32, #tpu.memory_space<smem>>
    %mul3A_337 = vector.broadcast %get3A_336 : f32 to vector<784x128xf32>
    %mul3A_338 = arith.mulf %mul3A, %mul3A_337 : vector<784x128xf32>
    %add3A_339 = vector.broadcast %get3A_333 : f32 to vector<784x128xf32>
    %add3A_340 = arith.addf %add3A_339, %mul3A_338 : vector<784x128xf32>
    %get3A_341 = arith.constant 1 : index
    %get3A_342 = arith.constant 7 : index
    %get3A_343 = memref.load %arg3[%get3A_341, %get3A_342] : memref<4x16xf32, #tpu.memory_space<smem>>
    %mul3A_344 = vector.broadcast %get3A_343 : f32 to vector<784x128xf32>
    %mul3A_345 = arith.mulf %mul3A_39, %mul3A_344 : vector<784x128xf32>
    %add3A_346 = arith.addf %add3A_340, %mul3A_345 : vector<784x128xf32>
    %get3A_347 = arith.constant 2 : index
    %get3A_348 = arith.constant 7 : index
    %get3A_349 = memref.load %arg3[%get3A_347, %get3A_348] : memref<4x16xf32, #tpu.memory_space<smem>>
    %mul3A_350 = vector.broadcast %get3A_349 : f32 to vector<784x128xf32>
    %mul3A_351 = arith.mulf %mul3A_59, %mul3A_350 : vector<784x128xf32>
    %add3A_352 = arith.addf %add3A_346, %mul3A_351 : vector<784x128xf32>
    %get3A_353 = arith.constant 3 : index
    %get3A_354 = arith.constant 7 : index
    %get3A_355 = memref.load %arg3[%get3A_353, %get3A_354] : memref<4x16xf32, #tpu.memory_space<smem>>
    %mul3A_356 = vector.broadcast %get3A_355 : f32 to vector<784x128xf32>
    %mul3A_357 = arith.mulf %mul3A_79, %mul3A_356 : vector<784x128xf32>
    %add3A_358 = arith.addf %add3A_352, %mul3A_357 : vector<784x128xf32>
    %max3A_359 = arith.constant 0.000000e+00 : f32
    %max3A_360 = vector.broadcast %max3A_359 : f32 to vector<784x128xf32>
    %max3A_361 = arith.maximumf %add3A_358, %max3A_360 : vector<784x128xf32>
    %get3A_362 = arith.constant 7 : index
    %get3A_363 = arith.constant 0 : index
    %get3A_364 = memref.load %arg5[%get3A_362, %get3A_363] : memref<16x1xf32, #tpu.memory_space<smem>>
    %mul3A_365 = vector.broadcast %get3A_364 : f32 to vector<784x128xf32>
    %mul3A_366 = arith.mulf %max3A_361, %mul3A_365 : vector<784x128xf32>
    %add3A_367 = arith.addf %add3A_331, %mul3A_366 : vector<784x128xf32>
    %get3A_368 = arith.constant 8 : index
    %get3A_369 = memref.load %arg4[%get3A_368] : memref<16xf32, #tpu.memory_space<smem>>
    %get3A_370 = arith.constant 0 : index
    %get3A_371 = arith.constant 8 : index
    %get3A_372 = memref.load %arg3[%get3A_370, %get3A_371] : memref<4x16xf32, #tpu.memory_space<smem>>
    %mul3A_373 = vector.broadcast %get3A_372 : f32 to vector<784x128xf32>
    %mul3A_374 = arith.mulf %mul3A, %mul3A_373 : vector<784x128xf32>
    %add3A_375 = vector.broadcast %get3A_369 : f32 to vector<784x128xf32>
    %add3A_376 = arith.addf %add3A_375, %mul3A_374 : vector<784x128xf32>
    %get3A_377 = arith.constant 1 : index
    %get3A_378 = arith.constant 8 : index
    %get3A_379 = memref.load %arg3[%get3A_377, %get3A_378] : memref<4x16xf32, #tpu.memory_space<smem>>
    %mul3A_380 = vector.broadcast %get3A_379 : f32 to vector<784x128xf32>
    %mul3A_381 = arith.mulf %mul3A_39, %mul3A_380 : vector<784x128xf32>
    %add3A_382 = arith.addf %add3A_376, %mul3A_381 : vector<784x128xf32>
    %get3A_383 = arith.constant 2 : index
    %get3A_384 = arith.constant 8 : index
    %get3A_385 = memref.load %arg3[%get3A_383, %get3A_384] : memref<4x16xf32, #tpu.memory_space<smem>>
    %mul3A_386 = vector.broadcast %get3A_385 : f32 to vector<784x128xf32>
    %mul3A_387 = arith.mulf %mul3A_59, %mul3A_386 : vector<784x128xf32>
    %add3A_388 = arith.addf %add3A_382, %mul3A_387 : vector<784x128xf32>
    %get3A_389 = arith.constant 3 : index
    %get3A_390 = arith.constant 8 : index
    %get3A_391 = memref.load %arg3[%get3A_389, %get3A_390] : memref<4x16xf32, #tpu.memory_space<smem>>
    %mul3A_392 = vector.broadcast %get3A_391 : f32 to vector<784x128xf32>
    %mul3A_393 = arith.mulf %mul3A_79, %mul3A_392 : vector<784x128xf32>
    %add3A_394 = arith.addf %add3A_388, %mul3A_393 : vector<784x128xf32>
    %max3A_395 = arith.constant 0.000000e+00 : f32
    %max3A_396 = vector.broadcast %max3A_395 : f32 to vector<784x128xf32>
    %max3A_397 = arith.maximumf %add3A_394, %max3A_396 : vector<784x128xf32>
    %get3A_398 = arith.constant 8 : index
    %get3A_399 = arith.constant 0 : index
    %get3A_400 = memref.load %arg5[%get3A_398, %get3A_399] : memref<16x1xf32, #tpu.memory_space<smem>>
    %mul3A_401 = vector.broadcast %get3A_400 : f32 to vector<784x128xf32>
    %mul3A_402 = arith.mulf %max3A_397, %mul3A_401 : vector<784x128xf32>
    %add3A_403 = arith.addf %add3A_367, %mul3A_402 : vector<784x128xf32>
    %get3A_404 = arith.constant 9 : index
    %get3A_405 = memref.load %arg4[%get3A_404] : memref<16xf32, #tpu.memory_space<smem>>
    %get3A_406 = arith.constant 0 : index
    %get3A_407 = arith.constant 9 : index
    %get3A_408 = memref.load %arg3[%get3A_406, %get3A_407] : memref<4x16xf32, #tpu.memory_space<smem>>
    %mul3A_409 = vector.broadcast %get3A_408 : f32 to vector<784x128xf32>
    %mul3A_410 = arith.mulf %mul3A, %mul3A_409 : vector<784x128xf32>
    %add3A_411 = vector.broadcast %get3A_405 : f32 to vector<784x128xf32>
    %add3A_412 = arith.addf %add3A_411, %mul3A_410 : vector<784x128xf32>
    %get3A_413 = arith.constant 1 : index
    %get3A_414 = arith.constant 9 : index
    %get3A_415 = memref.load %arg3[%get3A_413, %get3A_414] : memref<4x16xf32, #tpu.memory_space<smem>>
    %mul3A_416 = vector.broadcast %get3A_415 : f32 to vector<784x128xf32>
    %mul3A_417 = arith.mulf %mul3A_39, %mul3A_416 : vector<784x128xf32>
    %add3A_418 = arith.addf %add3A_412, %mul3A_417 : vector<784x128xf32>
    %get3A_419 = arith.constant 2 : index
    %get3A_420 = arith.constant 9 : index
    %get3A_421 = memref.load %arg3[%get3A_419, %get3A_420] : memref<4x16xf32, #tpu.memory_space<smem>>
    %mul3A_422 = vector.broadcast %get3A_421 : f32 to vector<784x128xf32>
    %mul3A_423 = arith.mulf %mul3A_59, %mul3A_422 : vector<784x128xf32>
    %add3A_424 = arith.addf %add3A_418, %mul3A_423 : vector<784x128xf32>
    %get3A_425 = arith.constant 3 : index
    %get3A_426 = arith.constant 9 : index
    %get3A_427 = memref.load %arg3[%get3A_425, %get3A_426] : memref<4x16xf32, #tpu.memory_space<smem>>
    %mul3A_428 = vector.broadcast %get3A_427 : f32 to vector<784x128xf32>
    %mul3A_429 = arith.mulf %mul3A_79, %mul3A_428 : vector<784x128xf32>
    %add3A_430 = arith.addf %add3A_424, %mul3A_429 : vector<784x128xf32>
    %max3A_431 = arith.constant 0.000000e+00 : f32
    %max3A_432 = vector.broadcast %max3A_431 : f32 to vector<784x128xf32>
    %max3A_433 = arith.maximumf %add3A_430, %max3A_432 : vector<784x128xf32>
    %get3A_434 = arith.constant 9 : index
    %get3A_435 = arith.constant 0 : index
    %get3A_436 = memref.load %arg5[%get3A_434, %get3A_435] : memref<16x1xf32, #tpu.memory_space<smem>>
    %mul3A_437 = vector.broadcast %get3A_436 : f32 to vector<784x128xf32>
    %mul3A_438 = arith.mulf %max3A_433, %mul3A_437 : vector<784x128xf32>
    %add3A_439 = arith.addf %add3A_403, %mul3A_438 : vector<784x128xf32>
    %get3A_440 = arith.constant 10 : index
    %get3A_441 = memref.load %arg4[%get3A_440] : memref<16xf32, #tpu.memory_space<smem>>
    %get3A_442 = arith.constant 0 : index
    %get3A_443 = arith.constant 10 : index
    %get3A_444 = memref.load %arg3[%get3A_442, %get3A_443] : memref<4x16xf32, #tpu.memory_space<smem>>
    %mul3A_445 = vector.broadcast %get3A_444 : f32 to vector<784x128xf32>
    %mul3A_446 = arith.mulf %mul3A, %mul3A_445 : vector<784x128xf32>
    %add3A_447 = vector.broadcast %get3A_441 : f32 to vector<784x128xf32>
    %add3A_448 = arith.addf %add3A_447, %mul3A_446 : vector<784x128xf32>
    %get3A_449 = arith.constant 1 : index
    %get3A_450 = arith.constant 10 : index
    %get3A_451 = memref.load %arg3[%get3A_449, %get3A_450] : memref<4x16xf32, #tpu.memory_space<smem>>
    %mul3A_452 = vector.broadcast %get3A_451 : f32 to vector<784x128xf32>
    %mul3A_453 = arith.mulf %mul3A_39, %mul3A_452 : vector<784x128xf32>
    %add3A_454 = arith.addf %add3A_448, %mul3A_453 : vector<784x128xf32>
    %get3A_455 = arith.constant 2 : index
    %get3A_456 = arith.constant 10 : index
    %get3A_457 = memref.load %arg3[%get3A_455, %get3A_456] : memref<4x16xf32, #tpu.memory_space<smem>>
    %mul3A_458 = vector.broadcast %get3A_457 : f32 to vector<784x128xf32>
    %mul3A_459 = arith.mulf %mul3A_59, %mul3A_458 : vector<784x128xf32>
    %add3A_460 = arith.addf %add3A_454, %mul3A_459 : vector<784x128xf32>
    %get3A_461 = arith.constant 3 : index
    %get3A_462 = arith.constant 10 : index
    %get3A_463 = memref.load %arg3[%get3A_461, %get3A_462] : memref<4x16xf32, #tpu.memory_space<smem>>
    %mul3A_464 = vector.broadcast %get3A_463 : f32 to vector<784x128xf32>
    %mul3A_465 = arith.mulf %mul3A_79, %mul3A_464 : vector<784x128xf32>
    %add3A_466 = arith.addf %add3A_460, %mul3A_465 : vector<784x128xf32>
    %max3A_467 = arith.constant 0.000000e+00 : f32
    %max3A_468 = vector.broadcast %max3A_467 : f32 to vector<784x128xf32>
    %max3A_469 = arith.maximumf %add3A_466, %max3A_468 : vector<784x128xf32>
    %get3A_470 = arith.constant 10 : index
    %get3A_471 = arith.constant 0 : index
    %get3A_472 = memref.load %arg5[%get3A_470, %get3A_471] : memref<16x1xf32, #tpu.memory_space<smem>>
    %mul3A_473 = vector.broadcast %get3A_472 : f32 to vector<784x128xf32>
    %mul3A_474 = arith.mulf %max3A_469, %mul3A_473 : vector<784x128xf32>
    %add3A_475 = arith.addf %add3A_439, %mul3A_474 : vector<784x128xf32>
    %get3A_476 = arith.constant 11 : index
    %get3A_477 = memref.load %arg4[%get3A_476] : memref<16xf32, #tpu.memory_space<smem>>
    %get3A_478 = arith.constant 0 : index
    %get3A_479 = arith.constant 11 : index
    %get3A_480 = memref.load %arg3[%get3A_478, %get3A_479] : memref<4x16xf32, #tpu.memory_space<smem>>
    %mul3A_481 = vector.broadcast %get3A_480 : f32 to vector<784x128xf32>
    %mul3A_482 = arith.mulf %mul3A, %mul3A_481 : vector<784x128xf32>
    %add3A_483 = vector.broadcast %get3A_477 : f32 to vector<784x128xf32>
    %add3A_484 = arith.addf %add3A_483, %mul3A_482 : vector<784x128xf32>
    %get3A_485 = arith.constant 1 : index
    %get3A_486 = arith.constant 11 : index
    %get3A_487 = memref.load %arg3[%get3A_485, %get3A_486] : memref<4x16xf32, #tpu.memory_space<smem>>
    %mul3A_488 = vector.broadcast %get3A_487 : f32 to vector<784x128xf32>
    %mul3A_489 = arith.mulf %mul3A_39, %mul3A_488 : vector<784x128xf32>
    %add3A_490 = arith.addf %add3A_484, %mul3A_489 : vector<784x128xf32>
    %get3A_491 = arith.constant 2 : index
    %get3A_492 = arith.constant 11 : index
    %get3A_493 = memref.load %arg3[%get3A_491, %get3A_492] : memref<4x16xf32, #tpu.memory_space<smem>>
    %mul3A_494 = vector.broadcast %get3A_493 : f32 to vector<784x128xf32>
    %mul3A_495 = arith.mulf %mul3A_59, %mul3A_494 : vector<784x128xf32>
    %add3A_496 = arith.addf %add3A_490, %mul3A_495 : vector<784x128xf32>
    %get3A_497 = arith.constant 3 : index
    %get3A_498 = arith.constant 11 : index
    %get3A_499 = memref.load %arg3[%get3A_497, %get3A_498] : memref<4x16xf32, #tpu.memory_space<smem>>
    %mul3A_500 = vector.broadcast %get3A_499 : f32 to vector<784x128xf32>
    %mul3A_501 = arith.mulf %mul3A_79, %mul3A_500 : vector<784x128xf32>
    %add3A_502 = arith.addf %add3A_496, %mul3A_501 : vector<784x128xf32>
    %max3A_503 = arith.constant 0.000000e+00 : f32
    %max3A_504 = vector.broadcast %max3A_503 : f32 to vector<784x128xf32>
    %max3A_505 = arith.maximumf %add3A_502, %max3A_504 : vector<784x128xf32>
    %get3A_506 = arith.constant 11 : index
    %get3A_507 = arith.constant 0 : index
    %get3A_508 = memref.load %arg5[%get3A_506, %get3A_507] : memref<16x1xf32, #tpu.memory_space<smem>>
    %mul3A_509 = vector.broadcast %get3A_508 : f32 to vector<784x128xf32>
    %mul3A_510 = arith.mulf %max3A_505, %mul3A_509 : vector<784x128xf32>
    %add3A_511 = arith.addf %add3A_475, %mul3A_510 : vector<784x128xf32>
    %get3A_512 = arith.constant 12 : index
    %get3A_513 = memref.load %arg4[%get3A_512] : memref<16xf32, #tpu.memory_space<smem>>
    %get3A_514 = arith.constant 0 : index
    %get3A_515 = arith.constant 12 : index
    %get3A_516 = memref.load %arg3[%get3A_514, %get3A_515] : memref<4x16xf32, #tpu.memory_space<smem>>
    %mul3A_517 = vector.broadcast %get3A_516 : f32 to vector<784x128xf32>
    %mul3A_518 = arith.mulf %mul3A, %mul3A_517 : vector<784x128xf32>
    %add3A_519 = vector.broadcast %get3A_513 : f32 to vector<784x128xf32>
    %add3A_520 = arith.addf %add3A_519, %mul3A_518 : vector<784x128xf32>
    %get3A_521 = arith.constant 1 : index
    %get3A_522 = arith.constant 12 : index
    %get3A_523 = memref.load %arg3[%get3A_521, %get3A_522] : memref<4x16xf32, #tpu.memory_space<smem>>
    %mul3A_524 = vector.broadcast %get3A_523 : f32 to vector<784x128xf32>
    %mul3A_525 = arith.mulf %mul3A_39, %mul3A_524 : vector<784x128xf32>
    %add3A_526 = arith.addf %add3A_520, %mul3A_525 : vector<784x128xf32>
    %get3A_527 = arith.constant 2 : index
    %get3A_528 = arith.constant 12 : index
    %get3A_529 = memref.load %arg3[%get3A_527, %get3A_528] : memref<4x16xf32, #tpu.memory_space<smem>>
    %mul3A_530 = vector.broadcast %get3A_529 : f32 to vector<784x128xf32>
    %mul3A_531 = arith.mulf %mul3A_59, %mul3A_530 : vector<784x128xf32>
    %add3A_532 = arith.addf %add3A_526, %mul3A_531 : vector<784x128xf32>
    %get3A_533 = arith.constant 3 : index
    %get3A_534 = arith.constant 12 : index
    %get3A_535 = memref.load %arg3[%get3A_533, %get3A_534] : memref<4x16xf32, #tpu.memory_space<smem>>
    %mul3A_536 = vector.broadcast %get3A_535 : f32 to vector<784x128xf32>
    %mul3A_537 = arith.mulf %mul3A_79, %mul3A_536 : vector<784x128xf32>
    %add3A_538 = arith.addf %add3A_532, %mul3A_537 : vector<784x128xf32>
    %max3A_539 = arith.constant 0.000000e+00 : f32
    %max3A_540 = vector.broadcast %max3A_539 : f32 to vector<784x128xf32>
    %max3A_541 = arith.maximumf %add3A_538, %max3A_540 : vector<784x128xf32>
    %get3A_542 = arith.constant 12 : index
    %get3A_543 = arith.constant 0 : index
    %get3A_544 = memref.load %arg5[%get3A_542, %get3A_543] : memref<16x1xf32, #tpu.memory_space<smem>>
    %mul3A_545 = vector.broadcast %get3A_544 : f32 to vector<784x128xf32>
    %mul3A_546 = arith.mulf %max3A_541, %mul3A_545 : vector<784x128xf32>
    %add3A_547 = arith.addf %add3A_511, %mul3A_546 : vector<784x128xf32>
    %get3A_548 = arith.constant 13 : index
    %get3A_549 = memref.load %arg4[%get3A_548] : memref<16xf32, #tpu.memory_space<smem>>
    %get3A_550 = arith.constant 0 : index
    %get3A_551 = arith.constant 13 : index
    %get3A_552 = memref.load %arg3[%get3A_550, %get3A_551] : memref<4x16xf32, #tpu.memory_space<smem>>
    %mul3A_553 = vector.broadcast %get3A_552 : f32 to vector<784x128xf32>
    %mul3A_554 = arith.mulf %mul3A, %mul3A_553 : vector<784x128xf32>
    %add3A_555 = vector.broadcast %get3A_549 : f32 to vector<784x128xf32>
    %add3A_556 = arith.addf %add3A_555, %mul3A_554 : vector<784x128xf32>
    %get3A_557 = arith.constant 1 : index
    %get3A_558 = arith.constant 13 : index
    %get3A_559 = memref.load %arg3[%get3A_557, %get3A_558] : memref<4x16xf32, #tpu.memory_space<smem>>
    %mul3A_560 = vector.broadcast %get3A_559 : f32 to vector<784x128xf32>
    %mul3A_561 = arith.mulf %mul3A_39, %mul3A_560 : vector<784x128xf32>
    %add3A_562 = arith.addf %add3A_556, %mul3A_561 : vector<784x128xf32>
    %get3A_563 = arith.constant 2 : index
    %get3A_564 = arith.constant 13 : index
    %get3A_565 = memref.load %arg3[%get3A_563, %get3A_564] : memref<4x16xf32, #tpu.memory_space<smem>>
    %mul3A_566 = vector.broadcast %get3A_565 : f32 to vector<784x128xf32>
    %mul3A_567 = arith.mulf %mul3A_59, %mul3A_566 : vector<784x128xf32>
    %add3A_568 = arith.addf %add3A_562, %mul3A_567 : vector<784x128xf32>
    %get3A_569 = arith.constant 3 : index
    %get3A_570 = arith.constant 13 : index
    %get3A_571 = memref.load %arg3[%get3A_569, %get3A_570] : memref<4x16xf32, #tpu.memory_space<smem>>
    %mul3A_572 = vector.broadcast %get3A_571 : f32 to vector<784x128xf32>
    %mul3A_573 = arith.mulf %mul3A_79, %mul3A_572 : vector<784x128xf32>
    %add3A_574 = arith.addf %add3A_568, %mul3A_573 : vector<784x128xf32>
    %max3A_575 = arith.constant 0.000000e+00 : f32
    %max3A_576 = vector.broadcast %max3A_575 : f32 to vector<784x128xf32>
    %max3A_577 = arith.maximumf %add3A_574, %max3A_576 : vector<784x128xf32>
    %get3A_578 = arith.constant 13 : index
    %get3A_579 = arith.constant 0 : index
    %get3A_580 = memref.load %arg5[%get3A_578, %get3A_579] : memref<16x1xf32, #tpu.memory_space<smem>>
    %mul3A_581 = vector.broadcast %get3A_580 : f32 to vector<784x128xf32>
    %mul3A_582 = arith.mulf %max3A_577, %mul3A_581 : vector<784x128xf32>
    %add3A_583 = arith.addf %add3A_547, %mul3A_582 : vector<784x128xf32>
    %get3A_584 = arith.constant 14 : index
    %get3A_585 = memref.load %arg4[%get3A_584] : memref<16xf32, #tpu.memory_space<smem>>
    %get3A_586 = arith.constant 0 : index
    %get3A_587 = arith.constant 14 : index
    %get3A_588 = memref.load %arg3[%get3A_586, %get3A_587] : memref<4x16xf32, #tpu.memory_space<smem>>
    %mul3A_589 = vector.broadcast %get3A_588 : f32 to vector<784x128xf32>
    %mul3A_590 = arith.mulf %mul3A, %mul3A_589 : vector<784x128xf32>
    %add3A_591 = vector.broadcast %get3A_585 : f32 to vector<784x128xf32>
    %add3A_592 = arith.addf %add3A_591, %mul3A_590 : vector<784x128xf32>
    %get3A_593 = arith.constant 1 : index
    %get3A_594 = arith.constant 14 : index
    %get3A_595 = memref.load %arg3[%get3A_593, %get3A_594] : memref<4x16xf32, #tpu.memory_space<smem>>
    %mul3A_596 = vector.broadcast %get3A_595 : f32 to vector<784x128xf32>
    %mul3A_597 = arith.mulf %mul3A_39, %mul3A_596 : vector<784x128xf32>
    %add3A_598 = arith.addf %add3A_592, %mul3A_597 : vector<784x128xf32>
    %get3A_599 = arith.constant 2 : index
    %get3A_600 = arith.constant 14 : index
    %get3A_601 = memref.load %arg3[%get3A_599, %get3A_600] : memref<4x16xf32, #tpu.memory_space<smem>>
    %mul3A_602 = vector.broadcast %get3A_601 : f32 to vector<784x128xf32>
    %mul3A_603 = arith.mulf %mul3A_59, %mul3A_602 : vector<784x128xf32>
    %add3A_604 = arith.addf %add3A_598, %mul3A_603 : vector<784x128xf32>
    %get3A_605 = arith.constant 3 : index
    %get3A_606 = arith.constant 14 : index
    %get3A_607 = memref.load %arg3[%get3A_605, %get3A_606] : memref<4x16xf32, #tpu.memory_space<smem>>
    %mul3A_608 = vector.broadcast %get3A_607 : f32 to vector<784x128xf32>
    %mul3A_609 = arith.mulf %mul3A_79, %mul3A_608 : vector<784x128xf32>
    %add3A_610 = arith.addf %add3A_604, %mul3A_609 : vector<784x128xf32>
    %max3A_611 = arith.constant 0.000000e+00 : f32
    %max3A_612 = vector.broadcast %max3A_611 : f32 to vector<784x128xf32>
    %max3A_613 = arith.maximumf %add3A_610, %max3A_612 : vector<784x128xf32>
    %get3A_614 = arith.constant 14 : index
    %get3A_615 = arith.constant 0 : index
    %get3A_616 = memref.load %arg5[%get3A_614, %get3A_615] : memref<16x1xf32, #tpu.memory_space<smem>>
    %mul3A_617 = vector.broadcast %get3A_616 : f32 to vector<784x128xf32>
    %mul3A_618 = arith.mulf %max3A_613, %mul3A_617 : vector<784x128xf32>
    %add3A_619 = arith.addf %add3A_583, %mul3A_618 : vector<784x128xf32>
    %get3A_620 = arith.constant 15 : index
    %get3A_621 = memref.load %arg4[%get3A_620] : memref<16xf32, #tpu.memory_space<smem>>
    %get3A_622 = arith.constant 0 : index
    %get3A_623 = arith.constant 15 : index
    %get3A_624 = memref.load %arg3[%get3A_622, %get3A_623] : memref<4x16xf32, #tpu.memory_space<smem>>
    %mul3A_625 = vector.broadcast %get3A_624 : f32 to vector<784x128xf32>
    %mul3A_626 = arith.mulf %mul3A, %mul3A_625 : vector<784x128xf32>
    %add3A_627 = vector.broadcast %get3A_621 : f32 to vector<784x128xf32>
    %add3A_628 = arith.addf %add3A_627, %mul3A_626 : vector<784x128xf32>
    %get3A_629 = arith.constant 1 : index
    %get3A_630 = arith.constant 15 : index
    %get3A_631 = memref.load %arg3[%get3A_629, %get3A_630] : memref<4x16xf32, #tpu.memory_space<smem>>
    %mul3A_632 = vector.broadcast %get3A_631 : f32 to vector<784x128xf32>
    %mul3A_633 = arith.mulf %mul3A_39, %mul3A_632 : vector<784x128xf32>
    %add3A_634 = arith.addf %add3A_628, %mul3A_633 : vector<784x128xf32>
    %get3A_635 = arith.constant 2 : index
    %get3A_636 = arith.constant 15 : index
    %get3A_637 = memref.load %arg3[%get3A_635, %get3A_636] : memref<4x16xf32, #tpu.memory_space<smem>>
    %mul3A_638 = vector.broadcast %get3A_637 : f32 to vector<784x128xf32>
    %mul3A_639 = arith.mulf %mul3A_59, %mul3A_638 : vector<784x128xf32>
    %add3A_640 = arith.addf %add3A_634, %mul3A_639 : vector<784x128xf32>
    %get3A_641 = arith.constant 3 : index
    %get3A_642 = arith.constant 15 : index
    %get3A_643 = memref.load %arg3[%get3A_641, %get3A_642] : memref<4x16xf32, #tpu.memory_space<smem>>
    %mul3A_644 = vector.broadcast %get3A_643 : f32 to vector<784x128xf32>
    %mul3A_645 = arith.mulf %mul3A_79, %mul3A_644 : vector<784x128xf32>
    %add3A_646 = arith.addf %add3A_640, %mul3A_645 : vector<784x128xf32>
    %max3A_647 = arith.constant 0.000000e+00 : f32
    %max3A_648 = vector.broadcast %max3A_647 : f32 to vector<784x128xf32>
    %max3A_649 = arith.maximumf %add3A_646, %max3A_648 : vector<784x128xf32>
    %get3A_650 = arith.constant 15 : index
    %get3A_651 = arith.constant 0 : index
    %get3A_652 = memref.load %arg5[%get3A_650, %get3A_651] : memref<16x1xf32, #tpu.memory_space<smem>>
    %mul3A_653 = vector.broadcast %get3A_652 : f32 to vector<784x128xf32>
    %mul3A_654 = arith.mulf %max3A_649, %mul3A_653 : vector<784x128xf32>
    %add3A_655 = arith.addf %add3A_619, %mul3A_654 : vector<784x128xf32>
    %mul3A_656 = arith.mulf %add3A_655, %get3A_1 : vector<784x128xf32>
    %swap3A = arith.constant 0 : index
    %swap3A_657 = arith.constant 0 : index
    %swap3A_658 = vector.load %arg6[%swap3A, %swap3A_657] : memref<784x128xf32, #tpu.memory_space<vmem>>, vector<784x128xf32>
    tpu.vector_store %arg6[%swap3A, %swap3A_657], %mul3A_656 {strides = array<i32>} : memref<784x128xf32, #tpu.memory_space<vmem>>, vector<784x128xf32>,
    return
  }
}

module attributes {stable_mosaic.version = 14 : i64} {
  func.func @_tcC(%arg0: memref<2x784x128xf32, #tpu.memory_space<vmem>>, %arg1: memref<784x128xf32, #tpu.memory_space<vmem>>, %arg2: memref<784x128xf32, #tpu.memory_space<vmem>>, %arg3: memref<1xf32, #tpu.memory_space<smem>>, %arg4: memref<784x128xf32, #tpu.memory_space<vmem>>) attributes {dimension_semantics = [], scalar_prefetch = 0 : i64, scratch_operands = 0 : i64, tpu.core_type = #tpu.core_type<tc>} {
    %get3A = arith.constant 0 : index
    %get3A_0 = arith.constant 0 : index
    %get3A_1 = vector.load %arg2[%get3A, %get3A_0] : memref<784x128xf32, #tpu.memory_space<vmem>>, vector<784x128xf32>
    %get3A_2 = arith.constant 0 : index
    %get3A_3 = arith.constant 0 : index
    %get3A_4 = arith.constant 0 : index
    %get3A_5 = vector.load %arg0[%get3A_2, %get3A_3, %get3A_4] : memref<2x784x128xf32, #tpu.memory_space<vmem>>, vector<1x784x128xf32>
    %get3A_6 = vector.shape_cast %get3A_5 : vector<1x784x128xf32> to vector<784x128xf32>
    %get3A_7 = arith.constant 1 : index
    %get3A_8 = arith.constant 0 : index
    %get3A_9 = arith.constant 0 : index
    %get3A_10 = vector.load %arg0[%get3A_7, %get3A_8, %get3A_9] : memref<2x784x128xf32, #tpu.memory_space<vmem>>, vector<1x784x128xf32>
    %get3A_11 = vector.shape_cast %get3A_10 : vector<1x784x128xf32> to vector<784x128xf32>
    %add3A = arith.addf %get3A_6, %get3A_11 : vector<784x128xf32>
    %get3A_12 = arith.constant 0 : index
    %get3A_13 = arith.constant 0 : index
    %get3A_14 = vector.load %arg1[%get3A_12, %get3A_13] : memref<784x128xf32, #tpu.memory_space<vmem>>, vector<784x128xf32>
    %add3A_15 = arith.addf %add3A, %get3A_14 : vector<784x128xf32>
    %mul3A = arith.mulf %get3A_1, %add3A_15 : vector<784x128xf32>
    %get3A_16 = arith.constant 0 : index
    %get3A_17 = memref.load %arg3[%get3A_16] : memref<1xf32, #tpu.memory_space<smem>>
    %add3A_18 = vector.broadcast %get3A_17 : f32 to vector<784x128xf32>
    %add3A_19 = arith.addf %mul3A, %add3A_18 : vector<784x128xf32>
    %swap3A = arith.constant 0 : index
    %swap3A_20 = arith.constant 0 : index
    %swap3A_21 = vector.load %arg4[%swap3A, %swap3A_20] : memref<784x128xf32, #tpu.memory_space<vmem>>, vector<784x128xf32>
    tpu.vector_store %arg4[%swap3A, %swap3A_20], %add3A_19 {strides = array<i32>} : memref<784x128xf32, #tpu.memory_space<vmem>>, vector<784x128xf32>,
    return
  }
}

</mosaic_0001>

<sc_bundles>
// kernel: kernel.11.cloned.1.call-start
scs
__scs_entry_jumppad:
0x0: {  	(pc) =	sbr.rel $0x88, $3  }
0x1: {  	(tag) =	ssettag $0x0;
	lr =	simm.s32 $0x1  }
0x2: {  	[smem:$0x3F9A] =	sst lr;
	_ =	strace $0xD0000000  }
0x3: {  	_ = 	snop  }
0x4: {  	_ = 	snop  }
0x5: {  	_ = 	snop  }
0x6: {  	_ = 	snop  }
0x7: {  	_ = 	snop  }
__scs_overlays_trampoline_lowered:
0x8: {  	[smem:$0x3FA9] =	sst s0  }
0x9: {  	[smem:$0x3FAA] =	sst s1  }
0xa: {  	[smem:$0x3FAB] =	sst s2  }
0xb: {  	[smem:$0x3FAC] =	sst s3  }
0xc: {  	[smem:$0x3FAD] =	sst s4  }
0xd: {  	[smem:$0x3FAE] =	sst s5  }
0xe: {  	[smem:$0x3FAF] =	sst s6  }
0xf: {  	[smem:$0x3FB0] =	sst s7  }
0x10: {  	[smem:$0x3FB1] =	sst s8  }
0x11: {  	[smem:$0x3FB2] =	sst s9;
	s0 =	simm.s32 @!p0 $0x0  }
0x12: {  	s1 =	sld [smem:$0x3F98];
	s0 =	simm.s32 @p0 $0x1  }
0x13: {  	[smem:$0x3FB3] =	sst s0;
	s0 =	simm.s32 @!p1 $0x0  }
0x14: {  	s2 =	sld [smem:$0x3F97];
	s0 =	simm.s32 @p1 $0x1  }
0x15: {  	[smem:$0x3FB4] =	sst s0;
	s0 =	simm.s32 @!p2 $0x0  }
0x16: {  	s3 =	sld [smem:$0x3FDB];
	s0 =	simm.s32 @p2 $0x1  }
0x17: {  	s4 =	simm.s32 $0x1BF5;
	[smem:$0x3FB6] =	sst s0  }
0x18: {  	s0 =	sld [smem:$0x3F99];
	_ =	swait.ge [sflag:s4], $0x0  }
0x19: {  	s7 =	sld [smem:$0x3F9A]  }
0x1a: {  	s8 =	sadd.s32 $0xFFFFE003, lr  }
0x1b: {  	s9 =	sadd.s32 $0xFFFFFEF7, lr;
	s5 =	simm.s32 $0xFFFFFFFF;
	p2 =	slt.u32 s8, $0xFFFFF086  }
0x1c: {  	p1 =	slt.u32 s9, $0xF7A;
	s5 =	simm.s32 @!p2 $0x0  }
0x1d: {  	s5 =	simm.s32 @p1 $0x1;
	p0 =	seq.s32 s7, s2  }
0x1e: {  	s7 =	smul.u32 @!p0 $0xF7A, s2;
	p2 =	seq.s32 @!p0 s5, $0x0  }
0x1f: {  	s9 =	smul.u32 $0xF7A, s1;
	s8 =	simm.s32 @!p0 $0x1BF5;
	p2 =	por !p2, p0  }
0x20: {  	[sflag:s8] =	ssyncset.s32 @!p0 $0xFFFFF086;
	s6 =	sadd.s32 @!p0 s3, s7;
	s7 =	simm.s32 @!p0 $0x108  }
0x21: {  	s3 =	sadd.s32 s3, s9;
	s6 =	sadd.s32 @!p0 $0x88, s6;
	s7 =	simm.s32 @p2 $0x1082  }
0x22: {  	[simem:s7], [sflag:s8] =	dma.local @!p0 [hbm:s6], $0xF7A  }
0x23: {  	s9 =	sor.u32 $0xD0000000, s2;
	s6 =	simm.s32 $0x108;
	_ =	swait.ge @!p0 [sflag:s8], $0x0  }
0x24: {  	s3 =	sadd.s32 $0x88, s3;
	s6 =	simm.s32 @!p1 $0x1082;
	[sflag:s4] =	ssyncset.s32 $0xFFFFF086  }
0x25: {  	[simem:s6], [sflag:s4] =	dma.local [hbm:s3], $0xF7A  }
0x26: {  	[smem:$0x3F9A] =	sst s1;
	(tag) =	ssettag s2;
	_ =	strace s9  }
0x27: {  	s1 =	sld [smem:$0x3FAA]  }
0x28: {  	s2 =	sld [smem:$0x3FAB]  }
0x29: {  	s4 =	sld [smem:$0x3FAD]  }
0x2a: {  	p0 =	seq.s32 s5, $0x0;
	s5 =	sld [smem:$0x3FAE]  }
0x2b: {  	s6 =	sld [smem:$0x3FAF]  }
0x2c: {  	s7 =	sld [smem:$0x3FB0]  }
0x2d: {  	s3 =	simm.s32 $0x108;
	s8 =	sld [smem:$0x3FB1]  }
0x2e: {  	s3 =	simm.s32 @!p0 $0x1082;
	s9 =	sld [smem:$0x3FB2]  }
0x2f: {  	lr =	sadd.s32 s0, s3;
	s0 =	sld [smem:$0x3FA9]  }
0x30: {  	s3 =	sld [smem:$0x3FAC]  }
0x31: {  	[smem:$0x3FB5] =	sst s10  }
0x32: {  	s10 =	sld [smem:$0x3FB3];
	_ =	sdelay $0x3  }
0x33: {  	p0 =	seq.s32 s10, $0x1;
	s10 =	sld [smem:$0x3FB5];
	_ =	sdelay $0x3  }
0x34: {  	[smem:$0x3FB5] =	sst s10  }
0x35: {  	s10 =	sld [smem:$0x3FB4];
	_ =	sdelay $0x3  }
0x36: {  	p1 =	seq.s32 s10, $0x1;
	s10 =	sld [smem:$0x3FB5];
	_ =	sdelay $0x3  }
0x37: {  	[smem:$0x3FB5] =	sst s10  }
0x38: {  	s10 =	sld [smem:$0x3FB6]  }
0x39: {  	_ = 	snop;
	(pc) =	sbr.ind lr, $3  }
0x3a: {  	_ = 	snop  }
0x3b: {  	_ = 	snop  }
0x3c: {  	p2 =	seq.s32 s10, $0x1;
	s10 =	sld [smem:$0x3FB5]  }
0x3d: {  	_ =	shalt  }
0x3e: {  	_ =	shalt  }
0x3f: {  	_ =	shalt  }
0x40: {  	_ =	shalt  }
0x41: {  	_ =	shalt  }
0x42: {  	_ =	shalt  }
0x43: {  	_ =	shalt  }
0x44: {  	_ =	shalt  }
0x45: {  	_ =	shalt  }
0x46: {  	_ =	shalt  }
0x47: {  	_ =	shalt  }
0x48: {  	_ =	shalt  }
0x49: {  	_ =	shalt  }
0x4a: {  	_ =	shalt  }
0x4b: {  	_ =	shalt  }
0x4c: {  	_ =	shalt  }
0x4d: {  	_ =	shalt  }
0x4e: {  	_ =	shalt  }
0x4f: {  	_ =	shalt  }
0x50: {  	_ =	shalt  }
0x51: {  	_ =	shalt  }
0x52: {  	_ =	shalt  }
0x53: {  	_ =	shalt  }
0x54: {  	_ =	shalt  }
0x55: {  	_ =	shalt  }
0x56: {  	_ =	shalt  }
0x57: {  	_ =	shalt  }
0x58: {  	_ =	shalt  }
0x59: {  	_ =	shalt  }
0x5a: {  	_ =	shalt  }
0x5b: {  	_ =	shalt  }
0x5c: {  	_ =	shalt  }
0x5d: {  	_ =	shalt  }
0x5e: {  	_ =	shalt  }
0x5f: {  	_ =	shalt  }
0x60: {  	_ =	shalt  }
0x61: {  	_ =	shalt  }
0x62: {  	_ =	shalt  }
0x63: {  	_ =	shalt  }
0x64: {  	_ =	shalt  }
0x65: {  	_ =	shalt  }
0x66: {  	_ =	shalt  }
0x67: {  	_ =	shalt  }
0x68: {  	_ =	shalt  }
0x69: {  	_ =	shalt  }
0x6a: {  	_ =	shalt  }
0x6b: {  	_ =	shalt  }
0x6c: {  	_ =	shalt  }
0x6d: {  	_ =	shalt  }
0x6e: {  	_ =	shalt  }
0x6f: {  	_ =	shalt  }
0x70: {  	_ =	shalt  }
0x71: {  	_ =	shalt  }
0x72: {  	_ =	shalt  }
0x73: {  	_ =	shalt  }
0x74: {  	_ =	shalt  }
0x75: {  	_ =	shalt  }
0x76: {  	_ =	shalt  }
0x77: {  	_ =	shalt  }
0x78: {  	_ =	shalt  }
0x79: {  	_ =	shalt  }
0x7a: {  	_ =	shalt  }
0x7b: {  	_ =	shalt  }
0x7c: {  	_ =	shalt  }
0x7d: {  	_ =	shalt  }
0x7e: {  	_ =	shalt  }
0x7f: {  	_ =	shalt  }
0x80: {  	_ =	shalt  }
0x81: {  	_ =	shalt  }
0x82: {  	_ =	shalt  }
0x83: {  	_ =	shalt  }
0x84: {  	_ =	shalt  }
0x85: {  	_ =	shalt  }
0x86: {  	_ =	shalt  }
0x87: {  	_ =	shalt  }
.Lfunc_end0:
.L_simem_size_0:
called_computation.1_lowered:
.L_overlay_start_0:
0x88: {  	s2 =	sld [smem:$0x3FD9]  }
0x89: {  	s3 =	sld [smem:$0x3FFE];
	_ =	sdelay $0x1  }
0x8a: {  	s1 =	srdreg.scid  }
0x8b: {  	s0 =	sand.u32 $0x1, s1  }
0x8c: {  	s17 =	sshll.u32 s0, $0xA;
	s2 =	sadd.s32 s3, s2  }
0x8d: {  	s2 =	sadd.s32 s2, s17  }
0x8e: {  	[smem:$0x3FC1] =	sst s2  }
0x8f: {  	_ = 	snop  }
0x90: {  	s2 =	sld [smem:$0x3FC7]  }
0x91: {  	s18 =	sld [smem:$0x3FD0];
	(tm) =	ssettm $0x1  }
0x92: {  	s4 =	sld [smem:$0x3FFB];
	_ =	sdelay $0x3  }
0x93: {  	_ =	strace s4  }
0x94: {  	s4 =	sld [smem:$0x3FFC];
	_ =	sdelay $0x3  }
0x95: {  	_ =	strace s4  }
0x96: {  	s4 =	sld [smem:$0x3FFD];
	_ =	sdelay $0x3  }
0x97: {  	_ =	strace s4  }
0x98: {  	_ =	strace $0x8FFFFFFF  }
0x99: {  	s19 =	sld [smem:$0x3FDB];
	_ =	sdelay $0x1  }
0x9a: {  	s5 =	simm.s32 $_scs_section_size  }
0x9b: {  	s6 =	simm.s32 $_size__tile_overlayer_lowered;
	s7 =	simm.s32 $_tile_overlayer_lowered  }
0x9c: {  	s22 =	simm.s32 $0x1BFF;
	s21 =	sshll.u32 s7, $0x1;
	s4 =	sadd.s32 s5, s19  }
0x9d: {  	s8 =	simm.s32 $0x0;
	s20 =	sshll.u32 s6, $0x1;
	s6 =	sadd.s32 s21, s4  }
0x9e: {  	[timem:s8], [sflag:s22] =	dma.local [hbm:s6], s20  }
0x9f: {  	_ =	swait.ge [sflag:s22], s20  }
0xa0: {  	s5 =	ssub.s32 $0x0, s20;
	[sflag:s22] =	ssyncset.done $0x0  }
0xa1: {  	[sflag:s22] =	ssyncadd.s32 s5;
	_ =	sdelay $0x1  }
0xa2: {  	s23 =	simm.s32 $0x1B8B  }
0xa3: {  	_ =	swait.ge [sflag:s23], $0x1  }
0xa4: {  	[sflag:s23] =	ssyncset.done $0x0  }
0xa5: {  	s25 =	simm.s32 $0x1B8E;
	s24 =	sld [smem:$0x3FFE];
	[sflag:s23] =	ssyncadd.s32 $0xFFFFFFFF  }
0xa6: {  	s26 =	simm.s32 $execute0_lowered;
	[smem:$0x3FD2] =	sst s25  }
0xa7: {  	s6 =	sshll.u32 s26, $0x1;
	_ =	strace $0x80000049;
	[dreg:$0x1] =	wrdreg $0xFFFFFFFF  }
0xa8: {  	s28 =	simm.s32 $_size_execute0_lowered;
	s4 =	sadd.s32 s4, s6;
	[dreg:$0x0] =	wrdreg $0x0  }
0xa9: {  	s6 =	sshll.u32 s28, $0x1;
	[dreg:$0x2] =	wrdreg s4  }
0xaa: {  	[dreg:$0x3] =	wrdreg s6  }
0xab: {  	[dreg:$0x4] =	wrdreg $0xC0  }
0xac: {  	_ =	task [dreg:s8], $0x5FFFF  }
0xad: {  	[dreg:$0x1] =	wrdreg $0xFFFFFFFF  }
0xae: {  	[dreg:$0x0] =	wrdreg $0x60  }
0xaf: {  	[dreg:$0x2] =	wrdreg s18  }
0xb0: {  	[dreg:$0x3] =	wrdreg s24  }
0xb1: {  	[dreg:$0x4] =	wrdreg s2  }
0xb2: {  	[dreg:$0x5] =	wrdreg $0x169800  }
0xb3: {  	[dreg:$0x6] =	wrdreg $0x182000  }
0xb4: {  	[dreg:$0x7] =	wrdreg $0x19A800  }
0xb5: {  	[dreg:$0x8] =	wrdreg $0x1B3000  }
0xb6: {  	[dreg:$0x9] =	wrdreg $0x1CB800  }
0xb7: {  	[dreg:$0xa] =	wrdreg $0x1E4000  }
0xb8: {  	[dreg:$0xb] =	wrdreg $0x9  }
0xb9: {  	_ =	task.clear_ibuf [dreg:s8], $0xCFFFF;
	_ =	strace $0x90000049  }
0xba: {  	s29 =	simm.s32 $0x9;
	_ =	strace $0x8000004B  }
0xbb: {  	_ =	swait.ge [sflag:s29], $0x1  }
0xbc: {  	[sflag:s29] =	ssyncadd.s32 $0xFFFFFFFF  }
0xbd: {  	_ =	strace $0x9000004B  }
0xbe: {  	_ =	sfence  }
0xbf: {  	s30 =	sld [smem:$0x0];
	_ =	sdelay $0x2  }
0xc0: {  	s31 =	sshll.u32 s1, $0xD;
	s1 =	sshrl.u32 s1, $0x2  }
0xc1: {  	s3 =	sand.u32 $0x4000, s31;
	s1 =	sadd.s32 s1, s30  }
0xc2: {  	s0 =	sor.u32 s3, s0;
	s1 =	sshll.u32 s1, $0x11  }
0xc3: {  	s0 =	sor.u32 s1, s0  }
0xc4: {  	s0 =	sadd.s32 $0x8F2B, s0  }
0xc5: {  	[sflag:s0] =	ssyncadd.remote.s32 $0x1  }
0xc6: {  	_ =	sfence.sel $0xFFFF  }
0xc7: {  	[dreg:$0x0] =	wrdreg $0xFFFFFFFF;
	(pc) =	sbr.abs _section_cstart, $3  }
0xc8: {  	[dreg:$0x1] =	wrdreg $0xFFFFFFFF  }
0xc9: {  	_ =	task.clear_ibuf [dreg:s8], $0x2FFFF;
	_ =	strace $0x9FFFFFFF  }
0xca: {  	(tm) =	ssettm $0x7FFFFFFF  }
0xcb: {  	_ =	shalt  }
tec
execute0_lowered:
.L_overlay_start_1:
0x0: {  	(tag) =	ssettag $0x1  }
0x1: {  	s2 =	rddreg [dreg:$0x0]  }
0x2: {  	s6 =	rddreg [dreg:$0x1]  }
0x3: {  	s0 =	rddreg [dreg:$0x2]  }
0x4: {  	s1 =	rddreg [dreg:$0x3]  }
0x5: {  	s3 =	rddreg [dreg:$0x4]  }
0x6: {  	s4 =	rddreg [dreg:$0x5]  }
0x7: {  	s5 =	rddreg [dreg:$0x6]  }
0x8: {  	s7 =	rddreg [dreg:$0x7]  }
0x9: {  	s19 =	stileid.u32;
	s9 =	srdreg.scid  }
0xa: {  	s8 =	rddreg [dreg:$0x8];
	s12 =	smul.u32 $0x1880, s19  }
0xb: {  	s28 =	simm.s32 $0x3;
	s13 =	sand.u32 $0x1, s9;
	s15 =	smul.u32 $0x6200, s19  }
0xc: {  	s9 =	simm.s32 $0x0;
	s10 =	sadd.s32 $0x1E00, s6;
	s25 =	smul.u32 $0x30D40, s19  }
0xd: {  	s11 =	smul.u32 $0x62000, s13;
	[smem:$0x7FF] =	sst s9;
	s14 =	sshrl.u32 s12, $0x3  }
0xe: {  	_ =	strace $0x8000004A;
	s23 =	sadd.s32 s12, s1;
	s26 =	sadd.s32 s12, s3  }
0xf: {  	s29 =	sadd.s32 s12, s4;
	s30 =	sadd.s32 s12, s5;
	[dreg:$0xd] =	wrdreg s23  }
0x10: {  	s31 =	sadd.s32 s12, s7;
	s12 =	sadd.s32 s12, s8;
	[dreg:$0xf] =	wrdreg s26  }
0x11: {  	s17 =	ssub.s32 $0x2, s13;
	s22 =	smul.u32 $0x30D400, s13;
	[dreg:$0x13] =	wrdreg s12  }
0x12: {  	s18 =	sshrl.u32 s17, $0x1;
	s16 =	sadd.s32 s14, s6;
	[dreg:$0x10] =	wrdreg s29  }
0x13: {  	s15 =	sadd.s32 s15, s11;
	s11 =	sadd.s32 $0xC5400, s6;
	[dreg:$0x11] =	wrdreg s30  }
0x14: {  	s2 =	sadd.s32 s2, s14;
	[dreg:$0x12] =	wrdreg s31;
	s15 =	sshrl.u32 s15, $0x3  }
0x15: {  	s20 =	sadd.s32 $0x18EE00, s16;
	[dreg:$0xb] =	wrdreg s2;
	s21 =	sadd.s32 $0x18BC00, s16  }
0x16: {  	s24 =	sadd.s32 $0x188A00, s16;
	s2 =	sadd.s32 s25, s22;
	[dreg:$0xa] =	wrdreg s20  }
0x17: {  	s6 =	sadd.s32 s15, s6;
	[dreg:$0xc] =	wrdreg s21;
	s16 =	sshrl.u32 s2, $0x3  }
0x18: {  	s15 =	ssub.s32 s17, s18;
	[dreg:$0xe] =	wrdreg s24;
	s17 =	sadd.s32 s10, s16  }
0x19: {  	s13 =	simm.s32 $0xD000;
	s18 =	sadd.s32 s11, s16;
	[dreg:$0x14] =	wrdreg s17  }
0x1a: {  	s12 =	simm.s32 $0x7;
	s19 =	sadd.s32 $0x192000, s6;
	[dreg:$0x15] =	wrdreg s18  }
0x1b: {  	s14 =	simm.s32 $0xF000;
	s20 =	sadd.s32 s0, s16;
	[dreg:$0x16] =	wrdreg s19  }
0x1c: {  	s22 =	sadd.s32 $0xFA0, s2;
	s21 =	sadd.s32 $0x192010, s6;
	[dreg:$0x17] =	wrdreg s20  }
0x1d: {  	s23 =	sadd.s32 $0x1F40, s2;
	s24 =	sadd.s32 $0x192020, s6;
	[dreg:$0x18] =	wrdreg s21  }
0x1e: {  	s2 =	simm.s32 $0xB000;
	s25 =	sadd.s32 $0x192030, s6;
	[dreg:$0x19] =	wrdreg s24  }
0x1f: {  	s26 =	smax.u32 s15, $0x1;
	s15 =	simm.s32 $0x2000;
	[dreg:$0x1a] =	wrdreg s25  }
0x20: {  	s16 =	simm.s32 $0x1;
	[dreg:$0x1b] =	wrdreg s26;
	s17 =	simm.s32 $0xFA0  }
0x21: {  	s24 =	simm.s32 $0x1000;
	s25 =	simm.s32 $0x3000;
	s18 =	simm.s32 $0x2  }
0x22: {  	v0 =	vimm.f32 $0.0e+00;
	s21 =	simm.s32 $0x4;
	s26 =	simm.s32 $0x11000;
	s19 =	simm.s32 $0x0  }
.LBB2_1:
0x23: {  	[dreg:$0x1c] =	wrdreg s19  }
0x24: {  	s6 =	rddreg [dreg:$0xb];
	s20 =	simm.s32 $0x12000  }
0x25: {  	[tilespmem:s20], [sflag:$0x7] =	stream.linear.gather [hbm4b:s6+s9], $0x1880, $0x38;
	[tilespmem:$0x1FC80] =	vst v63  }
0x26: {  	_ =	swait.ge [sflag:s12], $0x1880  }
0x27: {  	[sflag:s12] =	ssyncset.done $0x0  }
0x28: {  	s20 =	simm.s32 $0x13880;
	s19 =	rddreg [dreg:$0xa];
	[sflag:s12] =	ssyncadd.s32 $0xFFFFE780  }
0x29: {  	[tilespmem:s20], [sflag:$0x7] =	stream.linear.gather [hbm4b:s19+s9], $0x1880, $0x38;
	[tilespmem:$0x1FC80] =	vst v63  }
0x2a: {  	_ =	swait.ge [sflag:s12], $0x1880  }
0x2b: {  	[sflag:s12] =	ssyncset.done $0x0  }
0x2c: {  	s6 =	simm.s32 $0x0;
	[sflag:s12] =	ssyncadd.s32 $0xFFFFE780  }
0x2d: {  	v1 =	vld [tilespmem:s6+$0x12000]  }
0x2e: {  	s19 =	simm.s32 $0x40;
	v2 =	vld [tilespmem:s6+$0x13880]  }
.LBB2_2:
0x2f: {  	p0 =	sne.s32 s19, $0x61C0  }
.Ltmp0:
0x30: {  	_ = 	snop;
	(pc) =	sbr.rel @p0 .LBB2_2-.Ltmp0, $4  }
0x31: {  	_ = 	snop  }
0x32: {  	s20 =	sshra.s32 s19, $0x2  }
0x33: {  	s19 =	sadd.s32 $0x40, s19;
	v3 =	vpack.i.f32.bf16 v2, v1;
	v1 =	vld [tilespmem:s20+$0x12000]  }
0x34: {  	v2 =	vld [tilespmem:s20+$0x13880];
	[tilespmem:s6+$0x15100] =	vst v3;
	s6 =	smov.u32 s20  }
0x35: {  	_ =	sdelay $0x3  }
0x36: {  	v1 =	vpack.i.f32.bf16 v2, v1  }
0x37: {  	s20 =	rddreg [dreg:$0xd];
	s19 =	simm.s32 $0x15100;
	[tilespmem:s6+$0x15100] =	vst v1  }
0x38: {  	[spmem:s20] =	stream.linear.scatter [tilespmem:s19], [sflag:$0x7], $0x1880, $0x38;
	[tilespmem:$0x1FC80] =	vst v63  }
0x39: {  	_ =	swait.ge [sflag:s12], $0x1880  }
0x3a: {  	s6 =	simm.s32 $0x0;
	[sflag:s12] =	ssyncset.done $0x0  }
0x3b: {  	s20 =	simm.s32 $0x12000;
	s19 =	rddreg [dreg:$0xc];
	[sflag:s12] =	ssyncadd.s32 $0xFFFFE780  }
0x3c: {  	[tilespmem:s20], [sflag:$0x7] =	stream.linear.gather [hbm4b:s19+s6], $0x1880, $0x38;
	[tilespmem:$0x1FC80] =	vst v63  }
0x3d: {  	_ =	swait.ge [sflag:s12], $0x1880  }
0x3e: {  	[sflag:s12] =	ssyncset.done $0x0  }
0x3f: {  	s20 =	simm.s32 $0x13880;
	s19 =	rddreg [dreg:$0xe];
	[sflag:s12] =	ssyncadd.s32 $0xFFFFE780  }
0x40: {  	[tilespmem:s20], [sflag:$0x7] =	stream.linear.gather [hbm4b:s19+s6], $0x1880, $0x38;
	[tilespmem:$0x1FC80] =	vst v63  }
0x41: {  	_ =	swait.ge [sflag:s12], $0x1880  }
0x42: {  	[sflag:s12] =	ssyncset.done $0x0  }
0x43: {  	s6 =	simm.s32 $0x0;
	[sflag:s12] =	ssyncadd.s32 $0xFFFFE780  }
0x44: {  	v1 =	vld [tilespmem:s6+$0x12000]  }
0x45: {  	s19 =	simm.s32 $0x40;
	v2 =	vld [tilespmem:s6+$0x13880]  }
.LBB2_4:
0x46: {  	p0 =	sne.s32 s19, $0x61C0  }
.Ltmp1:
0x47: {  	_ = 	snop;
	(pc) =	sbr.rel @p0 .LBB2_4-.Ltmp1, $4  }
0x48: {  	_ = 	snop  }
0x49: {  	s20 =	sshra.s32 s19, $0x2  }
0x4a: {  	s19 =	sadd.s32 $0x40, s19;
	v3 =	vpack.i.f32.bf16 v2, v1;
	v1 =	vld [tilespmem:s20+$0x12000]  }
0x4b: {  	v2 =	vld [tilespmem:s20+$0x13880];
	[tilespmem:s6+$0x15100] =	vst v3;
	s6 =	smov.u32 s20  }
0x4c: {  	_ =	sdelay $0x3  }
0x4d: {  	v1 =	vpack.i.f32.bf16 v2, v1  }
0x4e: {  	s20 =	rddreg [dreg:$0xf];
	s19 =	simm.s32 $0x15100;
	[tilespmem:s6+$0x15100] =	vst v1  }
0x4f: {  	[spmem:s20] =	stream.linear.scatter [tilespmem:s19], [sflag:$0x7], $0x1880, $0x38;
	[tilespmem:$0x1FC80] =	vst v63  }
0x50: {  	_ =	swait.ge [sflag:s12], $0x1880  }
0x51: {  	[sflag:s12] =	ssyncset.done $0x0  }
0x52: {  	s6 =	simm.s32 $0x40;
	s19 =	simm.s32 $0x0;
	[sflag:s12] =	ssyncadd.s32 $0xFFFFE780  }
.LBB2_6:
0x53: {  	p0 =	sne.s32 s6, $0x61C0;
	[tilespmem:s19+$0x12000] =	vst v0;
	s19 =	smov.u32 s6;
	s6 =	sadd.s32 $0x40, s6  }
.Ltmp2:
0x54: {  	(pc) =	sbr.rel @p0 .LBB2_6-.Ltmp2, $2  }
0x55: {  	_ =	sdelay $0x2  }
0x56: {  	s19 =	sshra.s32 s19, $0x2  }
0x57: {  	[tilespmem:s19+$0x12000] =	vst v0;
	s20 =	simm.s32 $0x12000  }
0x58: {  	[spmem:s29] =	stream.linear.scatter [tilespmem:s20], [sflag:$0x7], $0x1880, $0x38;
	[tilespmem:$0x1FC80] =	vst v63  }
0x59: {  	_ =	swait.ge [sflag:s12], $0x1880  }
0x5a: {  	[sflag:s12] =	ssyncset.done $0x0  }
0x5b: {  	[sflag:s12] =	ssyncadd.s32 $0xFFFFE780  }
0x5c: {  	[spmem:s30] =	stream.linear.scatter [tilespmem:s20], [sflag:$0x7], $0x1880, $0x38;
	[tilespmem:$0x1FC80] =	vst v63  }
0x5d: {  	_ =	swait.ge [sflag:s12], $0x1880  }
0x5e: {  	[sflag:s12] =	ssyncset.done $0x0  }
0x5f: {  	[sflag:s12] =	ssyncadd.s32 $0xFFFFE780  }
0x60: {  	[spmem:s31] =	stream.linear.scatter [tilespmem:s20], [sflag:$0x7], $0x1880, $0x38;
	[tilespmem:$0x1FC80] =	vst v63  }
0x61: {  	_ =	swait.ge [sflag:s12], $0x1880  }
0x62: {  	[sflag:s12] =	ssyncset.done $0x0  }
0x63: {  	s6 =	rddreg [dreg:$0x13];
	[sflag:s12] =	ssyncadd.s32 $0xFFFFE780  }
0x64: {  	[spmem:s6] =	stream.linear.scatter [tilespmem:s20], [sflag:$0x7], $0x1880, $0x38;
	[tilespmem:$0x1FC80] =	vst v63  }
0x65: {  	_ =	swait.ge [sflag:s12], $0x1880  }
0x66: {  	[sflag:s12] =	ssyncset.done $0x0  }
0x67: {  	[sflag:s12] =	ssyncadd.s32 $0xFFFFE780  }
0x68: {  	[bflag:$0x0] =	sbarrier.arrive $0xFFFF  }
0x69: {  	s29 =	simm.s32 $0x0;
	s31 =	rddreg [dreg:$0x14]  }
0x6a: {  	[tilespmem:s29], [sflag:$0x1] =	stream.linear.gather [hbm4b:s31+s29], $0xFA0, $0x38;
	[tilespmem:$0x1FC80] =	vst v63  }
0x6b: {  	s19 =	rddreg [dreg:$0x15]  }
0x6c: {  	[tilespmem:s15], [sflag:$0x1] =	stream.linear.gather [hbm4b:s19+s29], $0xFA0, $0x38;
	[tilespmem:$0x1FC80] =	vst v63  }
0x6d: {  	s30 =	simm.s32 $0x0;
	s20 =	rddreg [dreg:$0x17];
	s31 =	simm.s32 $0x4000  }
0x6e: {  	[tilespmem:s31], [sflag:$0x1] =	stream.linear.gather [hbm4b:s20+s29], $0xFA0, $0x38;
	[tilespmem:$0x1FC80] =	vst v63  }
.LBB2_8:
0x6f: {  	_ =	swait.ge [sflag:s16], $0xFA0  }
0x70: {  	[sflag:s16] =	ssyncset.done $0x0  }
0x71: {  	[sflag:s16] =	ssyncadd.s32 $0xFFFFF060  }
0x72: {  	_ =	swait.ge [sflag:s16], $0xFA0  }
0x73: {  	[sflag:s16] =	ssyncset.done $0x0  }
0x74: {  	[sflag:s16] =	ssyncadd.s32 $0xFFFFF060  }
0x75: {  	_ =	swait.ge [sflag:s16], $0xFA0  }
0x76: {  	[sflag:s16] =	ssyncset.done $0x0  }
0x77: {  	s6 =	simm.s32 $0x6000;
	p0 =	seq.s32 s30, $0x0;
	[sflag:s16] =	ssyncadd.s32 $0xFFFFF060  }
0x78: {  	[tilespmem:s6], [sflag:$0x3] =	stream.indirect.gather [spmem:s1], $0x1, s9, s17, $0xb8;
	[tilespmem:$0x1FC80] =	vst v63  }
0x79: {  	s19 =	simm.s32 $0x8000;
	s6 =	simm.s32 @!p0 $0x6  }
0x7a: {  	[tilespmem:s19], [sflag:$0x3] =	stream.indirect.gather [spmem:s3], $0x1, s9, s17, $0xb8;
	[tilespmem:$0x1FC80] =	vst v63  }
0x7b: {  	_ =	swait.ge @!p0 [sflag:s6], $0xFA0  }
0x7c: {  	[sflag:s6] =	ssyncset.done @!p0 $0x0  }
0x7d: {  	[sflag:s6] =	ssyncadd.s32 @!p0 $0xFFFFF060  }
0x7e: {  	_ =	swait.ge @!p0 [sflag:s6], $0xFA0  }
0x7f: {  	[sflag:s6] =	ssyncset.done @!p0 $0x0  }
0x80: {  	[sflag:s6] =	ssyncadd.s32 @!p0 $0xFFFFF060  }
0x81: {  	_ =	swait.ge @!p0 [sflag:s6], $0xFA0  }
0x82: {  	s31 =	smul.u32 $0x1F40, s30;
	[sflag:s6] =	ssyncset.done @!p0 $0x0  }
0x83: {  	[sflag:s6] =	ssyncadd.s32 @!p0 $0xFFFFF060  }
0x84: {  	s19 =	sadd.s32 s31, s22;
	_ =	swait.ge @!p0 [sflag:s6], $0xFA0  }
0x85: {  	s19 =	sshrl.u32 s19, $0x3;
	[sflag:s6] =	ssyncset.done @!p0 $0x0  }
0x86: {  	s20 =	sadd.s32 s10, s19;
	[sflag:s6] =	ssyncadd.s32 @!p0 $0xFFFFF060  }
0x87: {  	[tilespmem:s24], [sflag:$0x2] =	stream.linear.gather [hbm4b:s20+s29], $0xFA0, $0x38;
	[tilespmem:$0x1FC80] =	vst v63  }
0x88: {  	s20 =	sadd.s32 s11, s19  }
0x89: {  	[tilespmem:s25], [sflag:$0x2] =	stream.linear.gather [hbm4b:s20+s29], $0xFA0, $0x38;
	[tilespmem:$0x1FC80] =	vst v63  }
0x8a: {  	s19 =	sadd.s32 s0, s19;
	s20 =	simm.s32 $0x5000  }
0x8b: {  	[tilespmem:s20], [sflag:$0x2] =	stream.linear.gather [hbm4b:s19+s29], $0xFA0, $0x38;
	[tilespmem:$0x1FC80] =	vst v63  }
0x8c: {  	_ =	swait.ge [sflag:s28], $0xFA0  }
0x8d: {  	[sflag:s28] =	ssyncset.done $0x0  }
0x8e: {  	[sflag:s28] =	ssyncadd.s32 $0xFFFFF060  }
0x8f: {  	_ =	swait.ge [sflag:s28], $0xFA0  }
0x90: {  	[sflag:s28] =	ssyncset.done $0x0  }
0x91: {  	s6 =	simm.s32 $0x0;
	[sflag:s28] =	ssyncadd.s32 $0xFFFFF060  }
0x92: {  	v2 =	vld [tilespmem:s6+$0x8040]  }
0x93: {  	v1 =	vld [tilespmem:s6+$0x4040]  }
0x94: {  	v3 =	vld [tilespmem:s6+$0x6000]  }
0x95: {  	v4 =	vld [tilespmem:s6+$0x8000]  }
0x96: {  	v5 =	vld [tilespmem:s6+$0x6010]  }
0x97: {  	v6 =	vld [tilespmem:s6+$0x8010]  }
0x98: {  	v8 =	vld [tilespmem:s6+$0x6020]  }
0x99: {  	v9 =	vld [tilespmem:s6+$0x8020]  }
0x9a: {  	v14 =	vld [tilespmem:s6+$0x6030]  }
0x9b: {  	v18 =	vld [tilespmem:s6+$0x4000];
	v7 =	vunpack.i.u.bf16.f32 v2;
	v2 =	vunpack.i.l.bf16.f32 v2;
	v16 =	vunpack.i.u.bf16.f32 v3  }
0x9c: {  	v22 =	vld [tilespmem:s6+$0x6040];
	v17 =	vunpack.i.l.bf16.f32 v3;
	v20 =	vunpack.i.u.bf16.f32 v4;
	v4 =	vunpack.i.l.bf16.f32 v4  }
0x9d: {  	v26 =	vld [tilespmem:s6+$0x4010];
	v21 =	vunpack.i.u.bf16.f32 v5;
	v23 =	vunpack.i.l.bf16.f32 v5;
	v7 =	vmul.f32 v7, v1  }
0x9e: {  	v24 =	vunpack.i.u.bf16.f32 v6;
	v25 =	vunpack.i.l.bf16.f32 v6;
	v12 =	vunpack.i.u.bf16.f32 v8  }
0x9f: {  	v13 =	vunpack.i.l.bf16.f32 v8;
	v6 =	vunpack.i.u.bf16.f32 v9;
	v11 =	vunpack.i.l.bf16.f32 v9;
	[tilespmem:s6+$0x10040] =	vst v7;
	v7 =	vld [tilespmem:s6+$0x8030]  }
0xa0: {  	v10 =	vld [tilespmem:s6+$0x4020];
	v5 =	vunpack.i.u.bf16.f32 v14;
	v15 =	vmul.f32 v2, v1;
	v9 =	vmul.f32 v17, v18  }
0xa1: {  	v8 =	vunpack.i.l.bf16.f32 v14;
	v14 =	vmul.f32 v16, v18;
	v19 =	vmul.f32 v4, v18  }
0xa2: {  	v2 =	vld [tilespmem:s6+$0x4030];
	v17 =	vmul.f32 v20, v18;
	v4 =	vunpack.i.u.bf16.f32 v22;
	v18 =	vmul.f32 v23, v26;
	[tilespmem:s6+$0xE040] =	vst v15  }
0xa3: {  	v16 =	vmul.f32 v25, v26;
	[tilespmem:s6+$0xA000] =	vst v9;
	v15 =	vmul.f32 v21, v26;
	v9 =	vunpack.i.l.bf16.f32 v22  }
0xa4: {  	s19 =	simm.s32 $0x50;
	s20 =	simm.s32 $0x280;
	[tilespmem:s6+$0xC000] =	vst v14;
	v14 =	vmul.f32 v24, v26;
	v3 =	vunpack.i.u.bf16.f32 v7;
	v7 =	vunpack.i.l.bf16.f32 v7  }
.LBB2_9:
0xa5: {  	p0 =	sne.s32 s20, $0x3D40;
	v20 =	vld [tilespmem:s19+$0x8040];
	[tilespmem:s6+$0xE000] =	vst v19;
	v13 =	vmul.f32 v13, v10;
	v12 =	vmul.f32 v12, v10  }
0xa6: {  	v11 =	vmul.f32 v11, v10;
	v6 =	vmul.f32 v6, v10;
	v19 =	vld [tilespmem:s19+$0x4040];
	[tilespmem:s6+$0x10000] =	vst v17  }
0xa7: {  	v8 =	vmul.f32 v8, v2;
	v5 =	vmul.f32 v5, v2;
	v10 =	vld [tilespmem:s19+$0x6000];
	[tilespmem:s6+$0xA010] =	vst v18  }
0xa8: {  	v7 =	vmul.f32 v7, v2;
	v17 =	vld [tilespmem:s19+$0x8000];
	[tilespmem:s6+$0xC010] =	vst v15;
	v15 =	vmul.f32 v3, v2  }
0xa9: {  	v18 =	vmul.f32 v4, v1;
	v2 =	vld [tilespmem:s19+$0x6010];
	[tilespmem:s6+$0xE010] =	vst v16;
	v16 =	vmul.f32 v9, v1  }
0xaa: {  	v3 =	vld [tilespmem:s19+$0x8010];
	v21 =	vunpack.i.u.bf16.f32 v20;
	v4 =	vunpack.i.l.bf16.f32 v20;
	[tilespmem:s6+$0x10010] =	vst v14  }
0xab: {  	v9 =	vld [tilespmem:s19+$0x6020];
	v14 =	vmul.f32 v4, v19;
	v4 =	vmul.f32 v21, v19;
	[tilespmem:s6+$0xA020] =	vst v13;
	v1 =	vmov v19  }
0xac: {  	v19 =	vunpack.i.u.bf16.f32 v10;
	v20 =	vunpack.i.l.bf16.f32 v10;
	v10 =	vld [tilespmem:s19+$0x8020];
	[tilespmem:s6+$0xC020] =	vst v12  }
0xad: {  	v21 =	vunpack.i.u.bf16.f32 v17;
	v17 =	vunpack.i.l.bf16.f32 v17;
	v22 =	vld [tilespmem:s19+$0x6030];
	[tilespmem:s19+$0x10040] =	vst v4  }
0xae: {  	v23 =	vunpack.i.u.bf16.f32 v2;
	v24 =	vunpack.i.l.bf16.f32 v2;
	v4 =	vld [tilespmem:s19+$0x8030];
	[tilespmem:s6+$0xE020] =	vst v11  }
0xaf: {  	v25 =	vunpack.i.u.bf16.f32 v3;
	v26 =	vunpack.i.l.bf16.f32 v3;
	v27 =	vld [tilespmem:s19+$0x6040];
	[tilespmem:s6+$0x10020] =	vst v6  }
0xb0: {  	v28 =	vld [tilespmem:s19+$0x4000];
	v12 =	vunpack.i.u.bf16.f32 v9;
	v13 =	vunpack.i.l.bf16.f32 v9;
	[tilespmem:s6+$0xA030] =	vst v8  }
0xb1: {  	v29 =	vld [tilespmem:s19+$0x4010];
	v6 =	vunpack.i.u.bf16.f32 v10;
	v11 =	vunpack.i.l.bf16.f32 v10;
	[tilespmem:s6+$0xC030] =	vst v5  }
0xb2: {  	v10 =	vld [tilespmem:s19+$0x4020];
	v5 =	vunpack.i.u.bf16.f32 v22;
	v8 =	vunpack.i.l.bf16.f32 v22;
	[tilespmem:s6+$0xE030] =	vst v7  }
0xb3: {  	v2 =	vld [tilespmem:s19+$0x4030];
	v3 =	vunpack.i.u.bf16.f32 v4;
	v7 =	vunpack.i.l.bf16.f32 v4;
	[tilespmem:s6+$0x10030] =	vst v15  }
.Ltmp3:
0xb4: {  	v4 =	vunpack.i.u.bf16.f32 v27;
	v9 =	vunpack.i.l.bf16.f32 v27;
	[tilespmem:s6+$0xA040] =	vst v16;
	(pc) =	sbr.rel @p0 .LBB2_9-.Ltmp3, $4  }
0xb5: {  	v15 =	vmul.f32 v20, v28;
	v16 =	vmul.f32 v19, v28;
	[tilespmem:s6+$0xC040] =	vst v18;
	s6 =	smov.u32 s19  }
0xb6: {  	v19 =	vmul.f32 v17, v28;
	v17 =	vmul.f32 v21, v28;
	[tilespmem:s6+$0xE040] =	vst v14  }
0xb7: {  	v18 =	vmul.f32 v24, v29;
	[tilespmem:s6+$0xA000] =	vst v15;
	v15 =	vmul.f32 v23, v29  }
0xb8: {  	s19 =	sshra.s32 s20, $0x2;
	s20 =	sadd.s32 $0x140, s20;
	v14 =	vmul.f32 v25, v29;
	[tilespmem:s6+$0xC000] =	vst v16;
	v16 =	vmul.f32 v26, v29  }
0xb9: {  	v20 =	vld [tilespmem:s19+$0x8040];
	[tilespmem:s6+$0xE000] =	vst v19  }
0xba: {  	v19 =	vld [tilespmem:s19+$0x4040];
	[tilespmem:s6+$0x10000] =	vst v17  }
0xbb: {  	v17 =	vld [tilespmem:s19+$0x6000];
	[tilespmem:s6+$0xA010] =	vst v18  }
0xbc: {  	v18 =	vld [tilespmem:s19+$0x8000];
	[tilespmem:s6+$0xC010] =	vst v15  }
0xbd: {  	v13 =	vmul.f32 v13, v10;
	v15 =	vld [tilespmem:s19+$0x6010];
	[tilespmem:s6+$0xE010] =	vst v16  }
0xbe: {  	v16 =	vld [tilespmem:s19+$0x8010];
	[tilespmem:s6+$0x10010] =	vst v14  }
0xbf: {  	v12 =	vmul.f32 v12, v10;
	v14 =	vld [tilespmem:s19+$0x6020];
	[tilespmem:s6+$0xA020] =	vst v13;
	v13 =	vunpack.i.u.bf16.f32 v20  }
0xc0: {  	v13 =	vmul.f32 v13, v19  }
0xc1: {  	v11 =	vmul.f32 v11, v10;
	v21 =	vld [tilespmem:s19+$0x8020];
	[tilespmem:s6+$0xC020] =	vst v12  }
0xc2: {  	v6 =	vmul.f32 v6, v10;
	v12 =	vld [tilespmem:s19+$0x6030];
	[tilespmem:s19+$0x10040] =	vst v13  }
0xc3: {  	v8 =	vmul.f32 v8, v2;
	v13 =	vld [tilespmem:s19+$0x8030];
	[tilespmem:s6+$0xE020] =	vst v11  }
0xc4: {  	v5 =	vmul.f32 v5, v2;
	v10 =	vld [tilespmem:s19+$0x6040];
	[tilespmem:s6+$0x10020] =	vst v6  }
0xc5: {  	v7 =	vmul.f32 v7, v2;
	v6 =	vld [tilespmem:s19+$0x4000];
	[tilespmem:s6+$0xA030] =	vst v8  }
0xc6: {  	v2 =	vmul.f32 v3, v2;
	v8 =	vld [tilespmem:s19+$0x4010];
	[tilespmem:s6+$0xC030] =	vst v5  }
0xc7: {  	v3 =	vmul.f32 v9, v1;
	v5 =	vld [tilespmem:s19+$0x4020];
	[tilespmem:s6+$0xE030] =	vst v7  }
0xc8: {  	v1 =	vmul.f32 v4, v1;
	v4 =	vunpack.i.l.bf16.f32 v20;
	v7 =	vld [tilespmem:s19+$0x4030];
	[tilespmem:s6+$0x10030] =	vst v2  }
0xc9: {  	v2 =	vmul.f32 v4, v19;
	v4 =	vunpack.i.l.bf16.f32 v17;
	[tilespmem:s6+$0xA040] =	vst v3  }
0xca: {  	v3 =	vunpack.i.u.bf16.f32 v17;
	[tilespmem:s6+$0xC040] =	vst v1;
	v4 =	vmul.f32 v4, v6  }
0xcb: {  	v1 =	vunpack.i.l.bf16.f32 v18;
	v3 =	vmul.f32 v3, v6;
	[tilespmem:s19+$0xE040] =	vst v2  }
0xcc: {  	v2 =	vunpack.i.u.bf16.f32 v18;
	v1 =	vmul.f32 v1, v6;
	[tilespmem:s19+$0xA000] =	vst v4  }
0xcd: {  	v2 =	vmul.f32 v2, v6;
	v4 =	vunpack.i.l.bf16.f32 v15;
	[tilespmem:s19+$0xC000] =	vst v3  }
0xce: {  	v3 =	vunpack.i.u.bf16.f32 v15;
	[tilespmem:s19+$0xE000] =	vst v1;
	v4 =	vmul.f32 v4, v8  }
0xcf: {  	v1 =	vunpack.i.l.bf16.f32 v16;
	v3 =	vmul.f32 v3, v8;
	[tilespmem:s19+$0x10000] =	vst v2  }
0xd0: {  	v2 =	vunpack.i.u.bf16.f32 v16;
	v1 =	vmul.f32 v1, v8;
	[tilespmem:s19+$0xA010] =	vst v4  }
0xd1: {  	v2 =	vmul.f32 v2, v8;
	v4 =	vunpack.i.l.bf16.f32 v14;
	[tilespmem:s19+$0xC010] =	vst v3  }
0xd2: {  	v3 =	vunpack.i.u.bf16.f32 v14;
	[tilespmem:s19+$0xE010] =	vst v1;
	v4 =	vmul.f32 v4, v5  }
0xd3: {  	v1 =	vunpack.i.l.bf16.f32 v21;
	v3 =	vmul.f32 v3, v5;
	[tilespmem:s19+$0x10010] =	vst v2  }
0xd4: {  	v2 =	vunpack.i.u.bf16.f32 v21;
	v1 =	vmul.f32 v1, v5;
	[tilespmem:s19+$0xA020] =	vst v4  }
0xd5: {  	v2 =	vmul.f32 v2, v5;
	v4 =	vunpack.i.l.bf16.f32 v12;
	[tilespmem:s19+$0xC020] =	vst v3  }
0xd6: {  	v3 =	vunpack.i.u.bf16.f32 v12;
	[tilespmem:s19+$0xE020] =	vst v1;
	v4 =	vmul.f32 v4, v7  }
0xd7: {  	v1 =	vunpack.i.l.bf16.f32 v13;
	v3 =	vmul.f32 v3, v7;
	[tilespmem:s19+$0x10020] =	vst v2  }
0xd8: {  	v2 =	vunpack.i.u.bf16.f32 v13;
	v1 =	vmul.f32 v1, v7;
	[tilespmem:s19+$0xA030] =	vst v4  }
0xd9: {  	v2 =	vmul.f32 v2, v7;
	v4 =	vunpack.i.l.bf16.f32 v10;
	[tilespmem:s19+$0xC030] =	vst v3  }
0xda: {  	v3 =	vunpack.i.u.bf16.f32 v10;
	[tilespmem:s19+$0xE030] =	vst v1;
	v4 =	vmul.f32 v4, v19  }
0xdb: {  	v1 =	vmul.f32 v3, v19;
	[tilespmem:s19+$0x10030] =	vst v2  }
0xdc: {  	[tilespmem:s19+$0xA040] =	vst v4  }
0xdd: {  	[tilespmem:s19+$0xC040] =	vst v1;
	s19 =	simm.s32 $0xA000  }
0xde: {  	[spmem:s4] =	stream.indirect.scatter.add.f32 [tilespmem:s19], [sflag:$0x5], $0x1, s15, s17, $0xb8;
	[tilespmem:$0x1FC80] =	vst v63  }
0xdf: {  	s20 =	simm.s32 $0xC000  }
0xe0: {  	[spmem:s5] =	stream.indirect.scatter.add.f32 [tilespmem:s20], [sflag:$0x5], $0x1, s15, s17, $0xb8;
	[tilespmem:$0x1FC80] =	vst v63  }
0xe1: {  	s19 =	simm.s32 $0xE000  }
0xe2: {  	[spmem:s7] =	stream.indirect.scatter.add.f32 [tilespmem:s19], [sflag:$0x5], $0x1, s15, s17, $0xb8;
	[tilespmem:$0x1FC80] =	vst v63  }
0xe3: {  	s20 =	simm.s32 $0x10000  }
0xe4: {  	[spmem:s8] =	stream.indirect.scatter.add.f32 [tilespmem:s20], [sflag:$0x5], $0x1, s15, s17, $0xb8;
	[tilespmem:$0x1FC80] =	vst v63  }
0xe5: {  	_ =	swait.ge [sflag:s18], $0xFA0  }
0xe6: {  	[sflag:s18] =	ssyncset.done $0x0  }
0xe7: {  	[sflag:s18] =	ssyncadd.s32 $0xFFFFF060  }
0xe8: {  	_ =	swait.ge [sflag:s18], $0xFA0  }
0xe9: {  	[sflag:s18] =	ssyncset.done $0x0  }
0xea: {  	[sflag:s18] =	ssyncadd.s32 $0xFFFFF060  }
0xeb: {  	_ =	swait.ge [sflag:s18], $0xFA0  }
0xec: {  	[sflag:s18] =	ssyncset.done $0x0  }
0xed: {  	p0 =	seq.s32 s30, $0x18;
	s19 =	simm.s32 $0x7000;
	[sflag:s18] =	ssyncadd.s32 $0xFFFFF060  }
0xee: {  	[tilespmem:s19], [sflag:$0x4] =	stream.indirect.gather [spmem:s1], $0x1, s24, s17, $0xb8;
	[tilespmem:$0x1FC80] =	vst v63  }
0xef: {  	s6 =	simm.s32 @!p0 $0x5;
	s20 =	simm.s32 $0x9000  }
0xf0: {  	[tilespmem:s20], [sflag:$0x4] =	stream.indirect.gather [spmem:s3], $0x1, s24, s17, $0xb8;
	[tilespmem:$0x1FC80] =	vst v63  }
0xf1: {  	_ =	swait.ge @!p0 [sflag:s6], $0xFA0  }
0xf2: {  	[sflag:s6] =	ssyncset.done @!p0 $0x0  }
0xf3: {  	[sflag:s6] =	ssyncadd.s32 @!p0 $0xFFFFF060  }
0xf4: {  	_ =	swait.ge @!p0 [sflag:s6], $0xFA0  }
0xf5: {  	[sflag:s6] =	ssyncset.done @!p0 $0x0  }
0xf6: {  	[sflag:s6] =	ssyncadd.s32 @!p0 $0xFFFFF060  }
0xf7: {  	_ =	swait.ge @!p0 [sflag:s6], $0xFA0  }
0xf8: {  	[sflag:s6] =	ssyncset.done @!p0 $0x0  }
0xf9: {  	[sflag:s6] =	ssyncadd.s32 @!p0 $0xFFFFF060  }
0xfa: {  	s19 =	sadd.s32 @!p0 s31, s23;
	_ =	swait.ge @!p0 [sflag:s6], $0xFA0  }
0xfb: {  	s19 =	sshrl.u32 @!p0 s19, $0x3;
	[sflag:s6] =	ssyncset.done @!p0 $0x0  }
0xfc: {  	s20 =	simm.s32 @!p0 $0x0;
	[sflag:s6] =	ssyncadd.s32 @!p0 $0xFFFFF060;
	s6 =	sadd.s32 @!p0 s10, s19  }
0xfd: {  	[tilespmem:s20], [sflag:$0x1] =	stream.linear.gather @!p0 [hbm4b:s6+s20], $0xFA0, $0x38;
	[tilespmem:$0x1FC80] =	vst v63  }
0xfe: {  	s31 =	simm.s32 @!p0 $0x2000;
	s6 =	sadd.s32 @!p0 s11, s19  }
0xff: {  	[tilespmem:s31], [sflag:$0x1] =	stream.linear.gather @!p0 [hbm4b:s6+s20], $0xFA0, $0x38;
	[tilespmem:$0x1FC80] =	vst v63  }
0x100: {  	s6 =	sadd.s32 @!p0 s0, s19;
	s19 =	simm.s32 @!p0 $0x4000  }
0x101: {  	[tilespmem:s19], [sflag:$0x1] =	stream.linear.gather @!p0 [hbm4b:s6+s20], $0xFA0, $0x38;
	[tilespmem:$0x1FC80] =	vst v63  }
0x102: {  	_ =	swait.ge [sflag:s21], $0xFA0  }
0x103: {  	[sflag:s21] =	ssyncset.done $0x0  }
0x104: {  	[sflag:s21] =	ssyncadd.s32 $0xFFFFF060  }
0x105: {  	_ =	swait.ge [sflag:s21], $0xFA0  }
0x106: {  	[sflag:s21] =	ssyncset.done $0x0  }
0x107: {  	s6 =	simm.s32 $0x0;
	[sflag:s21] =	ssyncadd.s32 $0xFFFFF060  }
0x108: {  	v2 =	vld [tilespmem:s6+$0x9040]  }
0x109: {  	v1 =	vld [tilespmem:s6+$0x5040]  }
0x10a: {  	v3 =	vld [tilespmem:s6+$0x7000]  }
0x10b: {  	v4 =	vld [tilespmem:s6+$0x9000]  }
0x10c: {  	v5 =	vld [tilespmem:s6+$0x7010]  }
0x10d: {  	v6 =	vld [tilespmem:s6+$0x9010]  }
0x10e: {  	v8 =	vld [tilespmem:s6+$0x7020]  }
0x10f: {  	v9 =	vld [tilespmem:s6+$0x9020]  }
0x110: {  	v14 =	vld [tilespmem:s6+$0x7030]  }
0x111: {  	v18 =	vld [tilespmem:s6+$0x5000];
	v7 =	vunpack.i.u.bf16.f32 v2;
	v2 =	vunpack.i.l.bf16.f32 v2;
	v16 =	vunpack.i.u.bf16.f32 v3  }
0x112: {  	v22 =	vld [tilespmem:s6+$0x7040];
	v17 =	vunpack.i.l.bf16.f32 v3;
	v20 =	vunpack.i.u.bf16.f32 v4;
	v4 =	vunpack.i.l.bf16.f32 v4  }
0x113: {  	v26 =	vld [tilespmem:s6+$0x5010];
	v63 =	vunpack.i.u.bf16.f32 v5;
	v23 =	vunpack.i.l.bf16.f32 v5;
	v7 =	vmul.f32 v7, v1  }
0x114: {  	v24 =	vunpack.i.u.bf16.f32 v6;
	v25 =	vunpack.i.l.bf16.f32 v6;
	v12 =	vunpack.i.u.bf16.f32 v8  }
0x115: {  	v13 =	vunpack.i.l.bf16.f32 v8;
	v6 =	vunpack.i.u.bf16.f32 v9;
	v11 =	vunpack.i.l.bf16.f32 v9;
	[tilespmem:s6+$0x11040] =	vst v7;
	v7 =	vld [tilespmem:s6+$0x9030]  }
0x116: {  	v10 =	vld [tilespmem:s6+$0x5020];
	v5 =	vunpack.i.u.bf16.f32 v14;
	v15 =	vmul.f32 v2, v1;
	v9 =	vmul.f32 v17, v18  }
0x117: {  	v8 =	vunpack.i.l.bf16.f32 v14;
	v14 =	vmul.f32 v16, v18;
	v19 =	vmul.f32 v4, v18  }
0x118: {  	v2 =	vld [tilespmem:s6+$0x5030];
	v17 =	vmul.f32 v20, v18;
	v4 =	vunpack.i.u.bf16.f32 v22;
	v18 =	vmul.f32 v23, v26;
	[tilespmem:s6+$0xF040] =	vst v15  }
0x119: {  	v16 =	vmul.f32 v25, v26;
	[tilespmem:s6+$0xB000] =	vst v9;
	v15 =	vmul.f32 v63, v26;
	v9 =	vunpack.i.l.bf16.f32 v22  }
0x11a: {  	s19 =	simm.s32 $0x50;
	s20 =	simm.s32 $0x280;
	[tilespmem:s6+$0xD000] =	vst v14;
	v14 =	vmul.f32 v24, v26;
	v3 =	vunpack.i.u.bf16.f32 v7;
	v7 =	vunpack.i.l.bf16.f32 v7  }
.LBB2_11:
0x11b: {  	p0 =	sne.s32 s20, $0x3D40;
	v20 =	vld [tilespmem:s19+$0x9040];
	[tilespmem:s6+$0xF000] =	vst v19;
	v13 =	vmul.f32 v13, v10;
	v12 =	vmul.f32 v12, v10  }
0x11c: {  	v11 =	vmul.f32 v11, v10;
	v6 =	vmul.f32 v6, v10;
	v19 =	vld [tilespmem:s19+$0x5040];
	[tilespmem:s6+$0x11000] =	vst v17  }
0x11d: {  	v8 =	vmul.f32 v8, v2;
	v5 =	vmul.f32 v5, v2;
	v10 =	vld [tilespmem:s19+$0x7000];
	[tilespmem:s6+$0xB010] =	vst v18  }
0x11e: {  	v7 =	vmul.f32 v7, v2;
	v17 =	vld [tilespmem:s19+$0x9000];
	[tilespmem:s6+$0xD010] =	vst v15;
	v15 =	vmul.f32 v3, v2  }
0x11f: {  	v18 =	vmul.f32 v4, v1;
	v2 =	vld [tilespmem:s19+$0x7010];
	[tilespmem:s6+$0xF010] =	vst v16;
	v16 =	vmul.f32 v9, v1  }
0x120: {  	v3 =	vld [tilespmem:s19+$0x9010];
	v21 =	vunpack.i.u.bf16.f32 v20;
	v4 =	vunpack.i.l.bf16.f32 v20;
	[tilespmem:s6+$0x11010] =	vst v14  }
0x121: {  	v9 =	vld [tilespmem:s19+$0x7020];
	v14 =	vmul.f32 v4, v19;
	v4 =	vmul.f32 v21, v19;
	[tilespmem:s6+$0xB020] =	vst v13;
	v1 =	vmov v19  }
0x122: {  	v19 =	vunpack.i.u.bf16.f32 v10;
	v20 =	vunpack.i.l.bf16.f32 v10;
	v10 =	vld [tilespmem:s19+$0x9020];
	[tilespmem:s6+$0xD020] =	vst v12  }
0x123: {  	v21 =	vunpack.i.u.bf16.f32 v17;
	v17 =	vunpack.i.l.bf16.f32 v17;
	v22 =	vld [tilespmem:s19+$0x7030];
	[tilespmem:s19+$0x11040] =	vst v4  }
0x124: {  	v23 =	vunpack.i.u.bf16.f32 v2;
	v24 =	vunpack.i.l.bf16.f32 v2;
	v4 =	vld [tilespmem:s19+$0x9030];
	[tilespmem:s6+$0xF020] =	vst v11  }
0x125: {  	v25 =	vunpack.i.u.bf16.f32 v3;
	v26 =	vunpack.i.l.bf16.f32 v3;
	v27 =	vld [tilespmem:s19+$0x7040];
	[tilespmem:s6+$0x11020] =	vst v6  }
0x126: {  	v28 =	vld [tilespmem:s19+$0x5000];
	v12 =	vunpack.i.u.bf16.f32 v9;
	v13 =	vunpack.i.l.bf16.f32 v9;
	[tilespmem:s6+$0xB030] =	vst v8  }
0x127: {  	v29 =	vld [tilespmem:s19+$0x5010];
	v6 =	vunpack.i.u.bf16.f32 v10;
	v11 =	vunpack.i.l.bf16.f32 v10;
	[tilespmem:s6+$0xD030] =	vst v5  }
0x128: {  	v10 =	vld [tilespmem:s19+$0x5020];
	v5 =	vunpack.i.u.bf16.f32 v22;
	v8 =	vunpack.i.l.bf16.f32 v22;
	[tilespmem:s6+$0xF030] =	vst v7  }
0x129: {  	v2 =	vld [tilespmem:s19+$0x5030];
	v3 =	vunpack.i.u.bf16.f32 v4;
	v7 =	vunpack.i.l.bf16.f32 v4;
	[tilespmem:s6+$0x11030] =	vst v15  }
.Ltmp4:
0x12a: {  	v4 =	vunpack.i.u.bf16.f32 v27;
	v9 =	vunpack.i.l.bf16.f32 v27;
	[tilespmem:s6+$0xB040] =	vst v16;
	(pc) =	sbr.rel @p0 .LBB2_11-.Ltmp4, $4  }
0x12b: {  	v15 =	vmul.f32 v20, v28;
	v16 =	vmul.f32 v19, v28;
	[tilespmem:s6+$0xD040] =	vst v18;
	s6 =	smov.u32 s19  }
0x12c: {  	v19 =	vmul.f32 v17, v28;
	v17 =	vmul.f32 v21, v28;
	[tilespmem:s6+$0xF040] =	vst v14  }
0x12d: {  	v18 =	vmul.f32 v24, v29;
	[tilespmem:s6+$0xB000] =	vst v15;
	v15 =	vmul.f32 v23, v29  }
0x12e: {  	s19 =	sshra.s32 s20, $0x2;
	s20 =	sadd.s32 $0x140, s20;
	v14 =	vmul.f32 v25, v29;
	[tilespmem:s6+$0xD000] =	vst v16;
	v16 =	vmul.f32 v26, v29  }
0x12f: {  	v20 =	vld [tilespmem:s19+$0x9040];
	[tilespmem:s6+$0xF000] =	vst v19  }
0x130: {  	v19 =	vld [tilespmem:s19+$0x5040];
	[tilespmem:s6+$0x11000] =	vst v17  }
0x131: {  	v17 =	vld [tilespmem:s19+$0x7000];
	[tilespmem:s6+$0xB010] =	vst v18  }
0x132: {  	v18 =	vld [tilespmem:s19+$0x9000];
	[tilespmem:s6+$0xD010] =	vst v15  }
0x133: {  	v13 =	vmul.f32 v13, v10;
	v15 =	vld [tilespmem:s19+$0x7010];
	[tilespmem:s6+$0xF010] =	vst v16  }
0x134: {  	v12 =	vmul.f32 v12, v10;
	v16 =	vld [tilespmem:s19+$0x9010];
	[tilespmem:s6+$0x11010] =	vst v14;
	v55 =	vunpack.i.u.bf16.f32 v20  }
0x135: {  	v14 =	vld [tilespmem:s19+$0x7020];
	[tilespmem:s6+$0xB020] =	vst v13;
	v13 =	vmul.f32 v55, v19  }
0x136: {  	v11 =	vmul.f32 v11, v10;
	v21 =	vld [tilespmem:s19+$0x9020];
	[tilespmem:s6+$0xD020] =	vst v12  }
0x137: {  	v6 =	vmul.f32 v6, v10;
	v12 =	vld [tilespmem:s19+$0x7030];
	[tilespmem:s19+$0x11040] =	vst v13  }
0x138: {  	v8 =	vmul.f32 v8, v2;
	v56 =	vld [tilespmem:s19+$0x9030];
	[tilespmem:s6+$0xF020] =	vst v11  }
0x139: {  	v5 =	vmul.f32 v5, v2;
	v57 =	vld [tilespmem:s19+$0x7040];
	[tilespmem:s6+$0x11020] =	vst v6  }
0x13a: {  	v7 =	vmul.f32 v7, v2;
	v6 =	vld [tilespmem:s19+$0x5000];
	[tilespmem:s6+$0xB030] =	vst v8  }
0x13b: {  	v2 =	vmul.f32 v3, v2;
	v8 =	vld [tilespmem:s19+$0x5010];
	[tilespmem:s6+$0xD030] =	vst v5  }
0x13c: {  	v3 =	vmul.f32 v9, v1;
	v5 =	vld [tilespmem:s19+$0x5020];
	[tilespmem:s6+$0xF030] =	vst v7  }
0x13d: {  	v1 =	vmul.f32 v4, v1;
	v58 =	vunpack.i.l.bf16.f32 v20;
	v7 =	vld [tilespmem:s19+$0x5030];
	[tilespmem:s6+$0x11030] =	vst v2  }
0x13e: {  	v59 =	vunpack.i.l.bf16.f32 v17;
	v2 =	vmul.f32 v58, v19;
	[tilespmem:s6+$0xB040] =	vst v3  }
0x13f: {  	v3 =	vunpack.i.u.bf16.f32 v17;
	[tilespmem:s6+$0xD040] =	vst v1;
	v4 =	vmul.f32 v59, v6  }
0x140: {  	v1 =	vunpack.i.l.bf16.f32 v18;
	v3 =	vmul.f32 v3, v6;
	[tilespmem:s19+$0xF040] =	vst v2  }
0x141: {  	v2 =	vunpack.i.u.bf16.f32 v18;
	v1 =	vmul.f32 v1, v6;
	[tilespmem:s19+$0xB000] =	vst v4  }
0x142: {  	v60 =	vunpack.i.l.bf16.f32 v15;
	v2 =	vmul.f32 v2, v6;
	[tilespmem:s19+$0xD000] =	vst v3  }
0x143: {  	v3 =	vunpack.i.u.bf16.f32 v15;
	v4 =	vmul.f32 v60, v8;
	[tilespmem:s19+$0xF000] =	vst v1  }
0x144: {  	v1 =	vunpack.i.l.bf16.f32 v16;
	v3 =	vmul.f32 v3, v8;
	[tilespmem:s19+$0x11000] =	vst v2  }
0x145: {  	v2 =	vunpack.i.u.bf16.f32 v16;
	v1 =	vmul.f32 v1, v8;
	[tilespmem:s19+$0xB010] =	vst v4  }
0x146: {  	v61 =	vunpack.i.l.bf16.f32 v14;
	v2 =	vmul.f32 v2, v8;
	[tilespmem:s19+$0xD010] =	vst v3  }
0x147: {  	v4 =	vmul.f32 v61, v5;
	v3 =	vunpack.i.u.bf16.f32 v14;
	[tilespmem:s19+$0xF010] =	vst v1  }
0x148: {  	v1 =	vunpack.i.l.bf16.f32 v21;
	v3 =	vmul.f32 v3, v5;
	[tilespmem:s19+$0x11010] =	vst v2  }
0x149: {  	v62 =	vunpack.i.l.bf16.f32 v12;
	v1 =	vmul.f32 v1, v5;
	[tilespmem:s19+$0xB020] =	vst v4  }
0x14a: {  	v2 =	vunpack.i.u.bf16.f32 v21;
	v4 =	vmul.f32 v62, v7;
	[tilespmem:s19+$0xD020] =	vst v3  }
0x14b: {  	v63 =	vunpack.i.l.bf16.f32 v57;
	v2 =	vmul.f32 v2, v5;
	[tilespmem:s19+$0xF020] =	vst v1  }
0x14c: {  	v3 =	vunpack.i.u.bf16.f32 v12;
	[tilespmem:s19+$0xB030] =	vst v4;
	v4 =	vmul.f32 v63, v19  }
0x14d: {  	v1 =	vunpack.i.l.bf16.f32 v56;
	v3 =	vmul.f32 v3, v7;
	[tilespmem:s19+$0x11020] =	vst v2  }
0x14e: {  	v2 =	vunpack.i.u.bf16.f32 v56;
	v1 =	vmul.f32 v1, v7;
	[tilespmem:s19+$0xB040] =	vst v4  }
0x14f: {  	v2 =	vmul.f32 v2, v7;
	[tilespmem:s19+$0xD030] =	vst v3;
	v3 =	vunpack.i.u.bf16.f32 v57  }
0x150: {  	[tilespmem:s19+$0xF030] =	vst v1;
	v1 =	vmul.f32 v3, v19  }
0x151: {  	[tilespmem:s19+$0x11030] =	vst v2  }
0x152: {  	s30 =	sadd.s32 $0x1, s30;
	[tilespmem:s19+$0xD040] =	vst v1  }
0x153: {  	[spmem:s4] =	stream.indirect.scatter.add.f32 [tilespmem:s2], [sflag:$0x6], $0x1, s25, s17, $0xb8;
	[tilespmem:$0x1FC80] =	vst v63  }
0x154: {  	p0 =	sne.s32 s30, $0x19  }
0x155: {  	[spmem:s5] =	stream.indirect.scatter.add.f32 [tilespmem:s13], [sflag:$0x6], $0x1, s25, s17, $0xb8;
	[tilespmem:$0x1FC80] =	vst v63  }
.Ltmp5:
0x156: {  	_ = 	snop;
	(pc) =	sbr.rel @p0 .LBB2_8-.Ltmp5, $4  }
0x157: {  	_ = 	snop  }
0x158: {  	[spmem:s7] =	stream.indirect.scatter.add.f32 [tilespmem:s14], [sflag:$0x6], $0x1, s25, s17, $0xb8;
	[tilespmem:$0x1FC80] =	vst v63  }
0x159: {  	_ = 	snop  }
0x15a: {  	[spmem:s8] =	stream.indirect.scatter.add.f32 [tilespmem:s26], [sflag:$0x6], $0x1, s25, s17, $0xb8;
	[tilespmem:$0x1FC80] =	vst v63  }
0x15b: {  	s6 =	simm.s32 $0x5  }
0x15c: {  	_ =	swait.ge [sflag:s6], $0xFA0  }
0x15d: {  	[sflag:s6] =	ssyncset.done $0x0  }
0x15e: {  	[sflag:s6] =	ssyncadd.s32 $0xFFFFF060  }
0x15f: {  	_ =	swait.ge [sflag:s6], $0xFA0  }
0x160: {  	[sflag:s6] =	ssyncset.done $0x0  }
0x161: {  	[sflag:s6] =	ssyncadd.s32 $0xFFFFF060  }
0x162: {  	_ =	swait.ge [sflag:s6], $0xFA0  }
0x163: {  	[sflag:s6] =	ssyncset.done $0x0  }
0x164: {  	[sflag:s6] =	ssyncadd.s32 $0xFFFFF060  }
0x165: {  	_ =	swait.ge [sflag:s6], $0xFA0  }
0x166: {  	[sflag:s6] =	ssyncset.done $0x0  }
0x167: {  	s13 =	simm.s32 $0x6;
	[sflag:s6] =	ssyncadd.s32 $0xFFFFF060  }
0x168: {  	_ =	swait.ge [sflag:s13], $0xFA0  }
0x169: {  	[sflag:s13] =	ssyncset.done $0x0  }
0x16a: {  	[sflag:s13] =	ssyncadd.s32 $0xFFFFF060  }
0x16b: {  	_ =	swait.ge [sflag:s13], $0xFA0  }
0x16c: {  	[sflag:s13] =	ssyncset.done $0x0  }
0x16d: {  	[sflag:s13] =	ssyncadd.s32 $0xFFFFF060  }
0x16e: {  	_ =	swait.ge [sflag:s13], $0xFA0  }
0x16f: {  	[sflag:s13] =	ssyncset.done $0x0  }
0x170: {  	[sflag:s13] =	ssyncadd.s32 $0xFFFFF060  }
0x171: {  	_ =	swait.ge [sflag:s13], $0xFA0  }
0x172: {  	[sflag:s13] =	ssyncset.done $0x0  }
0x173: {  	s19 =	stileid.u32;
	[sflag:s13] =	ssyncadd.s32 $0xFFFFF060  }
0x174: {  	s6 =	sshll.u32 s19, $0x6;
	[bflag:$0x0] =	sbarrier.arrive $0xFFFF  }
0x175: {  	s2 =	simm.s32 $0x40;
	s6 =	sor.u32 $0x1C07, s6;
	s29 =	rddreg [dreg:$0x10]  }
0x176: {  	s13 =	simm.s32 $0x10;
	s20 =	rddreg [dreg:$0x16];
	s19 =	sshrl.u32 s29, $0x3  }
0x177: {  	[hbm:s20@s2], [sflag:s6] =	dma.strided [spmem:s19@s13], $0x310, s16, $0x10   }
0x178: {  	_ =	swait.ge [sflag:s12], $0x310  }
0x179: {  	[sflag:s12] =	ssyncset.done $0x0;
	s30 =	rddreg [dreg:$0x11]  }
0x17a: {  	s20 =	rddreg [dreg:$0x18];
	[sflag:s12] =	ssyncadd.s32 $0xFFFFFCF0;
	s19 =	sshrl.u32 s30, $0x3  }
0x17b: {  	[hbm:s20@s2], [sflag:s6] =	dma.strided [spmem:s19@s13], $0x310, s16, $0x10   }
0x17c: {  	_ =	swait.ge [sflag:s12], $0x310  }
0x17d: {  	[sflag:s12] =	ssyncset.done $0x0;
	s31 =	rddreg [dreg:$0x12]  }
0x17e: {  	s20 =	rddreg [dreg:$0x19];
	[sflag:s12] =	ssyncadd.s32 $0xFFFFFCF0;
	s19 =	sshrl.u32 s31, $0x3  }
0x17f: {  	[hbm:s20@s2], [sflag:s6] =	dma.strided [spmem:s19@s13], $0x310, s16, $0x10   }
0x180: {  	_ =	swait.ge [sflag:s12], $0x310  }
0x181: {  	[sflag:s12] =	ssyncset.done $0x0;
	s20 =	rddreg [dreg:$0x13]  }
0x182: {  	[sflag:s12] =	ssyncadd.s32 $0xFFFFFCF0;
	s19 =	sshrl.u32 s20, $0x3;
	s20 =	rddreg [dreg:$0x1a]  }
0x183: {  	[hbm:s20@s2], [sflag:s6] =	dma.strided [spmem:s19@s13], $0x310, s16, $0x10   }
0x184: {  	_ =	swait.ge [sflag:s12], $0x310  }
0x185: {  	s6 =	rddreg [dreg:$0x1c]  }
0x186: {  	s20 =	rddreg [dreg:$0x1b];
	s19 =	sadd.s32 $0x1, s6  }
0x187: {  	p0 =	sne.s32 s19, s20  }
.Ltmp6:
0x188: {  	_ = 	snop;
	(pc) =	sbr.rel @p0 .LBB2_1-.Ltmp6, $3  }
0x189: {  	_ =	sdelay $0x1  }
0x18a: {  	[sflag:s12] =	ssyncset.done $0x0  }
0x18b: {  	s13 =	simm.s32 $0xD000;
	s2 =	simm.s32 $0xB000;
	[sflag:s12] =	ssyncadd.s32 $0xFFFFFCF0  }
0x18c: {  	_ =	sfence.sel $0x180000  }
0x18d: {  	[bflag:$0x0] =	sbarrier.arrive $0xFFFF  }
0x18e: {  	_ =	strace $0x9000004A  }
0x18f: {  	s0 =	stileid.u32;
	[bflag:$0x2] =	sbarrier.arrive $0xFFFF  }
0x190: {  	p0 =	sne.s32 s0, $0x0;
	s0 =	rddreg [dreg:$0x9]  }
0x191: {  	s0 =	sadd.s32 @!p0 $0x100000, s0  }
0x192: {  	[sflag:s0] =	ssyncadd.tile.s32 @!p0 $0x1;
	_ =	shalt  }
.Lfunc_end2:
_tile_overlayer_lowered:
.L_overlay_start_2:
0x193: {  	(tag) =	ssettag $0x2  }
0x194: {  	s0 =	rddreg [dreg:$0x0];
	s2 =	stileid.u32  }
0x195: {  	s1 =	rddreg [dreg:$0x1];
	p0 =	sne.s32 s2, $0x0  }
0x196: {  	s3 =	rddreg [dreg:$0x2];
	[bflag:$0x3] =	sbarrier.arrive $0xFFFF;
	s2 =	simm.s32 @!p0 $0x1C07  }
0x197: {  	[timem:s3], [sflag:s2] =	dma.local @!p0 [hbm:s0], s1  }
0x198: {  	s0 =	simm.s32 @!p0 $0x7  }
0x199: {  	_ =	swait.ge @!p0 [sflag:s0], s1  }
0x19a: {  	s1 =	ssub.s32 @!p0 $0x0, s1;
	[sflag:s0] =	ssyncset.done @!p0 $0x0  }
0x19b: {  	[sflag:s0] =	ssyncadd.s32 @!p0 s1  }
0x19c: {  	[bflag:$0x3] =	sbarrier.arrive $0xFFFF  }
0x19d: {  	_ =	shalt  }

// kernel: kernel.14.cloned.1.call-start
scs
__scs_entry_jumppad:
0x0: {  	(pc) =	sbr.rel $0x88, $3  }
0x1: {  	(tag) =	ssettag $0x0;
	lr =	simm.s32 $0x1  }
0x2: {  	[smem:$0x3F9A] =	sst lr;
	_ =	strace $0xD0000000  }
0x3: {  	_ = 	snop  }
0x4: {  	_ = 	snop  }
0x5: {  	_ = 	snop  }
0x6: {  	_ = 	snop  }
0x7: {  	_ = 	snop  }
__scs_overlays_trampoline_lowered:
0x8: {  	[smem:$0x3FA9] =	sst s0  }
0x9: {  	[smem:$0x3FAA] =	sst s1  }
0xa: {  	[smem:$0x3FAB] =	sst s2  }
0xb: {  	[smem:$0x3FAC] =	sst s3  }
0xc: {  	[smem:$0x3FAD] =	sst s4  }
0xd: {  	[smem:$0x3FAE] =	sst s5  }
0xe: {  	[smem:$0x3FAF] =	sst s6  }
0xf: {  	[smem:$0x3FB0] =	sst s7  }
0x10: {  	[smem:$0x3FB1] =	sst s8  }
0x11: {  	[smem:$0x3FB2] =	sst s9;
	s0 =	simm.s32 @!p0 $0x0  }
0x12: {  	s1 =	sld [smem:$0x3F98];
	s0 =	simm.s32 @p0 $0x1  }
0x13: {  	[smem:$0x3FB3] =	sst s0;
	s0 =	simm.s32 @!p1 $0x0  }
0x14: {  	s2 =	sld [smem:$0x3F97];
	s0 =	simm.s32 @p1 $0x1  }
0x15: {  	[smem:$0x3FB4] =	sst s0;
	s0 =	simm.s32 @!p2 $0x0  }
0x16: {  	s3 =	sld [smem:$0x3FDB];
	s0 =	simm.s32 @p2 $0x1  }
0x17: {  	s4 =	simm.s32 $0x1BF5;
	[smem:$0x3FB6] =	sst s0  }
0x18: {  	s0 =	sld [smem:$0x3F99];
	_ =	swait.ge [sflag:s4], $0x0  }
0x19: {  	s7 =	sld [smem:$0x3F9A]  }
0x1a: {  	s8 =	sadd.s32 $0xFFFFE003, lr  }
0x1b: {  	s9 =	sadd.s32 $0xFFFFFEF7, lr;
	s5 =	simm.s32 $0xFFFFFFFF;
	p2 =	slt.u32 s8, $0xFFFFF086  }
0x1c: {  	p1 =	slt.u32 s9, $0xF7A;
	s5 =	simm.s32 @!p2 $0x0  }
0x1d: {  	s5 =	simm.s32 @p1 $0x1;
	p0 =	seq.s32 s7, s2  }
0x1e: {  	s7 =	smul.u32 @!p0 $0xF7A, s2;
	p2 =	seq.s32 @!p0 s5, $0x0  }
0x1f: {  	s9 =	smul.u32 $0xF7A, s1;
	s8 =	simm.s32 @!p0 $0x1BF5;
	p2 =	por !p2, p0  }
0x20: {  	[sflag:s8] =	ssyncset.s32 @!p0 $0xFFFFF086;
	s6 =	sadd.s32 @!p0 s3, s7;
	s7 =	simm.s32 @!p0 $0x108  }
0x21: {  	s3 =	sadd.s32 s3, s9;
	s6 =	sadd.s32 @!p0 $0x88, s6;
	s7 =	simm.s32 @p2 $0x1082  }
0x22: {  	[simem:s7], [sflag:s8] =	dma.local @!p0 [hbm:s6], $0xF7A  }
0x23: {  	s9 =	sor.u32 $0xD0000000, s2;
	s6 =	simm.s32 $0x108;
	_ =	swait.ge @!p0 [sflag:s8], $0x0  }
0x24: {  	s3 =	sadd.s32 $0x88, s3;
	s6 =	simm.s32 @!p1 $0x1082;
	[sflag:s4] =	ssyncset.s32 $0xFFFFF086  }
0x25: {  	[simem:s6], [sflag:s4] =	dma.local [hbm:s3], $0xF7A  }
0x26: {  	[smem:$0x3F9A] =	sst s1;
	(tag) =	ssettag s2;
	_ =	strace s9  }
0x27: {  	s1 =	sld [smem:$0x3FAA]  }
0x28: {  	s2 =	sld [smem:$0x3FAB]  }
0x29: {  	s4 =	sld [smem:$0x3FAD]  }
0x2a: {  	p0 =	seq.s32 s5, $0x0;
	s5 =	sld [smem:$0x3FAE]  }
0x2b: {  	s6 =	sld [smem:$0x3FAF]  }
0x2c: {  	s7 =	sld [smem:$0x3FB0]  }
0x2d: {  	s3 =	simm.s32 $0x108;
	s8 =	sld [smem:$0x3FB1]  }
0x2e: {  	s3 =	simm.s32 @!p0 $0x1082;
	s9 =	sld [smem:$0x3FB2]  }
0x2f: {  	lr =	sadd.s32 s0, s3;
	s0 =	sld [smem:$0x3FA9]  }
0x30: {  	s3 =	sld [smem:$0x3FAC]  }
0x31: {  	[smem:$0x3FB5] =	sst s10  }
0x32: {  	s10 =	sld [smem:$0x3FB3];
	_ =	sdelay $0x3  }
0x33: {  	p0 =	seq.s32 s10, $0x1;
	s10 =	sld [smem:$0x3FB5];
	_ =	sdelay $0x3  }
0x34: {  	[smem:$0x3FB5] =	sst s10  }
0x35: {  	s10 =	sld [smem:$0x3FB4];
	_ =	sdelay $0x3  }
0x36: {  	p1 =	seq.s32 s10, $0x1;
	s10 =	sld [smem:$0x3FB5];
	_ =	sdelay $0x3  }
0x37: {  	[smem:$0x3FB5] =	sst s10  }
0x38: {  	s10 =	sld [smem:$0x3FB6]  }
0x39: {  	_ = 	snop;
	(pc) =	sbr.ind lr, $3  }
0x3a: {  	_ = 	snop  }
0x3b: {  	_ = 	snop  }
0x3c: {  	p2 =	seq.s32 s10, $0x1;
	s10 =	sld [smem:$0x3FB5]  }
0x3d: {  	_ =	shalt  }
0x3e: {  	_ =	shalt  }
0x3f: {  	_ =	shalt  }
0x40: {  	_ =	shalt  }
0x41: {  	_ =	shalt  }
0x42: {  	_ =	shalt  }
0x43: {  	_ =	shalt  }
0x44: {  	_ =	shalt  }
0x45: {  	_ =	shalt  }
0x46: {  	_ =	shalt  }
0x47: {  	_ =	shalt  }
0x48: {  	_ =	shalt  }
0x49: {  	_ =	shalt  }
0x4a: {  	_ =	shalt  }
0x4b: {  	_ =	shalt  }
0x4c: {  	_ =	shalt  }
0x4d: {  	_ =	shalt  }
0x4e: {  	_ =	shalt  }
0x4f: {  	_ =	shalt  }
0x50: {  	_ =	shalt  }
0x51: {  	_ =	shalt  }
0x52: {  	_ =	shalt  }
0x53: {  	_ =	shalt  }
0x54: {  	_ =	shalt  }
0x55: {  	_ =	shalt  }
0x56: {  	_ =	shalt  }
0x57: {  	_ =	shalt  }
0x58: {  	_ =	shalt  }
0x59: {  	_ =	shalt  }
0x5a: {  	_ =	shalt  }
0x5b: {  	_ =	shalt  }
0x5c: {  	_ =	shalt  }
0x5d: {  	_ =	shalt  }
0x5e: {  	_ =	shalt  }
0x5f: {  	_ =	shalt  }
0x60: {  	_ =	shalt  }
0x61: {  	_ =	shalt  }
0x62: {  	_ =	shalt  }
0x63: {  	_ =	shalt  }
0x64: {  	_ =	shalt  }
0x65: {  	_ =	shalt  }
0x66: {  	_ =	shalt  }
0x67: {  	_ =	shalt  }
0x68: {  	_ =	shalt  }
0x69: {  	_ =	shalt  }
0x6a: {  	_ =	shalt  }
0x6b: {  	_ =	shalt  }
0x6c: {  	_ =	shalt  }
0x6d: {  	_ =	shalt  }
0x6e: {  	_ =	shalt  }
0x6f: {  	_ =	shalt  }
0x70: {  	_ =	shalt  }
0x71: {  	_ =	shalt  }
0x72: {  	_ =	shalt  }
0x73: {  	_ =	shalt  }
0x74: {  	_ =	shalt  }
0x75: {  	_ =	shalt  }
0x76: {  	_ =	shalt  }
0x77: {  	_ =	shalt  }
0x78: {  	_ =	shalt  }
0x79: {  	_ =	shalt  }
0x7a: {  	_ =	shalt  }
0x7b: {  	_ =	shalt  }
0x7c: {  	_ =	shalt  }
0x7d: {  	_ =	shalt  }
0x7e: {  	_ =	shalt  }
0x7f: {  	_ =	shalt  }
0x80: {  	_ =	shalt  }
0x81: {  	_ =	shalt  }
0x82: {  	_ =	shalt  }
0x83: {  	_ =	shalt  }
0x84: {  	_ =	shalt  }
0x85: {  	_ =	shalt  }
0x86: {  	_ =	shalt  }
0x87: {  	_ =	shalt  }
.Lfunc_end0:
.L_simem_size_0:
called_computation.2_lowered:
.L_overlay_start_0:
0x88: {  	s2 =	sld [smem:$0x3FD9]  }
0x89: {  	s3 =	sld [smem:$0x3FFE];
	_ =	sdelay $0x1  }
0x8a: {  	s1 =	srdreg.scid  }
0x8b: {  	s0 =	sand.u32 $0x1, s1  }
0x8c: {  	s17 =	sshll.u32 s0, $0xA;
	s2 =	sadd.s32 s3, s2  }
0x8d: {  	s2 =	sadd.s32 s2, s17  }
0x8e: {  	[smem:$0x3FC1] =	sst s2  }
0x8f: {  	_ = 	snop  }
0x90: {  	s2 =	sld [smem:$0x3FC7]  }
0x91: {  	s18 =	sld [smem:$0x3FD0];
	(tm) =	ssettm $0x1  }
0x92: {  	s4 =	sld [smem:$0x3FFB];
	_ =	sdelay $0x3  }
0x93: {  	_ =	strace s4  }
0x94: {  	s4 =	sld [smem:$0x3FFC];
	_ =	sdelay $0x3  }
0x95: {  	_ =	strace s4  }
0x96: {  	s4 =	sld [smem:$0x3FFD];
	_ =	sdelay $0x3  }
0x97: {  	_ =	strace s4  }
0x98: {  	_ =	strace $0x8FFFFFFF  }
0x99: {  	s19 =	sld [smem:$0x3FDB];
	_ =	sdelay $0x1  }
0x9a: {  	s5 =	simm.s32 $_scs_section_size  }
0x9b: {  	s6 =	simm.s32 $_size__tile_overlayer_lowered;
	s7 =	simm.s32 $_tile_overlayer_lowered  }
0x9c: {  	s22 =	simm.s32 $0x1BFF;
	s21 =	sshll.u32 s7, $0x1;
	s4 =	sadd.s32 s5, s19  }
0x9d: {  	s8 =	simm.s32 $0x0;
	s20 =	sshll.u32 s6, $0x1;
	s6 =	sadd.s32 s21, s4  }
0x9e: {  	[timem:s8], [sflag:s22] =	dma.local [hbm:s6], s20  }
0x9f: {  	_ =	swait.ge [sflag:s22], s20  }
0xa0: {  	s5 =	ssub.s32 $0x0, s20;
	[sflag:s22] =	ssyncset.done $0x0  }
0xa1: {  	[sflag:s22] =	ssyncadd.s32 s5;
	_ =	sdelay $0x1  }
0xa2: {  	s23 =	simm.s32 $0x1B8B  }
0xa3: {  	_ =	swait.ge [sflag:s23], $0x1  }
0xa4: {  	[sflag:s23] =	ssyncset.done $0x0  }
0xa5: {  	s25 =	simm.s32 $0x1B8E;
	s24 =	sld [smem:$0x3FFE];
	[sflag:s23] =	ssyncadd.s32 $0xFFFFFFFF  }
0xa6: {  	s26 =	simm.s32 $execute0_lowered;
	[smem:$0x3FD2] =	sst s25  }
0xa7: {  	s6 =	sshll.u32 s26, $0x1;
	_ =	strace $0x8000004C;
	[dreg:$0x1] =	wrdreg $0xFFFFFFFF  }
0xa8: {  	s28 =	simm.s32 $_size_execute0_lowered;
	s4 =	sadd.s32 s4, s6;
	[dreg:$0x0] =	wrdreg $0x0  }
0xa9: {  	s6 =	sshll.u32 s28, $0x1;
	[dreg:$0x2] =	wrdreg s4  }
0xaa: {  	[dreg:$0x3] =	wrdreg s6  }
0xab: {  	[dreg:$0x4] =	wrdreg $0xC0  }
0xac: {  	_ =	task [dreg:s8], $0x5FFFF  }
0xad: {  	[dreg:$0x1] =	wrdreg $0xFFFFFFFF  }
0xae: {  	[dreg:$0x0] =	wrdreg $0x60  }
0xaf: {  	[dreg:$0x2] =	wrdreg s18  }
0xb0: {  	[dreg:$0x3] =	wrdreg s24  }
0xb1: {  	[dreg:$0x4] =	wrdreg s2  }
0xb2: {  	[dreg:$0x5] =	wrdreg $0x154800  }
0xb3: {  	[dreg:$0x6] =	wrdreg $0x16D000  }
0xb4: {  	[dreg:$0x7] =	wrdreg $0x9  }
0xb5: {  	_ =	task.clear_ibuf [dreg:s8], $0x8FFFF;
	_ =	strace $0x9000004C  }
0xb6: {  	s29 =	simm.s32 $0x9;
	_ =	strace $0x8000004E  }
0xb7: {  	_ =	swait.ge [sflag:s29], $0x1  }
0xb8: {  	[sflag:s29] =	ssyncadd.s32 $0xFFFFFFFF  }
0xb9: {  	_ =	strace $0x9000004E  }
0xba: {  	_ =	sfence  }
0xbb: {  	s30 =	sld [smem:$0x0];
	_ =	sdelay $0x2  }
0xbc: {  	s31 =	sshll.u32 s1, $0xD;
	s1 =	sshrl.u32 s1, $0x2  }
0xbd: {  	s3 =	sand.u32 $0x4000, s31;
	s1 =	sadd.s32 s1, s30  }
0xbe: {  	s0 =	sor.u32 s3, s0;
	s1 =	sshll.u32 s1, $0x11  }
0xbf: {  	s0 =	sor.u32 s1, s0  }
0xc0: {  	s0 =	sadd.s32 $0x8F2B, s0  }
0xc1: {  	[sflag:s0] =	ssyncadd.remote.s32 $0x1  }
0xc2: {  	_ =	sfence.sel $0xFFFF  }
0xc3: {  	[dreg:$0x0] =	wrdreg $0xFFFFFFFF;
	(pc) =	sbr.abs _section_cstart, $3  }
0xc4: {  	[dreg:$0x1] =	wrdreg $0xFFFFFFFF  }
0xc5: {  	_ =	task.clear_ibuf [dreg:s8], $0x2FFFF;
	_ =	strace $0x9FFFFFFF  }
0xc6: {  	(tm) =	ssettm $0x7FFFFFFF  }
0xc7: {  	_ =	shalt  }
tec
execute0_lowered:
.L_overlay_start_1:
0x0: {  	(tag) =	ssettag $0x1  }
0x1: {  	s0 =	rddreg [dreg:$0x0]  }
0x2: {  	s3 =	rddreg [dreg:$0x1]  }
0x3: {  	s1 =	rddreg [dreg:$0x2]  }
0x4: {  	s2 =	rddreg [dreg:$0x3]  }
0x5: {  	s4 =	rddreg [dreg:$0x4]  }
0x6: {  	s5 =	simm.s32 $0x0;
	s6 =	srdreg.scid;
	s14 =	stileid.u32  }
0x7: {  	s28 =	simm.s32 $0x7680;
	s29 =	simm.s32 $0xC580;
	s30 =	simm.s32 $0x3  }
0x8: {  	s31 =	simm.s32 $0x2;
	[smem:$0x7FF] =	sst s5;
	s9 =	smul.u32 $0x3100, s14  }
0x9: {  	s8 =	sand.u32 $0x1, s6;
	s6 =	sadd.s32 $0x1E00, s3;
	s17 =	smul.u32 $0x1880, s14  }
0xa: {  	s7 =	sadd.s32 $0xC5400, s3;
	s12 =	smul.u32 $0x30D40, s14;
	s20 =	sshll.u32 s14, $0x6  }
0xb: {  	_ =	strace $0x8000004D;
	s10 =	sshll.u32 s8, $0x7;
	s11 =	ssub.s32 $0x2, s8  }
0xc: {  	s8 =	smul.u32 $0x30D400, s8;
	s9 =	sor.u32 s10, s9;
	s18 =	sshrl.u32 s11, $0x1  }
0xd: {  	s13 =	sadd.s32 s17, s2;
	s19 =	sshrl.u32 s17, $0x3;
	s10 =	sadd.s32 s17, s4  }
0xe: {  	s9 =	sshrl.u32 s9, $0x3;
	s11 =	ssub.s32 s11, s18;
	s0 =	sadd.s32 s0, s19  }
0xf: {  	s8 =	sadd.s32 s12, s8;
	s26 =	sshrl.u32 s13, $0x3;
	s19 =	simm.s32 $0x7  }
0x10: {  	s3 =	sadd.s32 s9, s3;
	[dreg:$0x6] =	wrdreg s0;
	s9 =	sor.u32 $0x1C07, s20  }
0x11: {  	s21 =	sshrl.u32 s8, $0x3;
	s14 =	sadd.s32 $0x2710, s8;
	s15 =	sadd.s32 $0x4E20, s8  }
0x12: {  	s25 =	smax.u32 s11, $0x1;
	[dreg:$0xc] =	wrdreg s26;
	s26 =	simm.s32 $0x2780  }
0x13: {  	s20 =	simm.s32 $0x5;
	s22 =	sadd.s32 s6, s21;
	[dreg:$0xb] =	wrdreg s25  }
0x14: {  	s8 =	simm.s32 $0x0;
	s23 =	sadd.s32 s7, s21;
	[dreg:$0x7] =	wrdreg s22  }
0x15: {  	s0 =	sadd.s32 s1, s21;
	s24 =	sadd.s32 $0x188A00, s3;
	[dreg:$0x8] =	wrdreg s23  }
0x16: {  	s21 =	simm.s32 $0x4F00;
	s25 =	simm.s32 $0xED00;
	[dreg:$0x9] =	wrdreg s0  }
0x17: {  	s3 =	simm.s32 $0x4;
	[dreg:$0xa] =	wrdreg s24;
	s23 =	simm.s32 $0x1  }
0x18: {  	v0 =	vimm.f32 $0.0e+00;
	s24 =	simm.s32 $0x2710;
	s0 =	simm.s32 $0x11480;
	s22 =	simm.s32 $0x6  }
.LBB2_1:
0x19: {  	s11 =	simm.s32 $0x40;
	s12 =	simm.s32 $0x0  }
.LBB2_2:
0x1a: {  	p0 =	sne.s32 s11, $0x61C0;
	[tilespmem:s12+$0x13C00] =	vst v0;
	s12 =	smov.u32 s11;
	s11 =	sadd.s32 $0x40, s11  }
.Ltmp0:
0x1b: {  	(pc) =	sbr.rel @p0 .LBB2_2-.Ltmp0, $2  }
0x1c: {  	_ =	sdelay $0x2  }
0x1d: {  	s12 =	sshra.s32 s12, $0x2  }
0x1e: {  	s11 =	rddreg [dreg:$0x6]  }
0x1f: {  	[tilespmem:s12+$0x13C00] =	vst v0;
	s18 =	rddreg [dreg:$0xc]  }
0x20: {  	[spmem:s18], [sflag:s9] =	dma.local [hbm:s11], $0x310  }
0x21: {  	_ =	swait.ge [sflag:s19], $0x310  }
0x22: {  	[sflag:s19] =	ssyncset.done $0x0  }
0x23: {  	s13 =	simm.s32 $0x13C00;
	[sflag:s19] =	ssyncadd.s32 $0xFFFFFCF0  }
0x24: {  	[spmem:s10] =	stream.linear.scatter [tilespmem:s13], [sflag:$0x7], $0x1880, $0x38;
	[tilespmem:$0x18580] =	vst v63  }
0x25: {  	_ =	swait.ge [sflag:s19], $0x1880  }
0x26: {  	[sflag:s19] =	ssyncset.done $0x0  }
0x27: {  	[sflag:s19] =	ssyncadd.s32 $0xFFFFE780  }
0x28: {  	[bflag:$0x0] =	sbarrier.arrive $0xFFFF  }
0x29: {  	s11 =	simm.s32 $0x0;
	s16 =	rddreg [dreg:$0x7]  }
0x2a: {  	[tilespmem:s11], [sflag:$0x1] =	stream.linear.gather [hbm4b:s16+s11], $0x2710, $0x38;
	[tilespmem:$0x18580] =	vst v63  }
0x2b: {  	s17 =	rddreg [dreg:$0x8]  }
0x2c: {  	[tilespmem:s21], [sflag:$0x1] =	stream.linear.gather [hbm4b:s17+s11], $0x2710, $0x38;
	[tilespmem:$0x18580] =	vst v63  }
0x2d: {  	s12 =	simm.s32 $0x0;
	s13 =	simm.s32 $0x9E00;
	s18 =	rddreg [dreg:$0x9]  }
0x2e: {  	[tilespmem:s13], [sflag:$0x1] =	stream.linear.gather [hbm4b:s18+s11], $0x2710, $0x38;
	[tilespmem:$0x18580] =	vst v63  }
.LBB2_4:
0x2f: {  	_ =	swait.ge [sflag:s23], $0x2710  }
0x30: {  	[sflag:s23] =	ssyncset.done $0x0  }
0x31: {  	[sflag:s23] =	ssyncadd.s32 $0xFFFFD8F0  }
0x32: {  	_ =	swait.ge [sflag:s23], $0x2710  }
0x33: {  	[sflag:s23] =	ssyncset.done $0x0  }
0x34: {  	[sflag:s23] =	ssyncadd.s32 $0xFFFFD8F0  }
0x35: {  	_ =	swait.ge [sflag:s23], $0x2710  }
0x36: {  	p0 =	seq.s32 s12, $0x0;
	[sflag:s23] =	ssyncset.done $0x0  }
0x37: {  	s13 =	smul.u32 $0x4E20, s12;
	s16 =	simm.s32 @!p0 $0x6;
	[sflag:s23] =	ssyncadd.s32 $0xFFFFD8F0  }
0x38: {  	[tilespmem:s25], [sflag:$0x3] =	stream.indirect.gather [spmem:s2], $0x1, s5, s24, $0xb8;
	[tilespmem:$0x18580] =	vst v63  }
0x39: {  	s17 =	sadd.s32 s13, s14;
	_ =	swait.ge @!p0 [sflag:s16], $0x2710  }
0x3a: {  	s17 =	sshrl.u32 s17, $0x3;
	[sflag:s16] =	ssyncset.done @!p0 $0x0  }
0x3b: {  	s18 =	sadd.s32 s6, s17;
	[sflag:s16] =	ssyncadd.s32 @!p0 $0xFFFFD8F0  }
0x3c: {  	[tilespmem:s26], [sflag:$0x2] =	stream.linear.gather [hbm4b:s18+s11], $0x2710, $0x38;
	[tilespmem:$0x18580] =	vst v63  }
0x3d: {  	s18 =	sadd.s32 s7, s17  }
0x3e: {  	[tilespmem:s28], [sflag:$0x2] =	stream.linear.gather [hbm4b:s18+s11], $0x2710, $0x38;
	[tilespmem:$0x18580] =	vst v63  }
0x3f: {  	s18 =	sadd.s32 s1, s17  }
0x40: {  	[tilespmem:s29], [sflag:$0x2] =	stream.linear.gather [hbm4b:s18+s11], $0x2710, $0x38;
	[tilespmem:$0x18580] =	vst v63  }
0x41: {  	_ =	swait.ge [sflag:s30], $0x2710  }
0x42: {  	[sflag:s30] =	ssyncset.done $0x0  }
0x43: {  	s16 =	simm.s32 $0x0;
	[sflag:s30] =	ssyncadd.s32 $0xFFFFD8F0  }
0x44: {  	v4 =	vld [tilespmem:s16+$0x9E00]  }
0x45: {  	v5 =	vld [tilespmem:s16+$0x9E10]  }
0x46: {  	v3 =	vld [tilespmem:s16+$0x9E20]  }
0x47: {  	v2 =	vld [tilespmem:s16+$0x9E30]  }
0x48: {  	v1 =	vld [tilespmem:s16+$0x9E40]  }
0x49: {  	v8 =	vld [tilespmem:s16+$0xED00]  }
0x4a: {  	v9 =	vld [tilespmem:s16+$0xED10]  }
0x4b: {  	v7 =	vld [tilespmem:s16+$0xED20]  }
0x4c: {  	s17 =	simm.s32 $0x140;
	v6 =	vld [tilespmem:s16+$0xED30]  }
.LBB2_5:
0x4d: {  	s18 =	sshra.s32 s17, $0x2;
	p0 =	sne.s32 s17, $0x9B00;
	v10 =	vld [tilespmem:s16+$0xED40]  }
0x4e: {  	v8 =	vmul.f32 v8, v4;
	v4 =	vld [tilespmem:s18+$0x9E00]  }
0x4f: {  	v9 =	vmul.f32 v9, v5;
	v5 =	vld [tilespmem:s18+$0x9E10]  }
0x50: {  	[tilespmem:s16+$0xED00] =	vst v8;
	v7 =	vmul.f32 v7, v3;
	v3 =	vld [tilespmem:s18+$0x9E20]  }
0x51: {  	[tilespmem:s16+$0xED10] =	vst v9;
	v6 =	vmul.f32 v6, v2;
	v2 =	vld [tilespmem:s18+$0x9E30]  }
.Ltmp1:
0x52: {  	[tilespmem:s16+$0xED20] =	vst v7;
	v7 =	vmul.f32 v10, v1;
	v1 =	vld [tilespmem:s18+$0x9E40];
	(pc) =	sbr.rel @p0 .LBB2_5-.Ltmp1, $4  }
0x53: {  	v8 =	vld [tilespmem:s18+$0xED00];
	[tilespmem:s16+$0xED30] =	vst v6  }
0x54: {  	v9 =	vld [tilespmem:s18+$0xED10];
	[tilespmem:s16+$0xED40] =	vst v7;
	s16 =	smov.u32 s18  }
0x55: {  	v7 =	vld [tilespmem:s16+$0xED20]  }
0x56: {  	s17 =	sadd.s32 $0x140, s17;
	v6 =	vld [tilespmem:s16+$0xED30]  }
0x57: {  	v10 =	vld [tilespmem:s16+$0xED40]  }
0x58: {  	v4 =	vmul.f32 v8, v4  }
0x59: {  	v5 =	vmul.f32 v9, v5  }
0x5a: {  	[tilespmem:s16+$0xED00] =	vst v4;
	v3 =	vmul.f32 v7, v3  }
0x5b: {  	[tilespmem:s16+$0xED10] =	vst v5;
	v2 =	vmul.f32 v6, v2  }
0x5c: {  	[tilespmem:s16+$0xED20] =	vst v3;
	v1 =	vmul.f32 v10, v1  }
0x5d: {  	[tilespmem:s16+$0xED30] =	vst v2  }
0x5e: {  	[tilespmem:s16+$0xED40] =	vst v1  }
0x5f: {  	[spmem:s4] =	stream.indirect.scatter.add.f32 [tilespmem:s25], [sflag:$0x5], $0x1, s21, s24, $0xb8;
	[tilespmem:$0x18580] =	vst v63  }
0x60: {  	_ =	swait.ge [sflag:s31], $0x2710  }
0x61: {  	[sflag:s31] =	ssyncset.done $0x0  }
0x62: {  	[sflag:s31] =	ssyncadd.s32 $0xFFFFD8F0  }
0x63: {  	_ =	swait.ge [sflag:s31], $0x2710  }
0x64: {  	[sflag:s31] =	ssyncset.done $0x0  }
0x65: {  	[sflag:s31] =	ssyncadd.s32 $0xFFFFD8F0  }
0x66: {  	_ =	swait.ge [sflag:s31], $0x2710  }
0x67: {  	p0 =	seq.s32 s12, $0x9;
	[sflag:s31] =	ssyncset.done $0x0  }
0x68: {  	s16 =	simm.s32 @!p0 $0x5;
	[sflag:s31] =	ssyncadd.s32 $0xFFFFD8F0  }
0x69: {  	[tilespmem:s0], [sflag:$0x4] =	stream.indirect.gather [spmem:s2], $0x1, s26, s24, $0xb8;
	[tilespmem:$0x18580] =	vst v63  }
0x6a: {  	s13 =	sadd.s32 @!p0 s13, s15;
	_ =	swait.ge @!p0 [sflag:s16], $0x2710  }
0x6b: {  	s13 =	sshrl.u32 @!p0 s13, $0x3;
	[sflag:s16] =	ssyncset.done @!p0 $0x0  }
0x6c: {  	s17 =	simm.s32 @!p0 $0x0;
	[sflag:s16] =	ssyncadd.s32 @!p0 $0xFFFFD8F0;
	s16 =	sadd.s32 @!p0 s6, s13  }
0x6d: {  	[tilespmem:s17], [sflag:$0x1] =	stream.linear.gather @!p0 [hbm4b:s16+s17], $0x2710, $0x38;
	[tilespmem:$0x18580] =	vst v63  }
0x6e: {  	s18 =	simm.s32 @!p0 $0x4F00;
	s16 =	sadd.s32 @!p0 s7, s13  }
0x6f: {  	[tilespmem:s18], [sflag:$0x1] =	stream.linear.gather @!p0 [hbm4b:s16+s17], $0x2710, $0x38;
	[tilespmem:$0x18580] =	vst v63  }
0x70: {  	s13 =	sadd.s32 @!p0 s1, s13;
	s16 =	simm.s32 @!p0 $0x9E00  }
0x71: {  	[tilespmem:s16], [sflag:$0x1] =	stream.linear.gather @!p0 [hbm4b:s13+s17], $0x2710, $0x38;
	[tilespmem:$0x18580] =	vst v63  }
0x72: {  	_ =	swait.ge [sflag:s3], $0x2710  }
0x73: {  	[sflag:s3] =	ssyncset.done $0x0  }
0x74: {  	s13 =	simm.s32 $0x0;
	[sflag:s3] =	ssyncadd.s32 $0xFFFFD8F0  }
0x75: {  	v4 =	vld [tilespmem:s13+$0xC580]  }
0x76: {  	v5 =	vld [tilespmem:s13+$0xC590]  }
0x77: {  	v3 =	vld [tilespmem:s13+$0xC5A0]  }
0x78: {  	v2 =	vld [tilespmem:s13+$0xC5B0]  }
0x79: {  	v1 =	vld [tilespmem:s13+$0xC5C0]  }
0x7a: {  	v8 =	vld [tilespmem:s13+$0x11480]  }
0x7b: {  	v9 =	vld [tilespmem:s13+$0x11490]  }
0x7c: {  	v7 =	vld [tilespmem:s13+$0x114A0]  }
0x7d: {  	s16 =	simm.s32 $0x140;
	v6 =	vld [tilespmem:s13+$0x114B0]  }
.LBB2_7:
0x7e: {  	s17 =	sshra.s32 s16, $0x2;
	p0 =	sne.s32 s16, $0x9B00;
	v10 =	vld [tilespmem:s13+$0x114C0]  }
0x7f: {  	v8 =	vmul.f32 v8, v4;
	v4 =	vld [tilespmem:s17+$0xC580]  }
0x80: {  	v9 =	vmul.f32 v9, v5;
	v5 =	vld [tilespmem:s17+$0xC590]  }
0x81: {  	[tilespmem:s13+$0x11480] =	vst v8;
	v7 =	vmul.f32 v7, v3;
	v3 =	vld [tilespmem:s17+$0xC5A0]  }
0x82: {  	[tilespmem:s13+$0x11490] =	vst v9;
	v6 =	vmul.f32 v6, v2;
	v2 =	vld [tilespmem:s17+$0xC5B0]  }
.Ltmp2:
0x83: {  	[tilespmem:s13+$0x114A0] =	vst v7;
	v7 =	vmul.f32 v10, v1;
	v1 =	vld [tilespmem:s17+$0xC5C0];
	(pc) =	sbr.rel @p0 .LBB2_7-.Ltmp2, $4  }
0x84: {  	v8 =	vld [tilespmem:s17+$0x11480];
	[tilespmem:s13+$0x114B0] =	vst v6  }
0x85: {  	v9 =	vld [tilespmem:s17+$0x11490];
	[tilespmem:s13+$0x114C0] =	vst v7;
	s13 =	smov.u32 s17  }
0x86: {  	v7 =	vld [tilespmem:s13+$0x114A0]  }
0x87: {  	s16 =	sadd.s32 $0x140, s16;
	v6 =	vld [tilespmem:s13+$0x114B0]  }
0x88: {  	v10 =	vld [tilespmem:s13+$0x114C0]  }
0x89: {  	v4 =	vmul.f32 v8, v4  }
0x8a: {  	s12 =	sadd.s32 $0x1, s12;
	v5 =	vmul.f32 v9, v5  }
0x8b: {  	p0 =	sne.s32 s12, $0xA;
	[tilespmem:s13+$0x11480] =	vst v4;
	v3 =	vmul.f32 v7, v3  }
.Ltmp3:
0x8c: {  	[tilespmem:s13+$0x11490] =	vst v5;
	v2 =	vmul.f32 v6, v2;
	(pc) =	sbr.rel @p0 .LBB2_4-.Ltmp3, $4  }
0x8d: {  	[tilespmem:s13+$0x114A0] =	vst v3;
	v1 =	vmul.f32 v10, v1  }
0x8e: {  	[tilespmem:s13+$0x114B0] =	vst v2  }
0x8f: {  	[tilespmem:s13+$0x114C0] =	vst v1  }
0x90: {  	[spmem:s4] =	stream.indirect.scatter.add.f32 [tilespmem:s0], [sflag:$0x6], $0x1, s28, s24, $0xb8;
	[tilespmem:$0x18580] =	vst v63  }
0x91: {  	_ =	swait.ge [sflag:s20], $0x2710  }
0x92: {  	[sflag:s20] =	ssyncset.done $0x0  }
0x93: {  	[sflag:s20] =	ssyncadd.s32 $0xFFFFD8F0  }
0x94: {  	_ =	swait.ge [sflag:s22], $0x2710  }
0x95: {  	[sflag:s22] =	ssyncset.done $0x0  }
0x96: {  	[sflag:s22] =	ssyncadd.s32 $0xFFFFD8F0  }
0x97: {  	s11 =	sshrl.u32 s10, $0x3;
	[bflag:$0x0] =	sbarrier.arrive $0xFFFF  }
0x98: {  	s13 =	simm.s32 $0x20;
	s16 =	simm.s32 $0x10;
	s12 =	rddreg [dreg:$0xa]  }
0x99: {  	[hbm:s12@s13], [sflag:s9] =	dma.strided [spmem:s11@s16], $0x310, s23, $0x10   }
0x9a: {  	_ =	swait.ge [sflag:s19], $0x310  }
0x9b: {  	s8 =	sadd.s32 $0x1, s8;
	s18 =	rddreg [dreg:$0xb]  }
0x9c: {  	p0 =	sne.s32 s8, s18  }
.Ltmp4:
0x9d: {  	_ = 	snop;
	(pc) =	sbr.rel @p0 .LBB2_1-.Ltmp4, $3  }
0x9e: {  	_ =	sdelay $0x1  }
0x9f: {  	[sflag:s19] =	ssyncset.done $0x0  }
0xa0: {  	[sflag:s19] =	ssyncadd.s32 $0xFFFFFCF0  }
0xa1: {  	_ =	sfence.sel $0x180000  }
0xa2: {  	[bflag:$0x0] =	sbarrier.arrive $0xFFFF  }
0xa3: {  	_ =	strace $0x9000004D  }
0xa4: {  	s0 =	stileid.u32;
	[bflag:$0x2] =	sbarrier.arrive $0xFFFF  }
0xa5: {  	p0 =	sne.s32 s0, $0x0;
	s0 =	rddreg [dreg:$0x5]  }
0xa6: {  	s0 =	sadd.s32 @!p0 $0x100000, s0  }
0xa7: {  	[sflag:s0] =	ssyncadd.tile.s32 @!p0 $0x1;
	_ =	shalt  }
.Lfunc_end2:
_tile_overlayer_lowered:
.L_overlay_start_2:
0xa8: {  	(tag) =	ssettag $0x2  }
0xa9: {  	s0 =	rddreg [dreg:$0x0];
	s2 =	stileid.u32  }
0xaa: {  	s1 =	rddreg [dreg:$0x1];
	p0 =	sne.s32 s2, $0x0  }
0xab: {  	s3 =	rddreg [dreg:$0x2];
	[bflag:$0x3] =	sbarrier.arrive $0xFFFF;
	s2 =	simm.s32 @!p0 $0x1C07  }
0xac: {  	[timem:s3], [sflag:s2] =	dma.local @!p0 [hbm:s0], s1  }
0xad: {  	s0 =	simm.s32 @!p0 $0x7  }
0xae: {  	_ =	swait.ge @!p0 [sflag:s0], s1  }
0xaf: {  	s1 =	ssub.s32 @!p0 $0x0, s1;
	[sflag:s0] =	ssyncset.done @!p0 $0x0  }
0xb0: {  	[sflag:s0] =	ssyncadd.s32 @!p0 s1  }
0xb1: {  	[bflag:$0x3] =	sbarrier.arrive $0xFFFF  }
0xb2: {  	_ =	shalt  }

// kernel: kernel.8.cloned.1.call-start
scs
__scs_entry_jumppad:
0x0: {  	(pc) =	sbr.rel $0x88, $3  }
0x1: {  	(tag) =	ssettag $0x0;
	lr =	simm.s32 $0x1  }
0x2: {  	[smem:$0x3F9A] =	sst lr;
	_ =	strace $0xD0000000  }
0x3: {  	_ = 	snop  }
0x4: {  	_ = 	snop  }
0x5: {  	_ = 	snop  }
0x6: {  	_ = 	snop  }
0x7: {  	_ = 	snop  }
__scs_overlays_trampoline_lowered:
0x8: {  	[smem:$0x3FA9] =	sst s0  }
0x9: {  	[smem:$0x3FAA] =	sst s1  }
0xa: {  	[smem:$0x3FAB] =	sst s2  }
0xb: {  	[smem:$0x3FAC] =	sst s3  }
0xc: {  	[smem:$0x3FAD] =	sst s4  }
0xd: {  	[smem:$0x3FAE] =	sst s5  }
0xe: {  	[smem:$0x3FAF] =	sst s6  }
0xf: {  	[smem:$0x3FB0] =	sst s7  }
0x10: {  	[smem:$0x3FB1] =	sst s8  }
0x11: {  	[smem:$0x3FB2] =	sst s9;
	s0 =	simm.s32 @!p0 $0x0  }
0x12: {  	s1 =	sld [smem:$0x3F98];
	s0 =	simm.s32 @p0 $0x1  }
0x13: {  	[smem:$0x3FB3] =	sst s0;
	s0 =	simm.s32 @!p1 $0x0  }
0x14: {  	s2 =	sld [smem:$0x3F97];
	s0 =	simm.s32 @p1 $0x1  }
0x15: {  	[smem:$0x3FB4] =	sst s0;
	s0 =	simm.s32 @!p2 $0x0  }
0x16: {  	s3 =	sld [smem:$0x3FDB];
	s0 =	simm.s32 @p2 $0x1  }
0x17: {  	s4 =	simm.s32 $0x1BF5;
	[smem:$0x3FB6] =	sst s0  }
0x18: {  	s0 =	sld [smem:$0x3F99];
	_ =	swait.ge [sflag:s4], $0x0  }
0x19: {  	s7 =	sld [smem:$0x3F9A]  }
0x1a: {  	s8 =	sadd.s32 $0xFFFFE003, lr  }
0x1b: {  	s9 =	sadd.s32 $0xFFFFFEF7, lr;
	s5 =	simm.s32 $0xFFFFFFFF;
	p2 =	slt.u32 s8, $0xFFFFF086  }
0x1c: {  	p1 =	slt.u32 s9, $0xF7A;
	s5 =	simm.s32 @!p2 $0x0  }
0x1d: {  	s5 =	simm.s32 @p1 $0x1;
	p0 =	seq.s32 s7, s2  }
0x1e: {  	s7 =	smul.u32 @!p0 $0xF7A, s2;
	p2 =	seq.s32 @!p0 s5, $0x0  }
0x1f: {  	s9 =	smul.u32 $0xF7A, s1;
	s8 =	simm.s32 @!p0 $0x1BF5;
	p2 =	por !p2, p0  }
0x20: {  	[sflag:s8] =	ssyncset.s32 @!p0 $0xFFFFF086;
	s6 =	sadd.s32 @!p0 s3, s7;
	s7 =	simm.s32 @!p0 $0x108  }
0x21: {  	s3 =	sadd.s32 s3, s9;
	s6 =	sadd.s32 @!p0 $0x88, s6;
	s7 =	simm.s32 @p2 $0x1082  }
0x22: {  	[simem:s7], [sflag:s8] =	dma.local @!p0 [hbm:s6], $0xF7A  }
0x23: {  	s9 =	sor.u32 $0xD0000000, s2;
	s6 =	simm.s32 $0x108;
	_ =	swait.ge @!p0 [sflag:s8], $0x0  }
0x24: {  	s3 =	sadd.s32 $0x88, s3;
	s6 =	simm.s32 @!p1 $0x1082;
	[sflag:s4] =	ssyncset.s32 $0xFFFFF086  }
0x25: {  	[simem:s6], [sflag:s4] =	dma.local [hbm:s3], $0xF7A  }
0x26: {  	[smem:$0x3F9A] =	sst s1;
	(tag) =	ssettag s2;
	_ =	strace s9  }
0x27: {  	s1 =	sld [smem:$0x3FAA]  }
0x28: {  	s2 =	sld [smem:$0x3FAB]  }
0x29: {  	s4 =	sld [smem:$0x3FAD]  }
0x2a: {  	p0 =	seq.s32 s5, $0x0;
	s5 =	sld [smem:$0x3FAE]  }
0x2b: {  	s6 =	sld [smem:$0x3FAF]  }
0x2c: {  	s7 =	sld [smem:$0x3FB0]  }
0x2d: {  	s3 =	simm.s32 $0x108;
	s8 =	sld [smem:$0x3FB1]  }
0x2e: {  	s3 =	simm.s32 @!p0 $0x1082;
	s9 =	sld [smem:$0x3FB2]  }
0x2f: {  	lr =	sadd.s32 s0, s3;
	s0 =	sld [smem:$0x3FA9]  }
0x30: {  	s3 =	sld [smem:$0x3FAC]  }
0x31: {  	[smem:$0x3FB5] =	sst s10  }
0x32: {  	s10 =	sld [smem:$0x3FB3];
	_ =	sdelay $0x3  }
0x33: {  	p0 =	seq.s32 s10, $0x1;
	s10 =	sld [smem:$0x3FB5];
	_ =	sdelay $0x3  }
0x34: {  	[smem:$0x3FB5] =	sst s10  }
0x35: {  	s10 =	sld [smem:$0x3FB4];
	_ =	sdelay $0x3  }
0x36: {  	p1 =	seq.s32 s10, $0x1;
	s10 =	sld [smem:$0x3FB5];
	_ =	sdelay $0x3  }
0x37: {  	[smem:$0x3FB5] =	sst s10  }
0x38: {  	s10 =	sld [smem:$0x3FB6]  }
0x39: {  	_ = 	snop;
	(pc) =	sbr.ind lr, $3  }
0x3a: {  	_ = 	snop  }
0x3b: {  	_ = 	snop  }
0x3c: {  	p2 =	seq.s32 s10, $0x1;
	s10 =	sld [smem:$0x3FB5]  }
0x3d: {  	_ =	shalt  }
0x3e: {  	_ =	shalt  }
0x3f: {  	_ =	shalt  }
0x40: {  	_ =	shalt  }
0x41: {  	_ =	shalt  }
0x42: {  	_ =	shalt  }
0x43: {  	_ =	shalt  }
0x44: {  	_ =	shalt  }
0x45: {  	_ =	shalt  }
0x46: {  	_ =	shalt  }
0x47: {  	_ =	shalt  }
0x48: {  	_ =	shalt  }
0x49: {  	_ =	shalt  }
0x4a: {  	_ =	shalt  }
0x4b: {  	_ =	shalt  }
0x4c: {  	_ =	shalt  }
0x4d: {  	_ =	shalt  }
0x4e: {  	_ =	shalt  }
0x4f: {  	_ =	shalt  }
0x50: {  	_ =	shalt  }
0x51: {  	_ =	shalt  }
0x52: {  	_ =	shalt  }
0x53: {  	_ =	shalt  }
0x54: {  	_ =	shalt  }
0x55: {  	_ =	shalt  }
0x56: {  	_ =	shalt  }
0x57: {  	_ =	shalt  }
0x58: {  	_ =	shalt  }
0x59: {  	_ =	shalt  }
0x5a: {  	_ =	shalt  }
0x5b: {  	_ =	shalt  }
0x5c: {  	_ =	shalt  }
0x5d: {  	_ =	shalt  }
0x5e: {  	_ =	shalt  }
0x5f: {  	_ =	shalt  }
0x60: {  	_ =	shalt  }
0x61: {  	_ =	shalt  }
0x62: {  	_ =	shalt  }
0x63: {  	_ =	shalt  }
0x64: {  	_ =	shalt  }
0x65: {  	_ =	shalt  }
0x66: {  	_ =	shalt  }
0x67: {  	_ =	shalt  }
0x68: {  	_ =	shalt  }
0x69: {  	_ =	shalt  }
0x6a: {  	_ =	shalt  }
0x6b: {  	_ =	shalt  }
0x6c: {  	_ =	shalt  }
0x6d: {  	_ =	shalt  }
0x6e: {  	_ =	shalt  }
0x6f: {  	_ =	shalt  }
0x70: {  	_ =	shalt  }
0x71: {  	_ =	shalt  }
0x72: {  	_ =	shalt  }
0x73: {  	_ =	shalt  }
0x74: {  	_ =	shalt  }
0x75: {  	_ =	shalt  }
0x76: {  	_ =	shalt  }
0x77: {  	_ =	shalt  }
0x78: {  	_ =	shalt  }
0x79: {  	_ =	shalt  }
0x7a: {  	_ =	shalt  }
0x7b: {  	_ =	shalt  }
0x7c: {  	_ =	shalt  }
0x7d: {  	_ =	shalt  }
0x7e: {  	_ =	shalt  }
0x7f: {  	_ =	shalt  }
0x80: {  	_ =	shalt  }
0x81: {  	_ =	shalt  }
0x82: {  	_ =	shalt  }
0x83: {  	_ =	shalt  }
0x84: {  	_ =	shalt  }
0x85: {  	_ =	shalt  }
0x86: {  	_ =	shalt  }
0x87: {  	_ =	shalt  }
.Lfunc_end0:
.L_simem_size_0:
called_computation_lowered:
.L_overlay_start_0:
0x88: {  	s2 =	sld [smem:$0x3FD9]  }
0x89: {  	s3 =	sld [smem:$0x3FFE];
	_ =	sdelay $0x1  }
0x8a: {  	s1 =	srdreg.scid  }
0x8b: {  	s0 =	sand.u32 $0x1, s1  }
0x8c: {  	s17 =	sshll.u32 s0, $0xA;
	s2 =	sadd.s32 s3, s2  }
0x8d: {  	s2 =	sadd.s32 s2, s17  }
0x8e: {  	[smem:$0x3FC1] =	sst s2  }
0x8f: {  	_ = 	snop  }
0x90: {  	s2 =	sld [smem:$0x3FC7];
	(tm) =	ssettm $0x1  }
0x91: {  	s18 =	sld [smem:$0x3FFB];
	_ =	sdelay $0x3  }
0x92: {  	_ =	strace s18  }
0x93: {  	s3 =	sld [smem:$0x3FFC];
	_ =	sdelay $0x3  }
0x94: {  	_ =	strace s3  }
0x95: {  	s3 =	sld [smem:$0x3FFD];
	_ =	sdelay $0x3  }
0x96: {  	_ =	strace s3  }
0x97: {  	_ =	strace $0x8FFFFFFF  }
0x98: {  	s19 =	sld [smem:$0x3FDB];
	_ =	sdelay $0x1  }
0x99: {  	s4 =	simm.s32 $_scs_section_size  }
0x9a: {  	s5 =	simm.s32 $_size__tile_overlayer_lowered;
	s6 =	simm.s32 $_tile_overlayer_lowered  }
0x9b: {  	s22 =	simm.s32 $0x1BFF;
	s21 =	sshll.u32 s6, $0x1;
	s3 =	sadd.s32 s4, s19  }
0x9c: {  	s7 =	simm.s32 $0x0;
	s20 =	sshll.u32 s5, $0x1;
	s5 =	sadd.s32 s21, s3  }
0x9d: {  	[timem:s7], [sflag:s22] =	dma.local [hbm:s5], s20  }
0x9e: {  	_ =	swait.ge [sflag:s22], s20  }
0x9f: {  	s4 =	ssub.s32 $0x0, s20;
	[sflag:s22] =	ssyncset.done $0x0  }
0xa0: {  	[sflag:s22] =	ssyncadd.s32 s4;
	_ =	sdelay $0x1  }
0xa1: {  	s23 =	simm.s32 $0x1B8B  }
0xa2: {  	_ =	swait.ge [sflag:s23], $0x1  }
0xa3: {  	[sflag:s23] =	ssyncset.done $0x0  }
0xa4: {  	s25 =	simm.s32 $0x1B8E;
	s24 =	sld [smem:$0x3FFE];
	[sflag:s23] =	ssyncadd.s32 $0xFFFFFFFF  }
0xa5: {  	s26 =	simm.s32 $execute0_lowered;
	[smem:$0x3FD2] =	sst s25  }
0xa6: {  	s5 =	sshll.u32 s26, $0x1;
	_ =	strace $0x80000046;
	[dreg:$0x1] =	wrdreg $0xFFFFFFFF  }
0xa7: {  	s28 =	simm.s32 $_size_execute0_lowered;
	s3 =	sadd.s32 s3, s5;
	[dreg:$0x0] =	wrdreg $0x0  }
0xa8: {  	s5 =	sshll.u32 s28, $0x1;
	[dreg:$0x2] =	wrdreg s3  }
0xa9: {  	[dreg:$0x3] =	wrdreg s5  }
0xaa: {  	[dreg:$0x4] =	wrdreg $0xC0  }
0xab: {  	_ =	task [dreg:s7], $0x5FFFF  }
0xac: {  	[dreg:$0x1] =	wrdreg $0xFFFFFFFF  }
0xad: {  	[dreg:$0x0] =	wrdreg $0x60  }
0xae: {  	[dreg:$0x2] =	wrdreg s24  }
0xaf: {  	[dreg:$0x3] =	wrdreg s2  }
0xb0: {  	[dreg:$0x4] =	wrdreg $0xB6800  }
0xb1: {  	[dreg:$0x5] =	wrdreg $0x9  }
0xb2: {  	_ =	task.clear_ibuf [dreg:s7], $0x6FFFF;
	_ =	strace $0x90000046  }
0xb3: {  	s29 =	simm.s32 $0x9;
	_ =	strace $0x80000048  }
0xb4: {  	_ =	swait.ge [sflag:s29], $0x1  }
0xb5: {  	[sflag:s29] =	ssyncadd.s32 $0xFFFFFFFF  }
0xb6: {  	_ =	strace $0x90000048  }
0xb7: {  	_ =	sfence  }
0xb8: {  	s30 =	sld [smem:$0x0];
	_ =	sdelay $0x2  }
0xb9: {  	s31 =	sshll.u32 s1, $0xD;
	s1 =	sshrl.u32 s1, $0x2  }
0xba: {  	s3 =	sand.u32 $0x4000, s31;
	s1 =	sadd.s32 s1, s30  }
0xbb: {  	s0 =	sor.u32 s3, s0;
	s1 =	sshll.u32 s1, $0x11  }
0xbc: {  	s0 =	sor.u32 s1, s0  }
0xbd: {  	s0 =	sadd.s32 $0x8F2B, s0  }
0xbe: {  	[sflag:s0] =	ssyncadd.remote.s32 $0x1  }
0xbf: {  	_ =	sfence.sel $0xFFFF  }
0xc0: {  	[dreg:$0x0] =	wrdreg $0xFFFFFFFF;
	(pc) =	sbr.abs _section_cstart, $3  }
0xc1: {  	[dreg:$0x1] =	wrdreg $0xFFFFFFFF  }
0xc2: {  	_ =	task.clear_ibuf [dreg:s7], $0x2FFFF;
	_ =	strace $0x9FFFFFFF  }
0xc3: {  	(tm) =	ssettm $0x7FFFFFFF  }
tec
execute0_lowered:
.L_overlay_start_1:
0x0: {  	(tag) =	ssettag $0x1  }
0x1: {  	s0 =	rddreg [dreg:$0x0]  }
0x2: {  	s15 =	rddreg [dreg:$0x1]  }
0x3: {  	s2 =	rddreg [dreg:$0x2]  }
0x4: {  	s4 =	srdreg.scid;
	s1 =	stileid.u32;
	s3 =	simm.s32 $0x0  }
0x5: {  	s18 =	simm.s32 $0x5;
	s19 =	simm.s32 $0x4F00;
	s20 =	simm.s32 $0x1  }
0x6: {  	s28 =	simm.s32 $0x20;
	s29 =	simm.s32 $0x10;
	s5 =	smul.u32 $0x3100, s1  }
0x7: {  	s30 =	simm.s32 $0x0;
	s4 =	sand.u32 $0x1, s4;
	s21 =	smul.u32 $0x30D40, s1  }
0x8: {  	[smem:$0x7FF] =	sst s3;
	s16 =	sadd.s32 $0xC5400, s0;
	s8 =	smul.u32 $0x6200, s1  }
0x9: {  	s6 =	sshll.u32 s4, $0x7;
	s7 =	smul.u32 $0x30D400, s4;
	s4 =	ssub.s32 $0x2, s4  }
0xa: {  	_ =	strace $0x80000047;
	s5 =	sor.u32 s6, s5;
	s22 =	sshrl.u32 s4, $0x1  }
0xb: {  	s23 =	sshrl.u32 s8, $0x2;
	s5 =	sshrl.u32 s5, $0x3;
	s13 =	sadd.s32 s21, s7  }
0xc: {  	s24 =	ssub.s32 s4, s22;
	s4 =	sadd.s32 s23, s2;
	s21 =	simm.s32 $0x2780  }
0xd: {  	s22 =	simm.s32 $0x7680;
	s23 =	simm.s32 $0x2710;
	s0 =	sadd.s32 s5, s0  }
0xe: {  	s10 =	sshrl.u32 s13, $0x3;
	s8 =	smax.u32 s24, $0x1;
	s26 =	sadd.s32 $0x9C40, s13  }
0xf: {  	s17 =	sadd.s32 $0x7530, s13;
	s24 =	simm.s32 $0x2;
	s5 =	sadd.s32 s16, s10  }
0x10: {  	s6 =	sadd.s32 s15, s10;
	s7 =	sadd.s32 $0x188A00, s0;
	s25 =	sadd.s32 $0x4E2, s10  }
.Ltmp0:
0x11: {  	s12 =	sadd.s32 $0x9C4, s10;
	s0 =	sshrl.u32 s26, $0x3;
	(pc) =	sbr.rel .LBB2_1-.Ltmp0, $4  }
0x12: {  	s31 =	sshrl.u32 s17, $0x3;
	s17 =	simm.s32 $0x9E00;
	s26 =	simm.s32 $0x4  }
0x13: {  	s9 =	sadd.s32 s16, s25;
	s10 =	sadd.s32 s15, s25;
	s11 =	sadd.s32 s16, s12  }
0x14: {  	s12 =	sadd.s32 s15, s12;
	s13 =	sadd.s32 s0, s15;
	s14 =	sadd.s32 s0, s16  }
0x15: {  	v0 =	vimm.f32 $0.0e+00;
	s15 =	sadd.s32 s31, s15;
	s16 =	sadd.s32 s31, s16;
	s25 =	simm.s32 $0x3  }
.LBB2_6:
0x16: {  	[spmem:s2] =	stream.indirect.scatter.add.f32 [tilespmem:s22], [sflag:$0x4], $0x1, s21, s23, $0xb8;
	[tilespmem:$0xCF00] =	vst v63  }
0x17: {  	_ =	swait.ge [sflag:s25], $0x2710  }
0x18: {  	[sflag:s25] =	ssyncset.done $0x0  }
0x19: {  	[sflag:s25] =	ssyncadd.s32 $0xFFFFD8F0  }
0x1a: {  	_ =	swait.ge [sflag:s26], $0x2710  }
0x1b: {  	s0 =	sshll.u32 s1, $0x6;
	s30 =	sadd.s32 $0x1, s30;
	[sflag:s26] =	ssyncset.done $0x0  }
0x1c: {  	s31 =	sshrl.u32 s4, $0x3;
	p0 =	sne.s32 s30, s8;
	[sflag:s26] =	ssyncadd.s32 $0xFFFFD8F0  }
.Ltmp1:
0x1d: {  	s0 =	sor.u32 $0x1C05, s0;
	[bflag:$0x0] =	sbarrier.arrive $0xFFFF;
	(pc) =	sbr.rel @!p0 .LBB2_7-.Ltmp1, $4  }
0x1e: {  	[hbm:s7@s28], [sflag:s0] =	dma.strided [spmem:s31@s29], $0x310, s20, $0x10   }
0x1f: {  	_ =	swait.ge [sflag:s18], $0x310  }
0x20: {  	[sflag:s18] =	ssyncset.done $0x0  }
0x21: {  	[sflag:s18] =	ssyncadd.s32 $0xFFFFFCF0  }
.LBB2_1:
0x22: {  	s31 =	simm.s32 $0x40;
	s0 =	simm.s32 $0x0  }
.LBB2_2:
0x23: {  	p0 =	sne.s32 s31, $0x61C0;
	[tilespmem:s0+$0x9E00] =	vst v0;
	s0 =	smov.u32 s31;
	s31 =	sadd.s32 $0x40, s31  }
.Ltmp2:
0x24: {  	(pc) =	sbr.rel @p0 .LBB2_2-.Ltmp2, $2  }
0x25: {  	_ =	sdelay $0x2  }
0x26: {  	s0 =	sshra.s32 s0, $0x2  }
0x27: {  	[tilespmem:s0+$0x9E00] =	vst v0  }
0x28: {  	[spmem:s4] =	stream.linear.scatter [tilespmem:s17], [sflag:$0x5], $0x1880, $0x38;
	[tilespmem:$0xCF00] =	vst v63  }
0x29: {  	_ =	swait.ge [sflag:s18], $0x1880  }
0x2a: {  	[sflag:s18] =	ssyncset.done $0x0  }
0x2b: {  	[sflag:s18] =	ssyncadd.s32 $0xFFFFE780  }
0x2c: {  	s31 =	simm.s32 $0x0;
	[bflag:$0x0] =	sbarrier.arrive $0xFFFF  }
0x2d: {  	[tilespmem:s31], [sflag:$0x1] =	stream.linear.gather [hbm4b:s5+s31], $0x2710, $0x38;
	[tilespmem:$0xCF00] =	vst v63  }
0x2e: {  	_ = 	snop  }
0x2f: {  	[tilespmem:s19], [sflag:$0x1] =	stream.linear.gather [hbm4b:s6+s31], $0x2710, $0x38;
	[tilespmem:$0xCF00] =	vst v63  }
0x30: {  	_ =	swait.ge [sflag:s20], $0x2710  }
0x31: {  	[sflag:s20] =	ssyncset.done $0x0  }
0x32: {  	[sflag:s20] =	ssyncadd.s32 $0xFFFFD8F0  }
0x33: {  	_ =	swait.ge [sflag:s20], $0x2710  }
0x34: {  	[sflag:s20] =	ssyncset.done $0x0  }
0x35: {  	[sflag:s20] =	ssyncadd.s32 $0xFFFFD8F0  }
0x36: {  	[tilespmem:s21], [sflag:$0x2] =	stream.linear.gather [hbm4b:s9+s31], $0x2710, $0x38;
	[tilespmem:$0xCF00] =	vst v63  }
0x37: {  	_ = 	snop  }
0x38: {  	[tilespmem:s22], [sflag:$0x2] =	stream.linear.gather [hbm4b:s10+s31], $0x2710, $0x38;
	[tilespmem:$0xCF00] =	vst v63  }
0x39: {  	_ = 	snop  }
0x3a: {  	[spmem:s2] =	stream.indirect.scatter.add.f32 [tilespmem:s19], [sflag:$0x3], $0x1, s31, s23, $0xb8;
	[tilespmem:$0xCF00] =	vst v63  }
0x3b: {  	_ =	swait.ge [sflag:s24], $0x2710  }
0x3c: {  	[sflag:s24] =	ssyncset.done $0x0  }
0x3d: {  	[sflag:s24] =	ssyncadd.s32 $0xFFFFD8F0  }
0x3e: {  	_ =	swait.ge [sflag:s24], $0x2710  }
0x3f: {  	[sflag:s24] =	ssyncset.done $0x0  }
0x40: {  	[sflag:s24] =	ssyncadd.s32 $0xFFFFD8F0  }
0x41: {  	_ =	swait.ge [sflag:s25], $0x2710  }
0x42: {  	[sflag:s25] =	ssyncset.done $0x0  }
0x43: {  	[sflag:s25] =	ssyncadd.s32 $0xFFFFD8F0  }
0x44: {  	[tilespmem:s31], [sflag:$0x1] =	stream.linear.gather [hbm4b:s11+s31], $0x2710, $0x38;
	[tilespmem:$0xCF00] =	vst v63  }
0x45: {  	_ = 	snop  }
0x46: {  	[tilespmem:s19], [sflag:$0x1] =	stream.linear.gather [hbm4b:s12+s31], $0x2710, $0x38;
	[tilespmem:$0xCF00] =	vst v63  }
0x47: {  	_ = 	snop  }
0x48: {  	[spmem:s2] =	stream.indirect.scatter.add.f32 [tilespmem:s22], [sflag:$0x4], $0x1, s21, s23, $0xb8;
	[tilespmem:$0xCF00] =	vst v63  }
.LBB2_4:
0x49: {  	_ =	swait.ge [sflag:s20], $0x2710  }
0x4a: {  	[sflag:s20] =	ssyncset.done $0x0  }
0x4b: {  	[sflag:s20] =	ssyncadd.s32 $0xFFFFD8F0  }
0x4c: {  	_ =	swait.ge [sflag:s20], $0x2710  }
0x4d: {  	[sflag:s20] =	ssyncset.done $0x0  }
0x4e: {  	[sflag:s20] =	ssyncadd.s32 $0xFFFFD8F0  }
0x4f: {  	_ =	swait.ge [sflag:s26], $0x2710  }
0x50: {  	[sflag:s26] =	ssyncset.done $0x0  }
0x51: {  	s0 =	sadd.s32 s31, s16;
	[sflag:s26] =	ssyncadd.s32 $0xFFFFD8F0  }
0x52: {  	[tilespmem:s21], [sflag:$0x2] =	stream.linear.gather [hbm4b:s0+s3], $0x2710, $0x38;
	[tilespmem:$0xCF00] =	vst v63  }
0x53: {  	s0 =	sadd.s32 s31, s15  }
0x54: {  	[tilespmem:s22], [sflag:$0x2] =	stream.linear.gather [hbm4b:s0+s3], $0x2710, $0x38;
	[tilespmem:$0xCF00] =	vst v63  }
0x55: {  	_ = 	snop  }
0x56: {  	[spmem:s2] =	stream.indirect.scatter.add.f32 [tilespmem:s19], [sflag:$0x3], $0x1, s3, s23, $0xb8;
	[tilespmem:$0xCF00] =	vst v63  }
0x57: {  	p0 =	seq.s32 s31, $0x4E20;
	_ =	swait.ge [sflag:s24], $0x2710  }
.Ltmp3:
0x58: {  	[sflag:s24] =	ssyncset.done $0x0;
	(pc) =	sbr.rel @p0 .LBB2_6-.Ltmp3, $4  }
0x59: {  	[sflag:s24] =	ssyncadd.s32 $0xFFFFD8F0  }
0x5a: {  	_ =	swait.ge [sflag:s24], $0x2710  }
0x5b: {  	[sflag:s24] =	ssyncset.done $0x0  }
0x5c: {  	[sflag:s24] =	ssyncadd.s32 $0xFFFFD8F0  }
0x5d: {  	_ =	swait.ge [sflag:s25], $0x2710  }
0x5e: {  	[sflag:s25] =	ssyncset.done $0x0  }
0x5f: {  	s0 =	sadd.s32 s31, s14;
	[sflag:s25] =	ssyncadd.s32 $0xFFFFD8F0  }
0x60: {  	[tilespmem:s3], [sflag:$0x1] =	stream.linear.gather [hbm4b:s0+s3], $0x2710, $0x38;
	[tilespmem:$0xCF00] =	vst v63  }
.Ltmp4:
0x61: {  	_ = 	snop;
	(pc) =	sbr.rel .LBB2_4-.Ltmp4, $4  }
0x62: {  	s0 =	sadd.s32 s31, s13  }
0x63: {  	[tilespmem:s19], [sflag:$0x1] =	stream.linear.gather [hbm4b:s0+s3], $0x2710, $0x38;
	[tilespmem:$0xCF00] =	vst v63  }
0x64: {  	s31 =	sadd.s32 $0x9C4, s31  }
0x65: {  	[spmem:s2] =	stream.indirect.scatter.add.f32 [tilespmem:s22], [sflag:$0x4], $0x1, s21, s23, $0xb8;
	[tilespmem:$0xCF00] =	vst v63  }
.LBB2_7:
0x66: {  	_ =	sfence.sel $0x180000  }
0x67: {  	[bflag:$0x0] =	sbarrier.arrive $0xFFFF  }
0x68: {  	_ =	strace $0x90000047  }
0x69: {  	[bflag:$0x2] =	sbarrier.arrive $0xFFFF  }
0x6a: {  	p0 =	sne.s32 s1, $0x0;
	s0 =	rddreg [dreg:$0x3]  }
0x6b: {  	s0 =	sadd.s32 @!p0 $0x100000, s0  }
0x6c: {  	[sflag:s0] =	ssyncadd.tile.s32 @!p0 $0x1;
	_ =	shalt  }
.Lfunc_end2:
_tile_overlayer_lowered:
.L_overlay_start_2:
0x6d: {  	(tag) =	ssettag $0x2  }
0x6e: {  	s0 =	rddreg [dreg:$0x0];
	s2 =	stileid.u32  }
0x6f: {  	s1 =	rddreg [dreg:$0x1];
	p0 =	sne.s32 s2, $0x0  }
0x70: {  	s3 =	rddreg [dreg:$0x2];
	[bflag:$0x3] =	sbarrier.arrive $0xFFFF;
	s2 =	simm.s32 @!p0 $0x1C05  }
0x71: {  	[timem:s3], [sflag:s2] =	dma.local @!p0 [hbm:s0], s1  }
0x72: {  	s0 =	simm.s32 @!p0 $0x5  }
0x73: {  	_ =	swait.ge @!p0 [sflag:s0], s1  }
0x74: {  	s1 =	ssub.s32 @!p0 $0x0, s1;
	[sflag:s0] =	ssyncset.done @!p0 $0x0  }
0x75: {  	[sflag:s0] =	ssyncadd.s32 @!p0 s1  }
0x76: {  	[bflag:$0x3] =	sbarrier.arrive $0xFFFF  }
0x77: {  	_ =	shalt  }

</sc_bundles>
